<compile_context>
chip_gen: v7x
topology: tpu7x:2x2x1
jax: 0.10.2.dev20260603
libtpu: 0.0.44.dev20260713+nightly
codegen_flags: <defaults>
</compile_context>

<pallas_src>
import functools

import jax
import jax.numpy as jnp
from jax import lax
from jax.experimental import pallas as pl
from jax.experimental.pallas import tpu as pltpu
from jax.experimental.pallas import tpu_sc as plsc

N0 = 10000
N1 = 10000
NNZ = 320000
D = 128

NC = 2
NS = 16
NW = NC * NS
E_PER_W = NNZ // NW
CHUNK = 80
NCH = E_PER_W // CHUNK
G = 4
M = 8
ZR = 40
NZC = N1 // ZR
WB = 80
NWC = N1 // WB


def _sc_segment_sum(x0, nbidx, vals):
    mesh = plsc.VectorSubcoreMesh(core_axis_name="c", subcore_axis_name="s")

    @functools.partial(
        pl.kernel,
        out_type=jax.ShapeDtypeStruct((NC, N1, D), jnp.float32),
        mesh=mesh,
        compiler_params=pltpu.CompilerParams(needs_layout_passes=False),
        scratch_types=[
            pltpu.VMEM((M, CHUNK), jnp.int32),
            pltpu.VMEM((M, CHUNK), jnp.int32),
            pltpu.VMEM((M, CHUNK), jnp.float32),
            pltpu.VMEM((G, CHUNK, D), jnp.float32),
            pltpu.VMEM_SHARED((N1, D), jnp.float32),
            pltpu.SemaphoreType.DMA((M,)),
            pltpu.SemaphoreType.DMA((G,)),
            pltpu.SemaphoreType.DMA((G,)),
            pltpu.SemaphoreType.DMA,
        ],
    )
    def k(x0_hbm, nbidx_hbm, vals_hbm, out_hbm,
          cidx_v, ridx_v, vals_v, gath_v, agg_sh, msem, gsem, ssem, zsem):
        cid = lax.axis_index("c")
        s = lax.axis_index("s")
        w = s * NC + cid
        ebase = w * E_PER_W

        with jax.named_scope("sc_zero"):
            zvec = jnp.zeros((16,), jnp.float32)

            def zero_buf(i, carry):
                for j in range(D // 16):
                    gath_v[0, i, pl.ds(j * 16, 16)] = zvec
                return carry

            lax.fori_loop(0, ZR, zero_buf, 0)
            zero_v = gath_v.at[0, pl.ds(0, ZR)]

            for k_ in range(15):
                pltpu.async_copy(
                    zero_v, agg_sh.at[pl.ds((k_ * NS + s) * ZR, ZR)], zsem)

            @pl.when(NS * 15 + s < NZC)
            def _():
                pltpu.sync_copy(
                    zero_v, agg_sh.at[pl.ds((NS * 15 + s) * ZR, ZR)])

            for k_ in range(15):
                pltpu.make_async_copy(
                    zero_v, agg_sh.at[pl.ds(0, ZR)], zsem).wait()
            plsc.subcore_barrier()

        def fire_meta(ci, mb):
            off = ebase + ci * CHUNK
            pltpu.async_copy(nbidx_hbm.at[pl.ds(NNZ + off, CHUNK)],
                             cidx_v.at[mb], msem.at[mb])
            pltpu.async_copy(nbidx_hbm.at[pl.ds(off, CHUNK)],
                             ridx_v.at[mb], msem.at[mb])
            pltpu.async_copy(vals_hbm.at[pl.ds(off, CHUNK)],
                             vals_v.at[mb], msem.at[mb])

        def wait_meta(mb):
            pltpu.make_async_copy(nbidx_hbm.at[pl.ds(0, CHUNK)],
                                  cidx_v.at[mb], msem.at[mb]).wait()
            pltpu.make_async_copy(nbidx_hbm.at[pl.ds(0, CHUNK)],
                                  ridx_v.at[mb], msem.at[mb]).wait()
            pltpu.make_async_copy(vals_hbm.at[pl.ds(0, CHUNK)],
                                  vals_v.at[mb], msem.at[mb]).wait()

        def fire_gather(b, mb):
            pltpu.async_copy(x0_hbm.at[cidx_v.at[mb]], gath_v.at[b],
                             gsem.at[b])

        def wait_gather(b):
            pltpu.make_async_copy(x0_hbm.at[pl.ds(0, CHUNK)], gath_v.at[b],
                                  gsem.at[b]).wait()

        def wait_scatter(b):
            pltpu.make_async_copy(gath_v.at[b],
                                  agg_sh.at[pl.ds(0, CHUNK)],
                                  ssem.at[b]).wait()

        scope_main = jax.named_scope("sc_mainloop")
        scope_main.__enter__()
        for k_ in range(6):
            fire_meta(k_, k_)
        wait_meta(0)
        fire_gather(0, 0)
        wait_meta(1)
        fire_gather(1, 1)

        def turn(c, carry):
            b = lax.rem(c, G)
            mb = lax.rem(c, M)
            wait_gather(b)

            gref = gath_v.at[b]
            vref = vals_v.at[mb]

            @plsc.parallel_loop(0, CHUNK, 1, unroll=16)
            def _(e):
                v16 = plsc.load_gather(vref, [jnp.full((16,), e, jnp.int32)])
                for j in range(D // 16):
                    sl = pl.ds(j * 16, 16)
                    gref[e, sl] = gref[e, sl] * v16

            pltpu.async_copy(gref, agg_sh.at[ridx_v.at[mb]], ssem.at[b],
                             add=True)

            @pl.when(c >= 2)
            def _():
                wait_scatter(lax.rem(c + 2, G))

            @pl.when(c + 6 < NCH)
            def _():
                fire_meta(c + 6, lax.rem(c + 6, M))

            @pl.when(c + 2 < NCH)
            def _():
                wait_meta(lax.rem(c + 2, M))
                fire_gather(lax.rem(c + 2, G), lax.rem(c + 2, M))

            return carry

        lax.fori_loop(0, NCH, turn, 0)
        wait_scatter((NCH - 2) % G)
        wait_scatter((NCH - 1) % G)
        plsc.subcore_barrier()
        scope_main.__exit__(None, None, None)

        with jax.named_scope("sc_writeback"):
            def wb_chunk(idx):
                off = idx * WB
                pltpu.sync_copy(agg_sh.at[pl.ds(off, WB)],
                                out_hbm.at[cid, pl.ds(off, WB)])

            for k_ in range(7):
                wb_chunk(k_ * NS + s)

            @pl.when(NS * 7 + s < NWC)
            def _():
                wb_chunk(NS * 7 + s)

    return k(x0, nbidx, vals)


def _tc_body(p0_ref, p1_ref, w_ref, o_ref):
    acc = p0_ref[0] + p1_ref[0]
    y = jnp.dot(acc, w_ref[...], preferred_element_type=jnp.float32)
    o_ref[...] = jnp.where(y > 0, y, jnp.exp(y) - 1.0)


def _tc_finish(partials, W):
    blk = 2000
    grid = N1 // blk
    return pl.pallas_call(
        _tc_body,
        grid=(grid,),
        in_specs=[
            pl.BlockSpec((1, blk, D), lambda i: (0, i, 0)),
            pl.BlockSpec((1, blk, D), lambda i: (1, i, 0)),
            pl.BlockSpec((D, D), lambda i: (0, 0)),
        ],
        out_specs=pl.BlockSpec((blk, D), lambda i: (i, 0)),
        out_shape=jax.ShapeDtypeStruct((N1, D), jnp.float32),
    )(partials, partials, W)


def kernel(x_0, x_1, nb_indices, nb_values, W):
    nbidx = nb_indices.astype(jnp.int32).reshape(2 * NNZ)
    partials = _sc_segment_sum(x_0, nbidx, nb_values)
    return _tc_finish(partials, W)

# --- scband reference (transcript-rebuilt; emitter-appended) ---
"""Pipeline reference for scband-cwndefault-second-conv-27496380629503 (READ-ONLY COPY).

The authoritative reference and input builder live on the scoring server;
editing this copy changes nothing except your own understanding.
"""

import jax, jax.numpy as jnp
import numpy as np

N0 = 10000   # number of (r-1)-cells
N1 = 10000   # number of r-cells
NNZ = 320000 # nonzeros in neighborhood B^T_r
D_IN = 128
D_OUT = 128

def setup_inputs(seed: int = 0) -> dict:
    key = jax.random.key(seed)
    k1, k2, k3, k4, k5 = jax.random.split(key, 5)
    x_0 = jax.random.normal(k1, (N0, D_IN), dtype=jnp.float32)
    x_1 = jax.random.normal(k2, (N1, D_IN), dtype=jnp.float32)
    # COO representation of the sparse neighborhood matrix [N1, N0]:
    # row 0 = destination r-cell indices, row 1 = source (r-1)-cell indices
    nb_indices = jax.random.randint(k3, (2, NNZ), 0, N0, dtype=jnp.int64)
    nb_values = jax.random.uniform(k4, (NNZ,), dtype=jnp.float32)
    # learned parameter of Conv(in_channels_0, out_channels)
    W = jax.random.normal(k5, (D_IN, D_OUT), dtype=jnp.float32) / np.sqrt(D_IN)
    return {"x_0": x_0, "x_1": x_1, "nb_indices": nb_indices, "nb_values": nb_values, "W": W}

def reference(x_0, x_1, nb_indices, nb_values, W):
    # Conv with aggr_norm=False, update_func=None:
    #   out = neighborhood_0_to_1 @ (x_0 @ W)
    msg = x_0 @ W                                   # (N0, D_OUT)
    rows = nb_indices[0]                            # dst r-cells
    cols = nb_indices[1]                            # src (r-1)-cells
    gathered = msg[cols] * nb_values[:, None]       # (NNZ, D_OUT)
    agg = jax.ops.segment_sum(gathered, rows, num_segments=N1)
    # CWNDefaultSecondConv applies F.elu on top of the conv output
    return jax.nn.elu(agg)

if __name__ == "__main__":
    import jax
    _d = setup_inputs()
    print(jax.jit(kernel)(*tuple(_d.values())))

</pallas_src>

<mosaic_0001>
#map = affine_map<(d0, d1) -> (0, 0)>
#map1 = affine_map<(d0, d1) -> (0)>
#map2 = affine_map<(d0, d1) -> (0, 0, 0)>
module attributes {stable_mosaic.version = 14 : i64} {
  func.func @k(%arg0: i32, %arg1: i32, %arg2: memref<10000x128xf32, #tpu.memory_space<hbm>>, %arg3: memref<640000xi32, #tpu.memory_space<hbm>>, %arg4: memref<320000xf32, #tpu.memory_space<hbm>>, %arg5: memref<2x10000x128xf32, #tpu.memory_space<hbm>>, %arg6: memref<8x80xi32, #tpu.memory_space<vmem>>, %arg7: memref<8x80xi32, #tpu.memory_space<vmem>>, %arg8: memref<8x80xf32, #tpu.memory_space<vmem>>, %arg9: memref<4x80x128xf32, #tpu.memory_space<vmem>>, %arg10: memref<10000x128xf32, #tpu.memory_space<vmem_shared>>, %arg11: memref<8x!tpu.dma_semaphore, #tpu.memory_space<semaphore_mem>>, %arg12: memref<4x!tpu.dma_semaphore, #tpu.memory_space<semaphore_mem>>, %arg13: memref<4x!tpu.dma_semaphore, #tpu.memory_space<semaphore_mem>>, %arg14: memref<!tpu.dma_semaphore, #tpu.memory_space<semaphore_mem>>) attributes {dimension_semantics = [#tpu.dimension_semantics<core_parallel>, #tpu.dimension_semantics<subcore_parallel>], iteration_bounds = array<i64: 2, 16>, scalar_prefetch = 0 : i64, scratch_operands = 9 : i64, tpu.core_type = #tpu.core_type<sc_vector_subcore>, window_params = [{transform_indices = #map}, {transform_indices = #map1}, {transform_indices = #map1}, {transform_indices = #map2}]} {
    %mul3A = arith.constant 2 : i32
    %mul3A_0 = arith.muli %arg1, %mul3A : i32
    %add3A = arith.addi %mul3A_0, %arg0 : i32
    %mul3A_1 = arith.constant 10000 : i32
    %mul3A_2 = arith.muli %add3A, %mul3A_1 : i32
    %broadcast_in_dim3A = arith.constant 0.000000e+00 : f32
    "tpu.trace_start"() <{level = 10 : i32, message = "sc_zero"}> : () -> ()
    %broadcast_in_dim3A_3 = vector.broadcast %broadcast_in_dim3A : f32 to vector<16xf32>
    %scan3A = arith.constant 0 : i32
    %scan3A_4 = arith.constant 0 : i32
    %scan3A_5 = arith.constant 40 : i32
    %scan3A_6 = arith.addi %scan3A_4, %scan3A_5 : i32
    %scan3A_7 = arith.constant 1 : i32
    scf.for %scan3A_924 = %scan3A_4 to %scan3A_6 step %scan3A_7  : i32 {
      %swap3A = arith.constant 0 : i32
      %swap3A_925 = arith.index_cast %swap3A : i32 to index
      %swap3A_926 = arith.index_cast %scan3A_924 : i32 to index
      %swap3A_927 = arith.constant 0 : index
      %swap3A_928 = tpu.vector_load %arg9[%swap3A_925, %swap3A_926, %swap3A_927] {strides = array<i32>} : memref<4x80x128xf32, #tpu.memory_space<vmem>>, vector<16xf32>,
      tpu.vector_store %arg9[%swap3A_925, %swap3A_926, %swap3A_927], %broadcast_in_dim3A_3 {strides = array<i32>} : memref<4x80x128xf32, #tpu.memory_space<vmem>>, vector<16xf32>,
      %swap3A_929 = arith.constant 0 : i32
      %swap3A_930 = arith.index_cast %swap3A_929 : i32 to index
      %swap3A_931 = arith.index_cast %scan3A_924 : i32 to index
      %swap3A_932 = arith.constant 16 : index
      %swap3A_933 = tpu.vector_load %arg9[%swap3A_930, %swap3A_931, %swap3A_932] {strides = array<i32>} : memref<4x80x128xf32, #tpu.memory_space<vmem>>, vector<16xf32>,
      tpu.vector_store %arg9[%swap3A_930, %swap3A_931, %swap3A_932], %broadcast_in_dim3A_3 {strides = array<i32>} : memref<4x80x128xf32, #tpu.memory_space<vmem>>, vector<16xf32>,
      %swap3A_934 = arith.constant 0 : i32
      %swap3A_935 = arith.index_cast %swap3A_934 : i32 to index
      %swap3A_936 = arith.index_cast %scan3A_924 : i32 to index
      %swap3A_937 = arith.constant 32 : index
      %swap3A_938 = tpu.vector_load %arg9[%swap3A_935, %swap3A_936, %swap3A_937] {strides = array<i32>} : memref<4x80x128xf32, #tpu.memory_space<vmem>>, vector<16xf32>,
      tpu.vector_store %arg9[%swap3A_935, %swap3A_936, %swap3A_937], %broadcast_in_dim3A_3 {strides = array<i32>} : memref<4x80x128xf32, #tpu.memory_space<vmem>>, vector<16xf32>,
      %swap3A_939 = arith.constant 0 : i32
      %swap3A_940 = arith.index_cast %swap3A_939 : i32 to index
      %swap3A_941 = arith.index_cast %scan3A_924 : i32 to index
      %swap3A_942 = arith.constant 48 : index
      %swap3A_943 = tpu.vector_load %arg9[%swap3A_940, %swap3A_941, %swap3A_942] {strides = array<i32>} : memref<4x80x128xf32, #tpu.memory_space<vmem>>, vector<16xf32>,
      tpu.vector_store %arg9[%swap3A_940, %swap3A_941, %swap3A_942], %broadcast_in_dim3A_3 {strides = array<i32>} : memref<4x80x128xf32, #tpu.memory_space<vmem>>, vector<16xf32>,
      %swap3A_944 = arith.constant 0 : i32
      %swap3A_945 = arith.index_cast %swap3A_944 : i32 to index
      %swap3A_946 = arith.index_cast %scan3A_924 : i32 to index
      %swap3A_947 = arith.constant 64 : index
      %swap3A_948 = tpu.vector_load %arg9[%swap3A_945, %swap3A_946, %swap3A_947] {strides = array<i32>} : memref<4x80x128xf32, #tpu.memory_space<vmem>>, vector<16xf32>,
      tpu.vector_store %arg9[%swap3A_945, %swap3A_946, %swap3A_947], %broadcast_in_dim3A_3 {strides = array<i32>} : memref<4x80x128xf32, #tpu.memory_space<vmem>>, vector<16xf32>,
      %swap3A_949 = arith.constant 0 : i32
      %swap3A_950 = arith.index_cast %swap3A_949 : i32 to index
      %swap3A_951 = arith.index_cast %scan3A_924 : i32 to index
      %swap3A_952 = arith.constant 80 : index
      %swap3A_953 = tpu.vector_load %arg9[%swap3A_950, %swap3A_951, %swap3A_952] {strides = array<i32>} : memref<4x80x128xf32, #tpu.memory_space<vmem>>, vector<16xf32>,
      tpu.vector_store %arg9[%swap3A_950, %swap3A_951, %swap3A_952], %broadcast_in_dim3A_3 {strides = array<i32>} : memref<4x80x128xf32, #tpu.memory_space<vmem>>, vector<16xf32>,
      %swap3A_954 = arith.constant 0 : i32
      %swap3A_955 = arith.index_cast %swap3A_954 : i32 to index
      %swap3A_956 = arith.index_cast %scan3A_924 : i32 to index
      %swap3A_957 = arith.constant 96 : index
      %swap3A_958 = tpu.vector_load %arg9[%swap3A_955, %swap3A_956, %swap3A_957] {strides = array<i32>} : memref<4x80x128xf32, #tpu.memory_space<vmem>>, vector<16xf32>,
      tpu.vector_store %arg9[%swap3A_955, %swap3A_956, %swap3A_957], %broadcast_in_dim3A_3 {strides = array<i32>} : memref<4x80x128xf32, #tpu.memory_space<vmem>>, vector<16xf32>,
      %swap3A_959 = arith.constant 0 : i32
      %swap3A_960 = arith.index_cast %swap3A_959 : i32 to index
      %swap3A_961 = arith.index_cast %scan3A_924 : i32 to index
      %swap3A_962 = arith.constant 112 : index
      %swap3A_963 = tpu.vector_load %arg9[%swap3A_960, %swap3A_961, %swap3A_962] {strides = array<i32>} : memref<4x80x128xf32, #tpu.memory_space<vmem>>, vector<16xf32>,
      tpu.vector_store %arg9[%swap3A_960, %swap3A_961, %swap3A_962], %broadcast_in_dim3A_3 {strides = array<i32>} : memref<4x80x128xf32, #tpu.memory_space<vmem>>, vector<16xf32>,
    }
    %scan3A_8 = arith.constant 40 : i32
    %add3A_9 = arith.constant 0 : i32
    %add3A_10 = arith.addi %add3A_9, %arg1 : i32
    %mul3A_11 = arith.constant 40 : i32
    %mul3A_12 = arith.muli %add3A_10, %mul3A_11 : i32
    %dma_start3A = arith.constant 0 : i32
    %dma_start3A_13 = arith.constant 0 : i32
    %dma_start3A_14 = arith.constant 0 : i32
    %dma_start3A_15 = tpu.memref_slice %arg9[%dma_start3A, %dma_start3A_13, %dma_start3A_14] : memref<4x80x128xf32, #tpu.memory_space<vmem>> -> memref<1x40x128xf32, #tpu.memory_space<vmem>>
    %dma_start3A_16 = tpu.memref_squeeze %dma_start3A_15 : memref<1x40x128xf32, #tpu.memory_space<vmem>> -> memref<40x128xf32, #tpu.memory_space<vmem>>
    %dma_start3A_17 = arith.constant 0 : i32
    %dma_start3A_18 = tpu.memref_slice %arg10[%mul3A_12, %dma_start3A_17] : memref<10000x128xf32, #tpu.memory_space<vmem_shared>> -> memref<40x128xf32, #tpu.memory_space<vmem_shared>>
    %dma_start3A_19 = arith.constant 0 : i32
    %dma_start3A_20 = tpu.memref_slice %arg10[%mul3A_12, %dma_start3A_19] : memref<10000x128xf32, #tpu.memory_space<vmem_shared>> -> memref<40x128xf32, #tpu.memory_space<vmem_shared>>
    %dma_start3A_21 = arith.constant 0 : i32
    %dma_start3A_22 = arith.constant 0 : i32
    %dma_start3A_23 = tpu.memref_slice %arg9[%dma_start3A, %dma_start3A_21, %dma_start3A_22] : memref<4x80x128xf32, #tpu.memory_space<vmem>> -> memref<1x40x128xf32, #tpu.memory_space<vmem>>
    %dma_start3A_24 = tpu.memref_squeeze %dma_start3A_23 : memref<1x40x128xf32, #tpu.memory_space<vmem>> -> memref<40x128xf32, #tpu.memory_space<vmem>>
    tpu.enqueue_dma source(%dma_start3A_24 : memref<40x128xf32, #tpu.memory_space<vmem>>) target(%dma_start3A_20 : memref<40x128xf32, #tpu.memory_space<vmem_shared>>) target_semaphore(%arg14 : memref<!tpu.dma_semaphore, #tpu.memory_space<semaphore_mem>>)
    %add3A_25 = arith.constant 16 : i32
    %add3A_26 = arith.addi %add3A_25, %arg1 : i32
    %mul3A_27 = arith.constant 40 : i32
    %mul3A_28 = arith.muli %add3A_26, %mul3A_27 : i32
    %dma_start3A_29 = arith.constant 0 : i32
    %dma_start3A_30 = arith.constant 0 : i32
    %dma_start3A_31 = arith.constant 0 : i32
    %dma_start3A_32 = tpu.memref_slice %arg9[%dma_start3A_29, %dma_start3A_30, %dma_start3A_31] : memref<4x80x128xf32, #tpu.memory_space<vmem>> -> memref<1x40x128xf32, #tpu.memory_space<vmem>>
    %dma_start3A_33 = tpu.memref_squeeze %dma_start3A_32 : memref<1x40x128xf32, #tpu.memory_space<vmem>> -> memref<40x128xf32, #tpu.memory_space<vmem>>
    %dma_start3A_34 = arith.constant 0 : i32
    %dma_start3A_35 = tpu.memref_slice %arg10[%mul3A_28, %dma_start3A_34] : memref<10000x128xf32, #tpu.memory_space<vmem_shared>> -> memref<40x128xf32, #tpu.memory_space<vmem_shared>>
    %dma_start3A_36 = arith.constant 0 : i32
    %dma_start3A_37 = tpu.memref_slice %arg10[%mul3A_28, %dma_start3A_36] : memref<10000x128xf32, #tpu.memory_space<vmem_shared>> -> memref<40x128xf32, #tpu.memory_space<vmem_shared>>
    %dma_start3A_38 = arith.constant 0 : i32
    %dma_start3A_39 = arith.constant 0 : i32
    %dma_start3A_40 = tpu.memref_slice %arg9[%dma_start3A_29, %dma_start3A_38, %dma_start3A_39] : memref<4x80x128xf32, #tpu.memory_space<vmem>> -> memref<1x40x128xf32, #tpu.memory_space<vmem>>
    %dma_start3A_41 = tpu.memref_squeeze %dma_start3A_40 : memref<1x40x128xf32, #tpu.memory_space<vmem>> -> memref<40x128xf32, #tpu.memory_space<vmem>>
    tpu.enqueue_dma source(%dma_start3A_41 : memref<40x128xf32, #tpu.memory_space<vmem>>) target(%dma_start3A_37 : memref<40x128xf32, #tpu.memory_space<vmem_shared>>) target_semaphore(%arg14 : memref<!tpu.dma_semaphore, #tpu.memory_space<semaphore_mem>>)
    %add3A_42 = arith.constant 32 : i32
    %add3A_43 = arith.addi %add3A_42, %arg1 : i32
    %mul3A_44 = arith.constant 40 : i32
    %mul3A_45 = arith.muli %add3A_43, %mul3A_44 : i32
    %dma_start3A_46 = arith.constant 0 : i32
    %dma_start3A_47 = arith.constant 0 : i32
    %dma_start3A_48 = arith.constant 0 : i32
    %dma_start3A_49 = tpu.memref_slice %arg9[%dma_start3A_46, %dma_start3A_47, %dma_start3A_48] : memref<4x80x128xf32, #tpu.memory_space<vmem>> -> memref<1x40x128xf32, #tpu.memory_space<vmem>>
    %dma_start3A_50 = tpu.memref_squeeze %dma_start3A_49 : memref<1x40x128xf32, #tpu.memory_space<vmem>> -> memref<40x128xf32, #tpu.memory_space<vmem>>
    %dma_start3A_51 = arith.constant 0 : i32
    %dma_start3A_52 = tpu.memref_slice %arg10[%mul3A_45, %dma_start3A_51] : memref<10000x128xf32, #tpu.memory_space<vmem_shared>> -> memref<40x128xf32, #tpu.memory_space<vmem_shared>>
    %dma_start3A_53 = arith.constant 0 : i32
    %dma_start3A_54 = tpu.memref_slice %arg10[%mul3A_45, %dma_start3A_53] : memref<10000x128xf32, #tpu.memory_space<vmem_shared>> -> memref<40x128xf32, #tpu.memory_space<vmem_shared>>
    %dma_start3A_55 = arith.constant 0 : i32
    %dma_start3A_56 = arith.constant 0 : i32
    %dma_start3A_57 = tpu.memref_slice %arg9[%dma_start3A_46, %dma_start3A_55, %dma_start3A_56] : memref<4x80x128xf32, #tpu.memory_space<vmem>> -> memref<1x40x128xf32, #tpu.memory_space<vmem>>
    %dma_start3A_58 = tpu.memref_squeeze %dma_start3A_57 : memref<1x40x128xf32, #tpu.memory_space<vmem>> -> memref<40x128xf32, #tpu.memory_space<vmem>>
    tpu.enqueue_dma source(%dma_start3A_58 : memref<40x128xf32, #tpu.memory_space<vmem>>) target(%dma_start3A_54 : memref<40x128xf32, #tpu.memory_space<vmem_shared>>) target_semaphore(%arg14 : memref<!tpu.dma_semaphore, #tpu.memory_space<semaphore_mem>>)
    %add3A_59 = arith.constant 48 : i32
    %add3A_60 = arith.addi %add3A_59, %arg1 : i32
    %mul3A_61 = arith.constant 40 : i32
    %mul3A_62 = arith.muli %add3A_60, %mul3A_61 : i32
    %dma_start3A_63 = arith.constant 0 : i32
    %dma_start3A_64 = arith.constant 0 : i32
    %dma_start3A_65 = arith.constant 0 : i32
    %dma_start3A_66 = tpu.memref_slice %arg9[%dma_start3A_63, %dma_start3A_64, %dma_start3A_65] : memref<4x80x128xf32, #tpu.memory_space<vmem>> -> memref<1x40x128xf32, #tpu.memory_space<vmem>>
    %dma_start3A_67 = tpu.memref_squeeze %dma_start3A_66 : memref<1x40x128xf32, #tpu.memory_space<vmem>> -> memref<40x128xf32, #tpu.memory_space<vmem>>
    %dma_start3A_68 = arith.constant 0 : i32
    %dma_start3A_69 = tpu.memref_slice %arg10[%mul3A_62, %dma_start3A_68] : memref<10000x128xf32, #tpu.memory_space<vmem_shared>> -> memref<40x128xf32, #tpu.memory_space<vmem_shared>>
    %dma_start3A_70 = arith.constant 0 : i32
    %dma_start3A_71 = tpu.memref_slice %arg10[%mul3A_62, %dma_start3A_70] : memref<10000x128xf32, #tpu.memory_space<vmem_shared>> -> memref<40x128xf32, #tpu.memory_space<vmem_shared>>
    %dma_start3A_72 = arith.constant 0 : i32
    %dma_start3A_73 = arith.constant 0 : i32
    %dma_start3A_74 = tpu.memref_slice %arg9[%dma_start3A_63, %dma_start3A_72, %dma_start3A_73] : memref<4x80x128xf32, #tpu.memory_space<vmem>> -> memref<1x40x128xf32, #tpu.memory_space<vmem>>
    %dma_start3A_75 = tpu.memref_squeeze %dma_start3A_74 : memref<1x40x128xf32, #tpu.memory_space<vmem>> -> memref<40x128xf32, #tpu.memory_space<vmem>>
    tpu.enqueue_dma source(%dma_start3A_75 : memref<40x128xf32, #tpu.memory_space<vmem>>) target(%dma_start3A_71 : memref<40x128xf32, #tpu.memory_space<vmem_shared>>) target_semaphore(%arg14 : memref<!tpu.dma_semaphore, #tpu.memory_space<semaphore_mem>>)
    %add3A_76 = arith.constant 64 : i32
    %add3A_77 = arith.addi %add3A_76, %arg1 : i32
    %mul3A_78 = arith.constant 40 : i32
    %mul3A_79 = arith.muli %add3A_77, %mul3A_78 : i32
    %dma_start3A_80 = arith.constant 0 : i32
    %dma_start3A_81 = arith.constant 0 : i32
    %dma_start3A_82 = arith.constant 0 : i32
    %dma_start3A_83 = tpu.memref_slice %arg9[%dma_start3A_80, %dma_start3A_81, %dma_start3A_82] : memref<4x80x128xf32, #tpu.memory_space<vmem>> -> memref<1x40x128xf32, #tpu.memory_space<vmem>>
    %dma_start3A_84 = tpu.memref_squeeze %dma_start3A_83 : memref<1x40x128xf32, #tpu.memory_space<vmem>> -> memref<40x128xf32, #tpu.memory_space<vmem>>
    %dma_start3A_85 = arith.constant 0 : i32
    %dma_start3A_86 = tpu.memref_slice %arg10[%mul3A_79, %dma_start3A_85] : memref<10000x128xf32, #tpu.memory_space<vmem_shared>> -> memref<40x128xf32, #tpu.memory_space<vmem_shared>>
    %dma_start3A_87 = arith.constant 0 : i32
    %dma_start3A_88 = tpu.memref_slice %arg10[%mul3A_79, %dma_start3A_87] : memref<10000x128xf32, #tpu.memory_space<vmem_shared>> -> memref<40x128xf32, #tpu.memory_space<vmem_shared>>
    %dma_start3A_89 = arith.constant 0 : i32
    %dma_start3A_90 = arith.constant 0 : i32
    %dma_start3A_91 = tpu.memref_slice %arg9[%dma_start3A_80, %dma_start3A_89, %dma_start3A_90] : memref<4x80x128xf32, #tpu.memory_space<vmem>> -> memref<1x40x128xf32, #tpu.memory_space<vmem>>
    %dma_start3A_92 = tpu.memref_squeeze %dma_start3A_91 : memref<1x40x128xf32, #tpu.memory_space<vmem>> -> memref<40x128xf32, #tpu.memory_space<vmem>>
    tpu.enqueue_dma source(%dma_start3A_92 : memref<40x128xf32, #tpu.memory_space<vmem>>) target(%dma_start3A_88 : memref<40x128xf32, #tpu.memory_space<vmem_shared>>) target_semaphore(%arg14 : memref<!tpu.dma_semaphore, #tpu.memory_space<semaphore_mem>>)
    %add3A_93 = arith.constant 80 : i32
    %add3A_94 = arith.addi %add3A_93, %arg1 : i32
    %mul3A_95 = arith.constant 40 : i32
    %mul3A_96 = arith.muli %add3A_94, %mul3A_95 : i32
    %dma_start3A_97 = arith.constant 0 : i32
    %dma_start3A_98 = arith.constant 0 : i32
    %dma_start3A_99 = arith.constant 0 : i32
    %dma_start3A_100 = tpu.memref_slice %arg9[%dma_start3A_97, %dma_start3A_98, %dma_start3A_99] : memref<4x80x128xf32, #tpu.memory_space<vmem>> -> memref<1x40x128xf32, #tpu.memory_space<vmem>>
    %dma_start3A_101 = tpu.memref_squeeze %dma_start3A_100 : memref<1x40x128xf32, #tpu.memory_space<vmem>> -> memref<40x128xf32, #tpu.memory_space<vmem>>
    %dma_start3A_102 = arith.constant 0 : i32
    %dma_start3A_103 = tpu.memref_slice %arg10[%mul3A_96, %dma_start3A_102] : memref<10000x128xf32, #tpu.memory_space<vmem_shared>> -> memref<40x128xf32, #tpu.memory_space<vmem_shared>>
    %dma_start3A_104 = arith.constant 0 : i32
    %dma_start3A_105 = tpu.memref_slice %arg10[%mul3A_96, %dma_start3A_104] : memref<10000x128xf32, #tpu.memory_space<vmem_shared>> -> memref<40x128xf32, #tpu.memory_space<vmem_shared>>
    %dma_start3A_106 = arith.constant 0 : i32
    %dma_start3A_107 = arith.constant 0 : i32
    %dma_start3A_108 = tpu.memref_slice %arg9[%dma_start3A_97, %dma_start3A_106, %dma_start3A_107] : memref<4x80x128xf32, #tpu.memory_space<vmem>> -> memref<1x40x128xf32, #tpu.memory_space<vmem>>
    %dma_start3A_109 = tpu.memref_squeeze %dma_start3A_108 : memref<1x40x128xf32, #tpu.memory_space<vmem>> -> memref<40x128xf32, #tpu.memory_space<vmem>>
    tpu.enqueue_dma source(%dma_start3A_109 : memref<40x128xf32, #tpu.memory_space<vmem>>) target(%dma_start3A_105 : memref<40x128xf32, #tpu.memory_space<vmem_shared>>) target_semaphore(%arg14 : memref<!tpu.dma_semaphore, #tpu.memory_space<semaphore_mem>>)
    %add3A_110 = arith.constant 96 : i32
    %add3A_111 = arith.addi %add3A_110, %arg1 : i32
    %mul3A_112 = arith.constant 40 : i32
    %mul3A_113 = arith.muli %add3A_111, %mul3A_112 : i32
    %dma_start3A_114 = arith.constant 0 : i32
    %dma_start3A_115 = arith.constant 0 : i32
    %dma_start3A_116 = arith.constant 0 : i32
    %dma_start3A_117 = tpu.memref_slice %arg9[%dma_start3A_114, %dma_start3A_115, %dma_start3A_116] : memref<4x80x128xf32, #tpu.memory_space<vmem>> -> memref<1x40x128xf32, #tpu.memory_space<vmem>>
    %dma_start3A_118 = tpu.memref_squeeze %dma_start3A_117 : memref<1x40x128xf32, #tpu.memory_space<vmem>> -> memref<40x128xf32, #tpu.memory_space<vmem>>
    %dma_start3A_119 = arith.constant 0 : i32
    %dma_start3A_120 = tpu.memref_slice %arg10[%mul3A_113, %dma_start3A_119] : memref<10000x128xf32, #tpu.memory_space<vmem_shared>> -> memref<40x128xf32, #tpu.memory_space<vmem_shared>>
    %dma_start3A_121 = arith.constant 0 : i32
    %dma_start3A_122 = tpu.memref_slice %arg10[%mul3A_113, %dma_start3A_121] : memref<10000x128xf32, #tpu.memory_space<vmem_shared>> -> memref<40x128xf32, #tpu.memory_space<vmem_shared>>
    %dma_start3A_123 = arith.constant 0 : i32
    %dma_start3A_124 = arith.constant 0 : i32
    %dma_start3A_125 = tpu.memref_slice %arg9[%dma_start3A_114, %dma_start3A_123, %dma_start3A_124] : memref<4x80x128xf32, #tpu.memory_space<vmem>> -> memref<1x40x128xf32, #tpu.memory_space<vmem>>
    %dma_start3A_126 = tpu.memref_squeeze %dma_start3A_125 : memref<1x40x128xf32, #tpu.memory_space<vmem>> -> memref<40x128xf32, #tpu.memory_space<vmem>>
    tpu.enqueue_dma source(%dma_start3A_126 : memref<40x128xf32, #tpu.memory_space<vmem>>) target(%dma_start3A_122 : memref<40x128xf32, #tpu.memory_space<vmem_shared>>) target_semaphore(%arg14 : memref<!tpu.dma_semaphore, #tpu.memory_space<semaphore_mem>>)
    %add3A_127 = arith.constant 112 : i32
    %add3A_128 = arith.addi %add3A_127, %arg1 : i32
    %mul3A_129 = arith.constant 40 : i32
    %mul3A_130 = arith.muli %add3A_128, %mul3A_129 : i32
    %dma_start3A_131 = arith.constant 0 : i32
    %dma_start3A_132 = arith.constant 0 : i32
    %dma_start3A_133 = arith.constant 0 : i32
    %dma_start3A_134 = tpu.memref_slice %arg9[%dma_start3A_131, %dma_start3A_132, %dma_start3A_133] : memref<4x80x128xf32, #tpu.memory_space<vmem>> -> memref<1x40x128xf32, #tpu.memory_space<vmem>>
    %dma_start3A_135 = tpu.memref_squeeze %dma_start3A_134 : memref<1x40x128xf32, #tpu.memory_space<vmem>> -> memref<40x128xf32, #tpu.memory_space<vmem>>
    %dma_start3A_136 = arith.constant 0 : i32
    %dma_start3A_137 = tpu.memref_slice %arg10[%mul3A_130, %dma_start3A_136] : memref<10000x128xf32, #tpu.memory_space<vmem_shared>> -> memref<40x128xf32, #tpu.memory_space<vmem_shared>>
    %dma_start3A_138 = arith.constant 0 : i32
    %dma_start3A_139 = tpu.memref_slice %arg10[%mul3A_130, %dma_start3A_138] : memref<10000x128xf32, #tpu.memory_space<vmem_shared>> -> memref<40x128xf32, #tpu.memory_space<vmem_shared>>
    %dma_start3A_140 = arith.constant 0 : i32
    %dma_start3A_141 = arith.constant 0 : i32
    %dma_start3A_142 = tpu.memref_slice %arg9[%dma_start3A_131, %dma_start3A_140, %dma_start3A_141] : memref<4x80x128xf32, #tpu.memory_space<vmem>> -> memref<1x40x128xf32, #tpu.memory_space<vmem>>
    %dma_start3A_143 = tpu.memref_squeeze %dma_start3A_142 : memref<1x40x128xf32, #tpu.memory_space<vmem>> -> memref<40x128xf32, #tpu.memory_space<vmem>>
    tpu.enqueue_dma source(%dma_start3A_143 : memref<40x128xf32, #tpu.memory_space<vmem>>) target(%dma_start3A_139 : memref<40x128xf32, #tpu.memory_space<vmem_shared>>) target_semaphore(%arg14 : memref<!tpu.dma_semaphore, #tpu.memory_space<semaphore_mem>>)
    %add3A_144 = arith.constant 128 : i32
    %add3A_145 = arith.addi %add3A_144, %arg1 : i32
    %mul3A_146 = arith.constant 40 : i32
    %mul3A_147 = arith.muli %add3A_145, %mul3A_146 : i32
    %dma_start3A_148 = arith.constant 0 : i32
    %dma_start3A_149 = arith.constant 0 : i32
    %dma_start3A_150 = arith.constant 0 : i32
    %dma_start3A_151 = tpu.memref_slice %arg9[%dma_start3A_148, %dma_start3A_149, %dma_start3A_150] : memref<4x80x128xf32, #tpu.memory_space<vmem>> -> memref<1x40x128xf32, #tpu.memory_space<vmem>>
    %dma_start3A_152 = tpu.memref_squeeze %dma_start3A_151 : memref<1x40x128xf32, #tpu.memory_space<vmem>> -> memref<40x128xf32, #tpu.memory_space<vmem>>
    %dma_start3A_153 = arith.constant 0 : i32
    %dma_start3A_154 = tpu.memref_slice %arg10[%mul3A_147, %dma_start3A_153] : memref<10000x128xf32, #tpu.memory_space<vmem_shared>> -> memref<40x128xf32, #tpu.memory_space<vmem_shared>>
    %dma_start3A_155 = arith.constant 0 : i32
    %dma_start3A_156 = tpu.memref_slice %arg10[%mul3A_147, %dma_start3A_155] : memref<10000x128xf32, #tpu.memory_space<vmem_shared>> -> memref<40x128xf32, #tpu.memory_space<vmem_shared>>
    %dma_start3A_157 = arith.constant 0 : i32
    %dma_start3A_158 = arith.constant 0 : i32
    %dma_start3A_159 = tpu.memref_slice %arg9[%dma_start3A_148, %dma_start3A_157, %dma_start3A_158] : memref<4x80x128xf32, #tpu.memory_space<vmem>> -> memref<1x40x128xf32, #tpu.memory_space<vmem>>
    %dma_start3A_160 = tpu.memref_squeeze %dma_start3A_159 : memref<1x40x128xf32, #tpu.memory_space<vmem>> -> memref<40x128xf32, #tpu.memory_space<vmem>>
    tpu.enqueue_dma source(%dma_start3A_160 : memref<40x128xf32, #tpu.memory_space<vmem>>) target(%dma_start3A_156 : memref<40x128xf32, #tpu.memory_space<vmem_shared>>) target_semaphore(%arg14 : memref<!tpu.dma_semaphore, #tpu.memory_space<semaphore_mem>>)
    %add3A_161 = arith.constant 144 : i32
    %add3A_162 = arith.addi %add3A_161, %arg1 : i32
    %mul3A_163 = arith.constant 40 : i32
    %mul3A_164 = arith.muli %add3A_162, %mul3A_163 : i32
    %dma_start3A_165 = arith.constant 0 : i32
    %dma_start3A_166 = arith.constant 0 : i32
    %dma_start3A_167 = arith.constant 0 : i32
    %dma_start3A_168 = tpu.memref_slice %arg9[%dma_start3A_165, %dma_start3A_166, %dma_start3A_167] : memref<4x80x128xf32, #tpu.memory_space<vmem>> -> memref<1x40x128xf32, #tpu.memory_space<vmem>>
    %dma_start3A_169 = tpu.memref_squeeze %dma_start3A_168 : memref<1x40x128xf32, #tpu.memory_space<vmem>> -> memref<40x128xf32, #tpu.memory_space<vmem>>
    %dma_start3A_170 = arith.constant 0 : i32
    %dma_start3A_171 = tpu.memref_slice %arg10[%mul3A_164, %dma_start3A_170] : memref<10000x128xf32, #tpu.memory_space<vmem_shared>> -> memref<40x128xf32, #tpu.memory_space<vmem_shared>>
    %dma_start3A_172 = arith.constant 0 : i32
    %dma_start3A_173 = tpu.memref_slice %arg10[%mul3A_164, %dma_start3A_172] : memref<10000x128xf32, #tpu.memory_space<vmem_shared>> -> memref<40x128xf32, #tpu.memory_space<vmem_shared>>
    %dma_start3A_174 = arith.constant 0 : i32
    %dma_start3A_175 = arith.constant 0 : i32
    %dma_start3A_176 = tpu.memref_slice %arg9[%dma_start3A_165, %dma_start3A_174, %dma_start3A_175] : memref<4x80x128xf32, #tpu.memory_space<vmem>> -> memref<1x40x128xf32, #tpu.memory_space<vmem>>
    %dma_start3A_177 = tpu.memref_squeeze %dma_start3A_176 : memref<1x40x128xf32, #tpu.memory_space<vmem>> -> memref<40x128xf32, #tpu.memory_space<vmem>>
    tpu.enqueue_dma source(%dma_start3A_177 : memref<40x128xf32, #tpu.memory_space<vmem>>) target(%dma_start3A_173 : memref<40x128xf32, #tpu.memory_space<vmem_shared>>) target_semaphore(%arg14 : memref<!tpu.dma_semaphore, #tpu.memory_space<semaphore_mem>>)
    %add3A_178 = arith.constant 160 : i32
    %add3A_179 = arith.addi %add3A_178, %arg1 : i32
    %mul3A_180 = arith.constant 40 : i32
    %mul3A_181 = arith.muli %add3A_179, %mul3A_180 : i32
    %dma_start3A_182 = arith.constant 0 : i32
    %dma_start3A_183 = arith.constant 0 : i32
    %dma_start3A_184 = arith.constant 0 : i32
    %dma_start3A_185 = tpu.memref_slice %arg9[%dma_start3A_182, %dma_start3A_183, %dma_start3A_184] : memref<4x80x128xf32, #tpu.memory_space<vmem>> -> memref<1x40x128xf32, #tpu.memory_space<vmem>>
    %dma_start3A_186 = tpu.memref_squeeze %dma_start3A_185 : memref<1x40x128xf32, #tpu.memory_space<vmem>> -> memref<40x128xf32, #tpu.memory_space<vmem>>
    %dma_start3A_187 = arith.constant 0 : i32
    %dma_start3A_188 = tpu.memref_slice %arg10[%mul3A_181, %dma_start3A_187] : memref<10000x128xf32, #tpu.memory_space<vmem_shared>> -> memref<40x128xf32, #tpu.memory_space<vmem_shared>>
    %dma_start3A_189 = arith.constant 0 : i32
    %dma_start3A_190 = tpu.memref_slice %arg10[%mul3A_181, %dma_start3A_189] : memref<10000x128xf32, #tpu.memory_space<vmem_shared>> -> memref<40x128xf32, #tpu.memory_space<vmem_shared>>
    %dma_start3A_191 = arith.constant 0 : i32
    %dma_start3A_192 = arith.constant 0 : i32
    %dma_start3A_193 = tpu.memref_slice %arg9[%dma_start3A_182, %dma_start3A_191, %dma_start3A_192] : memref<4x80x128xf32, #tpu.memory_space<vmem>> -> memref<1x40x128xf32, #tpu.memory_space<vmem>>
    %dma_start3A_194 = tpu.memref_squeeze %dma_start3A_193 : memref<1x40x128xf32, #tpu.memory_space<vmem>> -> memref<40x128xf32, #tpu.memory_space<vmem>>
    tpu.enqueue_dma source(%dma_start3A_194 : memref<40x128xf32, #tpu.memory_space<vmem>>) target(%dma_start3A_190 : memref<40x128xf32, #tpu.memory_space<vmem_shared>>) target_semaphore(%arg14 : memref<!tpu.dma_semaphore, #tpu.memory_space<semaphore_mem>>)
    %add3A_195 = arith.constant 176 : i32
    %add3A_196 = arith.addi %add3A_195, %arg1 : i32
    %mul3A_197 = arith.constant 40 : i32
    %mul3A_198 = arith.muli %add3A_196, %mul3A_197 : i32
    %dma_start3A_199 = arith.constant 0 : i32
    %dma_start3A_200 = arith.constant 0 : i32
    %dma_start3A_201 = arith.constant 0 : i32
    %dma_start3A_202 = tpu.memref_slice %arg9[%dma_start3A_199, %dma_start3A_200, %dma_start3A_201] : memref<4x80x128xf32, #tpu.memory_space<vmem>> -> memref<1x40x128xf32, #tpu.memory_space<vmem>>
    %dma_start3A_203 = tpu.memref_squeeze %dma_start3A_202 : memref<1x40x128xf32, #tpu.memory_space<vmem>> -> memref<40x128xf32, #tpu.memory_space<vmem>>
    %dma_start3A_204 = arith.constant 0 : i32
    %dma_start3A_205 = tpu.memref_slice %arg10[%mul3A_198, %dma_start3A_204] : memref<10000x128xf32, #tpu.memory_space<vmem_shared>> -> memref<40x128xf32, #tpu.memory_space<vmem_shared>>
    %dma_start3A_206 = arith.constant 0 : i32
    %dma_start3A_207 = tpu.memref_slice %arg10[%mul3A_198, %dma_start3A_206] : memref<10000x128xf32, #tpu.memory_space<vmem_shared>> -> memref<40x128xf32, #tpu.memory_space<vmem_shared>>
    %dma_start3A_208 = arith.constant 0 : i32
    %dma_start3A_209 = arith.constant 0 : i32
    %dma_start3A_210 = tpu.memref_slice %arg9[%dma_start3A_199, %dma_start3A_208, %dma_start3A_209] : memref<4x80x128xf32, #tpu.memory_space<vmem>> -> memref<1x40x128xf32, #tpu.memory_space<vmem>>
    %dma_start3A_211 = tpu.memref_squeeze %dma_start3A_210 : memref<1x40x128xf32, #tpu.memory_space<vmem>> -> memref<40x128xf32, #tpu.memory_space<vmem>>
    tpu.enqueue_dma source(%dma_start3A_211 : memref<40x128xf32, #tpu.memory_space<vmem>>) target(%dma_start3A_207 : memref<40x128xf32, #tpu.memory_space<vmem_shared>>) target_semaphore(%arg14 : memref<!tpu.dma_semaphore, #tpu.memory_space<semaphore_mem>>)
    %add3A_212 = arith.constant 192 : i32
    %add3A_213 = arith.addi %add3A_212, %arg1 : i32
    %mul3A_214 = arith.constant 40 : i32
    %mul3A_215 = arith.muli %add3A_213, %mul3A_214 : i32
    %dma_start3A_216 = arith.constant 0 : i32
    %dma_start3A_217 = arith.constant 0 : i32
    %dma_start3A_218 = arith.constant 0 : i32
    %dma_start3A_219 = tpu.memref_slice %arg9[%dma_start3A_216, %dma_start3A_217, %dma_start3A_218] : memref<4x80x128xf32, #tpu.memory_space<vmem>> -> memref<1x40x128xf32, #tpu.memory_space<vmem>>
    %dma_start3A_220 = tpu.memref_squeeze %dma_start3A_219 : memref<1x40x128xf32, #tpu.memory_space<vmem>> -> memref<40x128xf32, #tpu.memory_space<vmem>>
    %dma_start3A_221 = arith.constant 0 : i32
    %dma_start3A_222 = tpu.memref_slice %arg10[%mul3A_215, %dma_start3A_221] : memref<10000x128xf32, #tpu.memory_space<vmem_shared>> -> memref<40x128xf32, #tpu.memory_space<vmem_shared>>
    %dma_start3A_223 = arith.constant 0 : i32
    %dma_start3A_224 = tpu.memref_slice %arg10[%mul3A_215, %dma_start3A_223] : memref<10000x128xf32, #tpu.memory_space<vmem_shared>> -> memref<40x128xf32, #tpu.memory_space<vmem_shared>>
    %dma_start3A_225 = arith.constant 0 : i32
    %dma_start3A_226 = arith.constant 0 : i32
    %dma_start3A_227 = tpu.memref_slice %arg9[%dma_start3A_216, %dma_start3A_225, %dma_start3A_226] : memref<4x80x128xf32, #tpu.memory_space<vmem>> -> memref<1x40x128xf32, #tpu.memory_space<vmem>>
    %dma_start3A_228 = tpu.memref_squeeze %dma_start3A_227 : memref<1x40x128xf32, #tpu.memory_space<vmem>> -> memref<40x128xf32, #tpu.memory_space<vmem>>
    tpu.enqueue_dma source(%dma_start3A_228 : memref<40x128xf32, #tpu.memory_space<vmem>>) target(%dma_start3A_224 : memref<40x128xf32, #tpu.memory_space<vmem_shared>>) target_semaphore(%arg14 : memref<!tpu.dma_semaphore, #tpu.memory_space<semaphore_mem>>)
    %add3A_229 = arith.constant 208 : i32
    %add3A_230 = arith.addi %add3A_229, %arg1 : i32
    %mul3A_231 = arith.constant 40 : i32
    %mul3A_232 = arith.muli %add3A_230, %mul3A_231 : i32
    %dma_start3A_233 = arith.constant 0 : i32
    %dma_start3A_234 = arith.constant 0 : i32
    %dma_start3A_235 = arith.constant 0 : i32
    %dma_start3A_236 = tpu.memref_slice %arg9[%dma_start3A_233, %dma_start3A_234, %dma_start3A_235] : memref<4x80x128xf32, #tpu.memory_space<vmem>> -> memref<1x40x128xf32, #tpu.memory_space<vmem>>
    %dma_start3A_237 = tpu.memref_squeeze %dma_start3A_236 : memref<1x40x128xf32, #tpu.memory_space<vmem>> -> memref<40x128xf32, #tpu.memory_space<vmem>>
    %dma_start3A_238 = arith.constant 0 : i32
    %dma_start3A_239 = tpu.memref_slice %arg10[%mul3A_232, %dma_start3A_238] : memref<10000x128xf32, #tpu.memory_space<vmem_shared>> -> memref<40x128xf32, #tpu.memory_space<vmem_shared>>
    %dma_start3A_240 = arith.constant 0 : i32
    %dma_start3A_241 = tpu.memref_slice %arg10[%mul3A_232, %dma_start3A_240] : memref<10000x128xf32, #tpu.memory_space<vmem_shared>> -> memref<40x128xf32, #tpu.memory_space<vmem_shared>>
    %dma_start3A_242 = arith.constant 0 : i32
    %dma_start3A_243 = arith.constant 0 : i32
    %dma_start3A_244 = tpu.memref_slice %arg9[%dma_start3A_233, %dma_start3A_242, %dma_start3A_243] : memref<4x80x128xf32, #tpu.memory_space<vmem>> -> memref<1x40x128xf32, #tpu.memory_space<vmem>>
    %dma_start3A_245 = tpu.memref_squeeze %dma_start3A_244 : memref<1x40x128xf32, #tpu.memory_space<vmem>> -> memref<40x128xf32, #tpu.memory_space<vmem>>
    tpu.enqueue_dma source(%dma_start3A_245 : memref<40x128xf32, #tpu.memory_space<vmem>>) target(%dma_start3A_241 : memref<40x128xf32, #tpu.memory_space<vmem_shared>>) target_semaphore(%arg14 : memref<!tpu.dma_semaphore, #tpu.memory_space<semaphore_mem>>)
    %add3A_246 = arith.constant 224 : i32
    %add3A_247 = arith.addi %add3A_246, %arg1 : i32
    %mul3A_248 = arith.constant 40 : i32
    %mul3A_249 = arith.muli %add3A_247, %mul3A_248 : i32
    %dma_start3A_250 = arith.constant 0 : i32
    %dma_start3A_251 = arith.constant 0 : i32
    %dma_start3A_252 = arith.constant 0 : i32
    %dma_start3A_253 = tpu.memref_slice %arg9[%dma_start3A_250, %dma_start3A_251, %dma_start3A_252] : memref<4x80x128xf32, #tpu.memory_space<vmem>> -> memref<1x40x128xf32, #tpu.memory_space<vmem>>
    %dma_start3A_254 = tpu.memref_squeeze %dma_start3A_253 : memref<1x40x128xf32, #tpu.memory_space<vmem>> -> memref<40x128xf32, #tpu.memory_space<vmem>>
    %dma_start3A_255 = arith.constant 0 : i32
    %dma_start3A_256 = tpu.memref_slice %arg10[%mul3A_249, %dma_start3A_255] : memref<10000x128xf32, #tpu.memory_space<vmem_shared>> -> memref<40x128xf32, #tpu.memory_space<vmem_shared>>
    %dma_start3A_257 = arith.constant 0 : i32
    %dma_start3A_258 = tpu.memref_slice %arg10[%mul3A_249, %dma_start3A_257] : memref<10000x128xf32, #tpu.memory_space<vmem_shared>> -> memref<40x128xf32, #tpu.memory_space<vmem_shared>>
    %dma_start3A_259 = arith.constant 0 : i32
    %dma_start3A_260 = arith.constant 0 : i32
    %dma_start3A_261 = tpu.memref_slice %arg9[%dma_start3A_250, %dma_start3A_259, %dma_start3A_260] : memref<4x80x128xf32, #tpu.memory_space<vmem>> -> memref<1x40x128xf32, #tpu.memory_space<vmem>>
    %dma_start3A_262 = tpu.memref_squeeze %dma_start3A_261 : memref<1x40x128xf32, #tpu.memory_space<vmem>> -> memref<40x128xf32, #tpu.memory_space<vmem>>
    tpu.enqueue_dma source(%dma_start3A_262 : memref<40x128xf32, #tpu.memory_space<vmem>>) target(%dma_start3A_258 : memref<40x128xf32, #tpu.memory_space<vmem_shared>>) target_semaphore(%arg14 : memref<!tpu.dma_semaphore, #tpu.memory_space<semaphore_mem>>)
    %add3A_263 = arith.constant 240 : i32
    %add3A_264 = arith.addi %add3A_263, %arg1 : i32
    %lt3A = arith.constant 250 : i32
    %lt3A_265 = arith.cmpi slt, %add3A_264, %lt3A : i32
    %convert_element_type3A = arith.extui %lt3A_265 : i1 to i32
    %cond3A = arith.constant 0 : i32
    %cond3A_266 = arith.constant 0 : i32
    %cond3A_267 = arith.cmpi ne, %convert_element_type3A, %cond3A_266 : i32
    scf.if %cond3A_267 {
      %add3A_924 = arith.constant 240 : i32
      %add3A_925 = arith.addi %add3A_924, %arg1 : i32
      %mul3A_926 = arith.constant 40 : i32
      %mul3A_927 = arith.muli %add3A_925, %mul3A_926 : i32
      "tpu.region"() ({
        %run_scoped3A = tpu.sem_alloc : memref<!tpu.dma_semaphore, #tpu.memory_space<semaphore_mem>>
        %dma_start3A_928 = arith.constant 0 : i32
        %dma_start3A_929 = arith.constant 0 : i32
        %dma_start3A_930 = tpu.memref_slice %arg9[%cond3A, %dma_start3A_928, %dma_start3A_929] : memref<4x80x128xf32, #tpu.memory_space<vmem>> -> memref<1x40x128xf32, #tpu.memory_space<vmem>>
        %dma_start3A_931 = tpu.memref_squeeze %dma_start3A_930 : memref<1x40x128xf32, #tpu.memory_space<vmem>> -> memref<40x128xf32, #tpu.memory_space<vmem>>
        %dma_start3A_932 = arith.constant 0 : i32
        %dma_start3A_933 = tpu.memref_slice %arg10[%mul3A_927, %dma_start3A_932] : memref<10000x128xf32, #tpu.memory_space<vmem_shared>> -> memref<40x128xf32, #tpu.memory_space<vmem_shared>>
        %dma_start3A_934 = arith.constant 0 : i32
        %dma_start3A_935 = tpu.memref_slice %arg10[%mul3A_927, %dma_start3A_934] : memref<10000x128xf32, #tpu.memory_space<vmem_shared>> -> memref<40x128xf32, #tpu.memory_space<vmem_shared>>
        %dma_start3A_936 = arith.constant 0 : i32
        %dma_start3A_937 = arith.constant 0 : i32
        %dma_start3A_938 = tpu.memref_slice %arg9[%cond3A, %dma_start3A_936, %dma_start3A_937] : memref<4x80x128xf32, #tpu.memory_space<vmem>> -> memref<1x40x128xf32, #tpu.memory_space<vmem>>
        %dma_start3A_939 = tpu.memref_squeeze %dma_start3A_938 : memref<1x40x128xf32, #tpu.memory_space<vmem>> -> memref<40x128xf32, #tpu.memory_space<vmem>>
        tpu.enqueue_dma source(%dma_start3A_939 : memref<40x128xf32, #tpu.memory_space<vmem>>) target(%dma_start3A_935 : memref<40x128xf32, #tpu.memory_space<vmem_shared>>) target_semaphore(%run_scoped3A : memref<!tpu.dma_semaphore, #tpu.memory_space<semaphore_mem>>)
        %dma_wait3A_940 = arith.constant 0 : i32
        %dma_wait3A_941 = arith.constant 0 : i32
        %dma_wait3A_942 = tpu.memref_slice %arg9[%cond3A, %dma_wait3A_940, %dma_wait3A_941] : memref<4x80x128xf32, #tpu.memory_space<vmem>> -> memref<1x40x128xf32, #tpu.memory_space<vmem>>
        %dma_wait3A_943 = tpu.memref_squeeze %dma_wait3A_942 : memref<1x40x128xf32, #tpu.memory_space<vmem>> -> memref<40x128xf32, #tpu.memory_space<vmem>>
        %dma_wait3A_944 = arith.constant 0 : i32
        %dma_wait3A_945 = tpu.memref_slice %arg10[%mul3A_927, %dma_wait3A_944] : memref<10000x128xf32, #tpu.memory_space<vmem_shared>> -> memref<40x128xf32, #tpu.memory_space<vmem_shared>>
        %dma_wait3A_946 = arith.constant 0 : i32
        %dma_wait3A_947 = tpu.memref_slice %arg10[%mul3A_927, %dma_wait3A_946] : memref<10000x128xf32, #tpu.memory_space<vmem_shared>> -> memref<40x128xf32, #tpu.memory_space<vmem_shared>>
        %dma_wait3A_948 = arith.constant 0 : i32
        %dma_wait3A_949 = arith.constant 0 : i32
        %dma_wait3A_950 = tpu.memref_slice %arg9[%cond3A, %dma_wait3A_948, %dma_wait3A_949] : memref<4x80x128xf32, #tpu.memory_space<vmem>> -> memref<1x40x128xf32, #tpu.memory_space<vmem>>
        %dma_wait3A_951 = tpu.memref_squeeze %dma_wait3A_950 : memref<1x40x128xf32, #tpu.memory_space<vmem>> -> memref<40x128xf32, #tpu.memory_space<vmem>>
        tpu.wait_dma2 semaphore(%run_scoped3A : memref<!tpu.dma_semaphore, #tpu.memory_space<semaphore_mem>>) src(%dma_wait3A_951 : memref<40x128xf32, #tpu.memory_space<vmem>>) dst(%dma_wait3A_947 : memref<40x128xf32, #tpu.memory_space<vmem_shared>>)
        tpu.yield
      }) : () -> ()
    } else {
    }
    %dma_wait3A = arith.constant 0 : i32
    %dma_wait3A_268 = arith.constant 0 : i32
    %dma_wait3A_269 = arith.constant 0 : i32
    %dma_wait3A_270 = tpu.memref_slice %arg9[%dma_wait3A, %dma_wait3A_268, %dma_wait3A_269] : memref<4x80x128xf32, #tpu.memory_space<vmem>> -> memref<1x40x128xf32, #tpu.memory_space<vmem>>
    %dma_wait3A_271 = tpu.memref_squeeze %dma_wait3A_270 : memref<1x40x128xf32, #tpu.memory_space<vmem>> -> memref<40x128xf32, #tpu.memory_space<vmem>>
    %dma_wait3A_272 = arith.constant 0 : i32
    %dma_wait3A_273 = arith.constant 0 : i32
    %dma_wait3A_274 = tpu.memref_slice %arg10[%dma_wait3A_272, %dma_wait3A_273] : memref<10000x128xf32, #tpu.memory_space<vmem_shared>> -> memref<40x128xf32, #tpu.memory_space<vmem_shared>>
    %dma_wait3A_275 = arith.constant 0 : i32
    %dma_wait3A_276 = arith.constant 0 : i32
    %dma_wait3A_277 = tpu.memref_slice %arg10[%dma_wait3A_275, %dma_wait3A_276] : memref<10000x128xf32, #tpu.memory_space<vmem_shared>> -> memref<40x128xf32, #tpu.memory_space<vmem_shared>>
    %dma_wait3A_278 = arith.constant 0 : i32
    %dma_wait3A_279 = arith.constant 0 : i32
    %dma_wait3A_280 = tpu.memref_slice %arg9[%dma_wait3A, %dma_wait3A_278, %dma_wait3A_279] : memref<4x80x128xf32, #tpu.memory_space<vmem>> -> memref<1x40x128xf32, #tpu.memory_space<vmem>>
    %dma_wait3A_281 = tpu.memref_squeeze %dma_wait3A_280 : memref<1x40x128xf32, #tpu.memory_space<vmem>> -> memref<40x128xf32, #tpu.memory_space<vmem>>
    tpu.wait_dma2 semaphore(%arg14 : memref<!tpu.dma_semaphore, #tpu.memory_space<semaphore_mem>>) src(%dma_wait3A_281 : memref<40x128xf32, #tpu.memory_space<vmem>>) dst(%dma_wait3A_277 : memref<40x128xf32, #tpu.memory_space<vmem_shared>>)
    %dma_wait3A_282 = arith.constant 0 : i32
    %dma_wait3A_283 = arith.constant 0 : i32
    %dma_wait3A_284 = arith.constant 0 : i32
    %dma_wait3A_285 = tpu.memref_slice %arg9[%dma_wait3A_282, %dma_wait3A_283, %dma_wait3A_284] : memref<4x80x128xf32, #tpu.memory_space<vmem>> -> memref<1x40x128xf32, #tpu.memory_space<vmem>>
    %dma_wait3A_286 = tpu.memref_squeeze %dma_wait3A_285 : memref<1x40x128xf32, #tpu.memory_space<vmem>> -> memref<40x128xf32, #tpu.memory_space<vmem>>
    %dma_wait3A_287 = arith.constant 0 : i32
    %dma_wait3A_288 = arith.constant 0 : i32
    %dma_wait3A_289 = tpu.memref_slice %arg10[%dma_wait3A_287, %dma_wait3A_288] : memref<10000x128xf32, #tpu.memory_space<vmem_shared>> -> memref<40x128xf32, #tpu.memory_space<vmem_shared>>
    %dma_wait3A_290 = arith.constant 0 : i32
    %dma_wait3A_291 = arith.constant 0 : i32
    %dma_wait3A_292 = tpu.memref_slice %arg10[%dma_wait3A_290, %dma_wait3A_291] : memref<10000x128xf32, #tpu.memory_space<vmem_shared>> -> memref<40x128xf32, #tpu.memory_space<vmem_shared>>
    %dma_wait3A_293 = arith.constant 0 : i32
    %dma_wait3A_294 = arith.constant 0 : i32
    %dma_wait3A_295 = tpu.memref_slice %arg9[%dma_wait3A_282, %dma_wait3A_293, %dma_wait3A_294] : memref<4x80x128xf32, #tpu.memory_space<vmem>> -> memref<1x40x128xf32, #tpu.memory_space<vmem>>
    %dma_wait3A_296 = tpu.memref_squeeze %dma_wait3A_295 : memref<1x40x128xf32, #tpu.memory_space<vmem>> -> memref<40x128xf32, #tpu.memory_space<vmem>>
    tpu.wait_dma2 semaphore(%arg14 : memref<!tpu.dma_semaphore, #tpu.memory_space<semaphore_mem>>) src(%dma_wait3A_296 : memref<40x128xf32, #tpu.memory_space<vmem>>) dst(%dma_wait3A_292 : memref<40x128xf32, #tpu.memory_space<vmem_shared>>)
    %dma_wait3A_297 = arith.constant 0 : i32
    %dma_wait3A_298 = arith.constant 0 : i32
    %dma_wait3A_299 = arith.constant 0 : i32
    %dma_wait3A_300 = tpu.memref_slice %arg9[%dma_wait3A_297, %dma_wait3A_298, %dma_wait3A_299] : memref<4x80x128xf32, #tpu.memory_space<vmem>> -> memref<1x40x128xf32, #tpu.memory_space<vmem>>
    %dma_wait3A_301 = tpu.memref_squeeze %dma_wait3A_300 : memref<1x40x128xf32, #tpu.memory_space<vmem>> -> memref<40x128xf32, #tpu.memory_space<vmem>>
    %dma_wait3A_302 = arith.constant 0 : i32
    %dma_wait3A_303 = arith.constant 0 : i32
    %dma_wait3A_304 = tpu.memref_slice %arg10[%dma_wait3A_302, %dma_wait3A_303] : memref<10000x128xf32, #tpu.memory_space<vmem_shared>> -> memref<40x128xf32, #tpu.memory_space<vmem_shared>>
    %dma_wait3A_305 = arith.constant 0 : i32
    %dma_wait3A_306 = arith.constant 0 : i32
    %dma_wait3A_307 = tpu.memref_slice %arg10[%dma_wait3A_305, %dma_wait3A_306] : memref<10000x128xf32, #tpu.memory_space<vmem_shared>> -> memref<40x128xf32, #tpu.memory_space<vmem_shared>>
    %dma_wait3A_308 = arith.constant 0 : i32
    %dma_wait3A_309 = arith.constant 0 : i32
    %dma_wait3A_310 = tpu.memref_slice %arg9[%dma_wait3A_297, %dma_wait3A_308, %dma_wait3A_309] : memref<4x80x128xf32, #tpu.memory_space<vmem>> -> memref<1x40x128xf32, #tpu.memory_space<vmem>>
    %dma_wait3A_311 = tpu.memref_squeeze %dma_wait3A_310 : memref<1x40x128xf32, #tpu.memory_space<vmem>> -> memref<40x128xf32, #tpu.memory_space<vmem>>
    tpu.wait_dma2 semaphore(%arg14 : memref<!tpu.dma_semaphore, #tpu.memory_space<semaphore_mem>>) src(%dma_wait3A_311 : memref<40x128xf32, #tpu.memory_space<vmem>>) dst(%dma_wait3A_307 : memref<40x128xf32, #tpu.memory_space<vmem_shared>>)
    %dma_wait3A_312 = arith.constant 0 : i32
    %dma_wait3A_313 = arith.constant 0 : i32
    %dma_wait3A_314 = arith.constant 0 : i32
    %dma_wait3A_315 = tpu.memref_slice %arg9[%dma_wait3A_312, %dma_wait3A_313, %dma_wait3A_314] : memref<4x80x128xf32, #tpu.memory_space<vmem>> -> memref<1x40x128xf32, #tpu.memory_space<vmem>>
    %dma_wait3A_316 = tpu.memref_squeeze %dma_wait3A_315 : memref<1x40x128xf32, #tpu.memory_space<vmem>> -> memref<40x128xf32, #tpu.memory_space<vmem>>
    %dma_wait3A_317 = arith.constant 0 : i32
    %dma_wait3A_318 = arith.constant 0 : i32
    %dma_wait3A_319 = tpu.memref_slice %arg10[%dma_wait3A_317, %dma_wait3A_318] : memref<10000x128xf32, #tpu.memory_space<vmem_shared>> -> memref<40x128xf32, #tpu.memory_space<vmem_shared>>
    %dma_wait3A_320 = arith.constant 0 : i32
    %dma_wait3A_321 = arith.constant 0 : i32
    %dma_wait3A_322 = tpu.memref_slice %arg10[%dma_wait3A_320, %dma_wait3A_321] : memref<10000x128xf32, #tpu.memory_space<vmem_shared>> -> memref<40x128xf32, #tpu.memory_space<vmem_shared>>
    %dma_wait3A_323 = arith.constant 0 : i32
    %dma_wait3A_324 = arith.constant 0 : i32
    %dma_wait3A_325 = tpu.memref_slice %arg9[%dma_wait3A_312, %dma_wait3A_323, %dma_wait3A_324] : memref<4x80x128xf32, #tpu.memory_space<vmem>> -> memref<1x40x128xf32, #tpu.memory_space<vmem>>
    %dma_wait3A_326 = tpu.memref_squeeze %dma_wait3A_325 : memref<1x40x128xf32, #tpu.memory_space<vmem>> -> memref<40x128xf32, #tpu.memory_space<vmem>>
    tpu.wait_dma2 semaphore(%arg14 : memref<!tpu.dma_semaphore, #tpu.memory_space<semaphore_mem>>) src(%dma_wait3A_326 : memref<40x128xf32, #tpu.memory_space<vmem>>) dst(%dma_wait3A_322 : memref<40x128xf32, #tpu.memory_space<vmem_shared>>)
    %dma_wait3A_327 = arith.constant 0 : i32
    %dma_wait3A_328 = arith.constant 0 : i32
    %dma_wait3A_329 = arith.constant 0 : i32
    %dma_wait3A_330 = tpu.memref_slice %arg9[%dma_wait3A_327, %dma_wait3A_328, %dma_wait3A_329] : memref<4x80x128xf32, #tpu.memory_space<vmem>> -> memref<1x40x128xf32, #tpu.memory_space<vmem>>
    %dma_wait3A_331 = tpu.memref_squeeze %dma_wait3A_330 : memref<1x40x128xf32, #tpu.memory_space<vmem>> -> memref<40x128xf32, #tpu.memory_space<vmem>>
    %dma_wait3A_332 = arith.constant 0 : i32
    %dma_wait3A_333 = arith.constant 0 : i32
    %dma_wait3A_334 = tpu.memref_slice %arg10[%dma_wait3A_332, %dma_wait3A_333] : memref<10000x128xf32, #tpu.memory_space<vmem_shared>> -> memref<40x128xf32, #tpu.memory_space<vmem_shared>>
    %dma_wait3A_335 = arith.constant 0 : i32
    %dma_wait3A_336 = arith.constant 0 : i32
    %dma_wait3A_337 = tpu.memref_slice %arg10[%dma_wait3A_335, %dma_wait3A_336] : memref<10000x128xf32, #tpu.memory_space<vmem_shared>> -> memref<40x128xf32, #tpu.memory_space<vmem_shared>>
    %dma_wait3A_338 = arith.constant 0 : i32
    %dma_wait3A_339 = arith.constant 0 : i32
    %dma_wait3A_340 = tpu.memref_slice %arg9[%dma_wait3A_327, %dma_wait3A_338, %dma_wait3A_339] : memref<4x80x128xf32, #tpu.memory_space<vmem>> -> memref<1x40x128xf32, #tpu.memory_space<vmem>>
    %dma_wait3A_341 = tpu.memref_squeeze %dma_wait3A_340 : memref<1x40x128xf32, #tpu.memory_space<vmem>> -> memref<40x128xf32, #tpu.memory_space<vmem>>
    tpu.wait_dma2 semaphore(%arg14 : memref<!tpu.dma_semaphore, #tpu.memory_space<semaphore_mem>>) src(%dma_wait3A_341 : memref<40x128xf32, #tpu.memory_space<vmem>>) dst(%dma_wait3A_337 : memref<40x128xf32, #tpu.memory_space<vmem_shared>>)
    %dma_wait3A_342 = arith.constant 0 : i32
    %dma_wait3A_343 = arith.constant 0 : i32
    %dma_wait3A_344 = arith.constant 0 : i32
    %dma_wait3A_345 = tpu.memref_slice %arg9[%dma_wait3A_342, %dma_wait3A_343, %dma_wait3A_344] : memref<4x80x128xf32, #tpu.memory_space<vmem>> -> memref<1x40x128xf32, #tpu.memory_space<vmem>>
    %dma_wait3A_346 = tpu.memref_squeeze %dma_wait3A_345 : memref<1x40x128xf32, #tpu.memory_space<vmem>> -> memref<40x128xf32, #tpu.memory_space<vmem>>
    %dma_wait3A_347 = arith.constant 0 : i32
    %dma_wait3A_348 = arith.constant 0 : i32
    %dma_wait3A_349 = tpu.memref_slice %arg10[%dma_wait3A_347, %dma_wait3A_348] : memref<10000x128xf32, #tpu.memory_space<vmem_shared>> -> memref<40x128xf32, #tpu.memory_space<vmem_shared>>
    %dma_wait3A_350 = arith.constant 0 : i32
    %dma_wait3A_351 = arith.constant 0 : i32
    %dma_wait3A_352 = tpu.memref_slice %arg10[%dma_wait3A_350, %dma_wait3A_351] : memref<10000x128xf32, #tpu.memory_space<vmem_shared>> -> memref<40x128xf32, #tpu.memory_space<vmem_shared>>
    %dma_wait3A_353 = arith.constant 0 : i32
    %dma_wait3A_354 = arith.constant 0 : i32
    %dma_wait3A_355 = tpu.memref_slice %arg9[%dma_wait3A_342, %dma_wait3A_353, %dma_wait3A_354] : memref<4x80x128xf32, #tpu.memory_space<vmem>> -> memref<1x40x128xf32, #tpu.memory_space<vmem>>
    %dma_wait3A_356 = tpu.memref_squeeze %dma_wait3A_355 : memref<1x40x128xf32, #tpu.memory_space<vmem>> -> memref<40x128xf32, #tpu.memory_space<vmem>>
    tpu.wait_dma2 semaphore(%arg14 : memref<!tpu.dma_semaphore, #tpu.memory_space<semaphore_mem>>) src(%dma_wait3A_356 : memref<40x128xf32, #tpu.memory_space<vmem>>) dst(%dma_wait3A_352 : memref<40x128xf32, #tpu.memory_space<vmem_shared>>)
    %dma_wait3A_357 = arith.constant 0 : i32
    %dma_wait3A_358 = arith.constant 0 : i32
    %dma_wait3A_359 = arith.constant 0 : i32
    %dma_wait3A_360 = tpu.memref_slice %arg9[%dma_wait3A_357, %dma_wait3A_358, %dma_wait3A_359] : memref<4x80x128xf32, #tpu.memory_space<vmem>> -> memref<1x40x128xf32, #tpu.memory_space<vmem>>
    %dma_wait3A_361 = tpu.memref_squeeze %dma_wait3A_360 : memref<1x40x128xf32, #tpu.memory_space<vmem>> -> memref<40x128xf32, #tpu.memory_space<vmem>>
    %dma_wait3A_362 = arith.constant 0 : i32
    %dma_wait3A_363 = arith.constant 0 : i32
    %dma_wait3A_364 = tpu.memref_slice %arg10[%dma_wait3A_362, %dma_wait3A_363] : memref<10000x128xf32, #tpu.memory_space<vmem_shared>> -> memref<40x128xf32, #tpu.memory_space<vmem_shared>>
    %dma_wait3A_365 = arith.constant 0 : i32
    %dma_wait3A_366 = arith.constant 0 : i32
    %dma_wait3A_367 = tpu.memref_slice %arg10[%dma_wait3A_365, %dma_wait3A_366] : memref<10000x128xf32, #tpu.memory_space<vmem_shared>> -> memref<40x128xf32, #tpu.memory_space<vmem_shared>>
    %dma_wait3A_368 = arith.constant 0 : i32
    %dma_wait3A_369 = arith.constant 0 : i32
    %dma_wait3A_370 = tpu.memref_slice %arg9[%dma_wait3A_357, %dma_wait3A_368, %dma_wait3A_369] : memref<4x80x128xf32, #tpu.memory_space<vmem>> -> memref<1x40x128xf32, #tpu.memory_space<vmem>>
    %dma_wait3A_371 = tpu.memref_squeeze %dma_wait3A_370 : memref<1x40x128xf32, #tpu.memory_space<vmem>> -> memref<40x128xf32, #tpu.memory_space<vmem>>
    tpu.wait_dma2 semaphore(%arg14 : memref<!tpu.dma_semaphore, #tpu.memory_space<semaphore_mem>>) src(%dma_wait3A_371 : memref<40x128xf32, #tpu.memory_space<vmem>>) dst(%dma_wait3A_367 : memref<40x128xf32, #tpu.memory_space<vmem_shared>>)
    %dma_wait3A_372 = arith.constant 0 : i32
    %dma_wait3A_373 = arith.constant 0 : i32
    %dma_wait3A_374 = arith.constant 0 : i32
    %dma_wait3A_375 = tpu.memref_slice %arg9[%dma_wait3A_372, %dma_wait3A_373, %dma_wait3A_374] : memref<4x80x128xf32, #tpu.memory_space<vmem>> -> memref<1x40x128xf32, #tpu.memory_space<vmem>>
    %dma_wait3A_376 = tpu.memref_squeeze %dma_wait3A_375 : memref<1x40x128xf32, #tpu.memory_space<vmem>> -> memref<40x128xf32, #tpu.memory_space<vmem>>
    %dma_wait3A_377 = arith.constant 0 : i32
    %dma_wait3A_378 = arith.constant 0 : i32
    %dma_wait3A_379 = tpu.memref_slice %arg10[%dma_wait3A_377, %dma_wait3A_378] : memref<10000x128xf32, #tpu.memory_space<vmem_shared>> -> memref<40x128xf32, #tpu.memory_space<vmem_shared>>
    %dma_wait3A_380 = arith.constant 0 : i32
    %dma_wait3A_381 = arith.constant 0 : i32
    %dma_wait3A_382 = tpu.memref_slice %arg10[%dma_wait3A_380, %dma_wait3A_381] : memref<10000x128xf32, #tpu.memory_space<vmem_shared>> -> memref<40x128xf32, #tpu.memory_space<vmem_shared>>
    %dma_wait3A_383 = arith.constant 0 : i32
    %dma_wait3A_384 = arith.constant 0 : i32
    %dma_wait3A_385 = tpu.memref_slice %arg9[%dma_wait3A_372, %dma_wait3A_383, %dma_wait3A_384] : memref<4x80x128xf32, #tpu.memory_space<vmem>> -> memref<1x40x128xf32, #tpu.memory_space<vmem>>
    %dma_wait3A_386 = tpu.memref_squeeze %dma_wait3A_385 : memref<1x40x128xf32, #tpu.memory_space<vmem>> -> memref<40x128xf32, #tpu.memory_space<vmem>>
    tpu.wait_dma2 semaphore(%arg14 : memref<!tpu.dma_semaphore, #tpu.memory_space<semaphore_mem>>) src(%dma_wait3A_386 : memref<40x128xf32, #tpu.memory_space<vmem>>) dst(%dma_wait3A_382 : memref<40x128xf32, #tpu.memory_space<vmem_shared>>)
    %dma_wait3A_387 = arith.constant 0 : i32
    %dma_wait3A_388 = arith.constant 0 : i32
    %dma_wait3A_389 = arith.constant 0 : i32
    %dma_wait3A_390 = tpu.memref_slice %arg9[%dma_wait3A_387, %dma_wait3A_388, %dma_wait3A_389] : memref<4x80x128xf32, #tpu.memory_space<vmem>> -> memref<1x40x128xf32, #tpu.memory_space<vmem>>
    %dma_wait3A_391 = tpu.memref_squeeze %dma_wait3A_390 : memref<1x40x128xf32, #tpu.memory_space<vmem>> -> memref<40x128xf32, #tpu.memory_space<vmem>>
    %dma_wait3A_392 = arith.constant 0 : i32
    %dma_wait3A_393 = arith.constant 0 : i32
    %dma_wait3A_394 = tpu.memref_slice %arg10[%dma_wait3A_392, %dma_wait3A_393] : memref<10000x128xf32, #tpu.memory_space<vmem_shared>> -> memref<40x128xf32, #tpu.memory_space<vmem_shared>>
    %dma_wait3A_395 = arith.constant 0 : i32
    %dma_wait3A_396 = arith.constant 0 : i32
    %dma_wait3A_397 = tpu.memref_slice %arg10[%dma_wait3A_395, %dma_wait3A_396] : memref<10000x128xf32, #tpu.memory_space<vmem_shared>> -> memref<40x128xf32, #tpu.memory_space<vmem_shared>>
    %dma_wait3A_398 = arith.constant 0 : i32
    %dma_wait3A_399 = arith.constant 0 : i32
    %dma_wait3A_400 = tpu.memref_slice %arg9[%dma_wait3A_387, %dma_wait3A_398, %dma_wait3A_399] : memref<4x80x128xf32, #tpu.memory_space<vmem>> -> memref<1x40x128xf32, #tpu.memory_space<vmem>>
    %dma_wait3A_401 = tpu.memref_squeeze %dma_wait3A_400 : memref<1x40x128xf32, #tpu.memory_space<vmem>> -> memref<40x128xf32, #tpu.memory_space<vmem>>
    tpu.wait_dma2 semaphore(%arg14 : memref<!tpu.dma_semaphore, #tpu.memory_space<semaphore_mem>>) src(%dma_wait3A_401 : memref<40x128xf32, #tpu.memory_space<vmem>>) dst(%dma_wait3A_397 : memref<40x128xf32, #tpu.memory_space<vmem_shared>>)
    %dma_wait3A_402 = arith.constant 0 : i32
    %dma_wait3A_403 = arith.constant 0 : i32
    %dma_wait3A_404 = arith.constant 0 : i32
    %dma_wait3A_405 = tpu.memref_slice %arg9[%dma_wait3A_402, %dma_wait3A_403, %dma_wait3A_404] : memref<4x80x128xf32, #tpu.memory_space<vmem>> -> memref<1x40x128xf32, #tpu.memory_space<vmem>>
    %dma_wait3A_406 = tpu.memref_squeeze %dma_wait3A_405 : memref<1x40x128xf32, #tpu.memory_space<vmem>> -> memref<40x128xf32, #tpu.memory_space<vmem>>
    %dma_wait3A_407 = arith.constant 0 : i32
    %dma_wait3A_408 = arith.constant 0 : i32
    %dma_wait3A_409 = tpu.memref_slice %arg10[%dma_wait3A_407, %dma_wait3A_408] : memref<10000x128xf32, #tpu.memory_space<vmem_shared>> -> memref<40x128xf32, #tpu.memory_space<vmem_shared>>
    %dma_wait3A_410 = arith.constant 0 : i32
    %dma_wait3A_411 = arith.constant 0 : i32
    %dma_wait3A_412 = tpu.memref_slice %arg10[%dma_wait3A_410, %dma_wait3A_411] : memref<10000x128xf32, #tpu.memory_space<vmem_shared>> -> memref<40x128xf32, #tpu.memory_space<vmem_shared>>
    %dma_wait3A_413 = arith.constant 0 : i32
    %dma_wait3A_414 = arith.constant 0 : i32
    %dma_wait3A_415 = tpu.memref_slice %arg9[%dma_wait3A_402, %dma_wait3A_413, %dma_wait3A_414] : memref<4x80x128xf32, #tpu.memory_space<vmem>> -> memref<1x40x128xf32, #tpu.memory_space<vmem>>
    %dma_wait3A_416 = tpu.memref_squeeze %dma_wait3A_415 : memref<1x40x128xf32, #tpu.memory_space<vmem>> -> memref<40x128xf32, #tpu.memory_space<vmem>>
    tpu.wait_dma2 semaphore(%arg14 : memref<!tpu.dma_semaphore, #tpu.memory_space<semaphore_mem>>) src(%dma_wait3A_416 : memref<40x128xf32, #tpu.memory_space<vmem>>) dst(%dma_wait3A_412 : memref<40x128xf32, #tpu.memory_space<vmem_shared>>)
    %dma_wait3A_417 = arith.constant 0 : i32
    %dma_wait3A_418 = arith.constant 0 : i32
    %dma_wait3A_419 = arith.constant 0 : i32
    %dma_wait3A_420 = tpu.memref_slice %arg9[%dma_wait3A_417, %dma_wait3A_418, %dma_wait3A_419] : memref<4x80x128xf32, #tpu.memory_space<vmem>> -> memref<1x40x128xf32, #tpu.memory_space<vmem>>
    %dma_wait3A_421 = tpu.memref_squeeze %dma_wait3A_420 : memref<1x40x128xf32, #tpu.memory_space<vmem>> -> memref<40x128xf32, #tpu.memory_space<vmem>>
    %dma_wait3A_422 = arith.constant 0 : i32
    %dma_wait3A_423 = arith.constant 0 : i32
    %dma_wait3A_424 = tpu.memref_slice %arg10[%dma_wait3A_422, %dma_wait3A_423] : memref<10000x128xf32, #tpu.memory_space<vmem_shared>> -> memref<40x128xf32, #tpu.memory_space<vmem_shared>>
    %dma_wait3A_425 = arith.constant 0 : i32
    %dma_wait3A_426 = arith.constant 0 : i32
    %dma_wait3A_427 = tpu.memref_slice %arg10[%dma_wait3A_425, %dma_wait3A_426] : memref<10000x128xf32, #tpu.memory_space<vmem_shared>> -> memref<40x128xf32, #tpu.memory_space<vmem_shared>>
    %dma_wait3A_428 = arith.constant 0 : i32
    %dma_wait3A_429 = arith.constant 0 : i32
    %dma_wait3A_430 = tpu.memref_slice %arg9[%dma_wait3A_417, %dma_wait3A_428, %dma_wait3A_429] : memref<4x80x128xf32, #tpu.memory_space<vmem>> -> memref<1x40x128xf32, #tpu.memory_space<vmem>>
    %dma_wait3A_431 = tpu.memref_squeeze %dma_wait3A_430 : memref<1x40x128xf32, #tpu.memory_space<vmem>> -> memref<40x128xf32, #tpu.memory_space<vmem>>
    tpu.wait_dma2 semaphore(%arg14 : memref<!tpu.dma_semaphore, #tpu.memory_space<semaphore_mem>>) src(%dma_wait3A_431 : memref<40x128xf32, #tpu.memory_space<vmem>>) dst(%dma_wait3A_427 : memref<40x128xf32, #tpu.memory_space<vmem_shared>>)
    %dma_wait3A_432 = arith.constant 0 : i32
    %dma_wait3A_433 = arith.constant 0 : i32
    %dma_wait3A_434 = arith.constant 0 : i32
    %dma_wait3A_435 = tpu.memref_slice %arg9[%dma_wait3A_432, %dma_wait3A_433, %dma_wait3A_434] : memref<4x80x128xf32, #tpu.memory_space<vmem>> -> memref<1x40x128xf32, #tpu.memory_space<vmem>>
    %dma_wait3A_436 = tpu.memref_squeeze %dma_wait3A_435 : memref<1x40x128xf32, #tpu.memory_space<vmem>> -> memref<40x128xf32, #tpu.memory_space<vmem>>
    %dma_wait3A_437 = arith.constant 0 : i32
    %dma_wait3A_438 = arith.constant 0 : i32
    %dma_wait3A_439 = tpu.memref_slice %arg10[%dma_wait3A_437, %dma_wait3A_438] : memref<10000x128xf32, #tpu.memory_space<vmem_shared>> -> memref<40x128xf32, #tpu.memory_space<vmem_shared>>
    %dma_wait3A_440 = arith.constant 0 : i32
    %dma_wait3A_441 = arith.constant 0 : i32
    %dma_wait3A_442 = tpu.memref_slice %arg10[%dma_wait3A_440, %dma_wait3A_441] : memref<10000x128xf32, #tpu.memory_space<vmem_shared>> -> memref<40x128xf32, #tpu.memory_space<vmem_shared>>
    %dma_wait3A_443 = arith.constant 0 : i32
    %dma_wait3A_444 = arith.constant 0 : i32
    %dma_wait3A_445 = tpu.memref_slice %arg9[%dma_wait3A_432, %dma_wait3A_443, %dma_wait3A_444] : memref<4x80x128xf32, #tpu.memory_space<vmem>> -> memref<1x40x128xf32, #tpu.memory_space<vmem>>
    %dma_wait3A_446 = tpu.memref_squeeze %dma_wait3A_445 : memref<1x40x128xf32, #tpu.memory_space<vmem>> -> memref<40x128xf32, #tpu.memory_space<vmem>>
    tpu.wait_dma2 semaphore(%arg14 : memref<!tpu.dma_semaphore, #tpu.memory_space<semaphore_mem>>) src(%dma_wait3A_446 : memref<40x128xf32, #tpu.memory_space<vmem>>) dst(%dma_wait3A_442 : memref<40x128xf32, #tpu.memory_space<vmem_shared>>)
    %dma_wait3A_447 = arith.constant 0 : i32
    %dma_wait3A_448 = arith.constant 0 : i32
    %dma_wait3A_449 = arith.constant 0 : i32
    %dma_wait3A_450 = tpu.memref_slice %arg9[%dma_wait3A_447, %dma_wait3A_448, %dma_wait3A_449] : memref<4x80x128xf32, #tpu.memory_space<vmem>> -> memref<1x40x128xf32, #tpu.memory_space<vmem>>
    %dma_wait3A_451 = tpu.memref_squeeze %dma_wait3A_450 : memref<1x40x128xf32, #tpu.memory_space<vmem>> -> memref<40x128xf32, #tpu.memory_space<vmem>>
    %dma_wait3A_452 = arith.constant 0 : i32
    %dma_wait3A_453 = arith.constant 0 : i32
    %dma_wait3A_454 = tpu.memref_slice %arg10[%dma_wait3A_452, %dma_wait3A_453] : memref<10000x128xf32, #tpu.memory_space<vmem_shared>> -> memref<40x128xf32, #tpu.memory_space<vmem_shared>>
    %dma_wait3A_455 = arith.constant 0 : i32
    %dma_wait3A_456 = arith.constant 0 : i32
    %dma_wait3A_457 = tpu.memref_slice %arg10[%dma_wait3A_455, %dma_wait3A_456] : memref<10000x128xf32, #tpu.memory_space<vmem_shared>> -> memref<40x128xf32, #tpu.memory_space<vmem_shared>>
    %dma_wait3A_458 = arith.constant 0 : i32
    %dma_wait3A_459 = arith.constant 0 : i32
    %dma_wait3A_460 = tpu.memref_slice %arg9[%dma_wait3A_447, %dma_wait3A_458, %dma_wait3A_459] : memref<4x80x128xf32, #tpu.memory_space<vmem>> -> memref<1x40x128xf32, #tpu.memory_space<vmem>>
    %dma_wait3A_461 = tpu.memref_squeeze %dma_wait3A_460 : memref<1x40x128xf32, #tpu.memory_space<vmem>> -> memref<40x128xf32, #tpu.memory_space<vmem>>
    tpu.wait_dma2 semaphore(%arg14 : memref<!tpu.dma_semaphore, #tpu.memory_space<semaphore_mem>>) src(%dma_wait3A_461 : memref<40x128xf32, #tpu.memory_space<vmem>>) dst(%dma_wait3A_457 : memref<40x128xf32, #tpu.memory_space<vmem_shared>>)
    %dma_wait3A_462 = arith.constant 0 : i32
    %dma_wait3A_463 = arith.constant 0 : i32
    %dma_wait3A_464 = arith.constant 0 : i32
    %dma_wait3A_465 = tpu.memref_slice %arg9[%dma_wait3A_462, %dma_wait3A_463, %dma_wait3A_464] : memref<4x80x128xf32, #tpu.memory_space<vmem>> -> memref<1x40x128xf32, #tpu.memory_space<vmem>>
    %dma_wait3A_466 = tpu.memref_squeeze %dma_wait3A_465 : memref<1x40x128xf32, #tpu.memory_space<vmem>> -> memref<40x128xf32, #tpu.memory_space<vmem>>
    %dma_wait3A_467 = arith.constant 0 : i32
    %dma_wait3A_468 = arith.constant 0 : i32
    %dma_wait3A_469 = tpu.memref_slice %arg10[%dma_wait3A_467, %dma_wait3A_468] : memref<10000x128xf32, #tpu.memory_space<vmem_shared>> -> memref<40x128xf32, #tpu.memory_space<vmem_shared>>
    %dma_wait3A_470 = arith.constant 0 : i32
    %dma_wait3A_471 = arith.constant 0 : i32
    %dma_wait3A_472 = tpu.memref_slice %arg10[%dma_wait3A_470, %dma_wait3A_471] : memref<10000x128xf32, #tpu.memory_space<vmem_shared>> -> memref<40x128xf32, #tpu.memory_space<vmem_shared>>
    %dma_wait3A_473 = arith.constant 0 : i32
    %dma_wait3A_474 = arith.constant 0 : i32
    %dma_wait3A_475 = tpu.memref_slice %arg9[%dma_wait3A_462, %dma_wait3A_473, %dma_wait3A_474] : memref<4x80x128xf32, #tpu.memory_space<vmem>> -> memref<1x40x128xf32, #tpu.memory_space<vmem>>
    %dma_wait3A_476 = tpu.memref_squeeze %dma_wait3A_475 : memref<1x40x128xf32, #tpu.memory_space<vmem>> -> memref<40x128xf32, #tpu.memory_space<vmem>>
    tpu.wait_dma2 semaphore(%arg14 : memref<!tpu.dma_semaphore, #tpu.memory_space<semaphore_mem>>) src(%dma_wait3A_476 : memref<40x128xf32, #tpu.memory_space<vmem>>) dst(%dma_wait3A_472 : memref<40x128xf32, #tpu.memory_space<vmem_shared>>)
    %dma_wait3A_477 = arith.constant 0 : i32
    %dma_wait3A_478 = arith.constant 0 : i32
    %dma_wait3A_479 = arith.constant 0 : i32
    %dma_wait3A_480 = tpu.memref_slice %arg9[%dma_wait3A_477, %dma_wait3A_478, %dma_wait3A_479] : memref<4x80x128xf32, #tpu.memory_space<vmem>> -> memref<1x40x128xf32, #tpu.memory_space<vmem>>
    %dma_wait3A_481 = tpu.memref_squeeze %dma_wait3A_480 : memref<1x40x128xf32, #tpu.memory_space<vmem>> -> memref<40x128xf32, #tpu.memory_space<vmem>>
    %dma_wait3A_482 = arith.constant 0 : i32
    %dma_wait3A_483 = arith.constant 0 : i32
    %dma_wait3A_484 = tpu.memref_slice %arg10[%dma_wait3A_482, %dma_wait3A_483] : memref<10000x128xf32, #tpu.memory_space<vmem_shared>> -> memref<40x128xf32, #tpu.memory_space<vmem_shared>>
    %dma_wait3A_485 = arith.constant 0 : i32
    %dma_wait3A_486 = arith.constant 0 : i32
    %dma_wait3A_487 = tpu.memref_slice %arg10[%dma_wait3A_485, %dma_wait3A_486] : memref<10000x128xf32, #tpu.memory_space<vmem_shared>> -> memref<40x128xf32, #tpu.memory_space<vmem_shared>>
    %dma_wait3A_488 = arith.constant 0 : i32
    %dma_wait3A_489 = arith.constant 0 : i32
    %dma_wait3A_490 = tpu.memref_slice %arg9[%dma_wait3A_477, %dma_wait3A_488, %dma_wait3A_489] : memref<4x80x128xf32, #tpu.memory_space<vmem>> -> memref<1x40x128xf32, #tpu.memory_space<vmem>>
    %dma_wait3A_491 = tpu.memref_squeeze %dma_wait3A_490 : memref<1x40x128xf32, #tpu.memory_space<vmem>> -> memref<40x128xf32, #tpu.memory_space<vmem>>
    tpu.wait_dma2 semaphore(%arg14 : memref<!tpu.dma_semaphore, #tpu.memory_space<semaphore_mem>>) src(%dma_wait3A_491 : memref<40x128xf32, #tpu.memory_space<vmem>>) dst(%dma_wait3A_487 : memref<40x128xf32, #tpu.memory_space<vmem_shared>>)
    %barrier3A = arith.constant 0 : index
    tpu.barrier barrier_id(%barrier3A)
    "tpu.trace_stop"() : () -> ()
    "tpu.trace_start"() <{level = 10 : i32, message = "sc_mainloop"}> : () -> ()
    %add3A_492 = arith.constant 0 : i32
    %add3A_493 = arith.addi %mul3A_2, %add3A_492 : i32
    %add3A_494 = arith.constant 320000 : i32
    %add3A_495 = arith.addi %add3A_494, %add3A_493 : i32
    %dma_start3A_496 = arith.constant 0 : i32
    %dma_start3A_497 = arith.constant 0 : i32
    %dma_start3A_498 = arith.constant 0 : i32
    %dma_start3A_499 = tpu.memref_slice %arg6[%dma_start3A_496, %dma_start3A_498] : memref<8x80xi32, #tpu.memory_space<vmem>> -> memref<1x80xi32, #tpu.memory_space<vmem>>
    %dma_start3A_500 = tpu.memref_squeeze %dma_start3A_499 : memref<1x80xi32, #tpu.memory_space<vmem>> -> memref<80xi32, #tpu.memory_space<vmem>>
    %dma_start3A_501 = tpu.memref_slice %arg3[%add3A_495] : memref<640000xi32, #tpu.memory_space<hbm>> -> memref<80xi32, #tpu.memory_space<hbm>>
    %dma_start3A_502 = tpu.memref_slice %arg11[%dma_start3A_497] : memref<8x!tpu.dma_semaphore, #tpu.memory_space<semaphore_mem>> -> memref<1x!tpu.dma_semaphore, #tpu.memory_space<semaphore_mem>>
    %dma_start3A_503 = tpu.memref_squeeze %dma_start3A_502 : memref<1x!tpu.dma_semaphore, #tpu.memory_space<semaphore_mem>> -> memref<!tpu.dma_semaphore, #tpu.memory_space<semaphore_mem>>
    %dma_start3A_504 = arith.constant 0 : i32
    %dma_start3A_505 = tpu.memref_slice %arg6[%dma_start3A_496, %dma_start3A_504] : memref<8x80xi32, #tpu.memory_space<vmem>> -> memref<1x80xi32, #tpu.memory_space<vmem>>
    %dma_start3A_506 = tpu.memref_squeeze %dma_start3A_505 : memref<1x80xi32, #tpu.memory_space<vmem>> -> memref<80xi32, #tpu.memory_space<vmem>>
    %dma_start3A_507 = tpu.memref_slice %arg3[%add3A_495] : memref<640000xi32, #tpu.memory_space<hbm>> -> memref<80xi32, #tpu.memory_space<hbm>>
    tpu.enqueue_dma source(%dma_start3A_507 : memref<80xi32, #tpu.memory_space<hbm>>) target(%dma_start3A_506 : memref<80xi32, #tpu.memory_space<vmem>>) target_semaphore(%dma_start3A_503 : memref<!tpu.dma_semaphore, #tpu.memory_space<semaphore_mem>>)
    %dma_start3A_508 = arith.constant 0 : i32
    %dma_start3A_509 = arith.constant 0 : i32
    %dma_start3A_510 = arith.constant 0 : i32
    %dma_start3A_511 = tpu.memref_slice %arg7[%dma_start3A_508, %dma_start3A_510] : memref<8x80xi32, #tpu.memory_space<vmem>> -> memref<1x80xi32, #tpu.memory_space<vmem>>
    %dma_start3A_512 = tpu.memref_squeeze %dma_start3A_511 : memref<1x80xi32, #tpu.memory_space<vmem>> -> memref<80xi32, #tpu.memory_space<vmem>>
    %dma_start3A_513 = tpu.memref_slice %arg3[%add3A_493] : memref<640000xi32, #tpu.memory_space<hbm>> -> memref<80xi32, #tpu.memory_space<hbm>>
    %dma_start3A_514 = tpu.memref_slice %arg11[%dma_start3A_509] : memref<8x!tpu.dma_semaphore, #tpu.memory_space<semaphore_mem>> -> memref<1x!tpu.dma_semaphore, #tpu.memory_space<semaphore_mem>>
    %dma_start3A_515 = tpu.memref_squeeze %dma_start3A_514 : memref<1x!tpu.dma_semaphore, #tpu.memory_space<semaphore_mem>> -> memref<!tpu.dma_semaphore, #tpu.memory_space<semaphore_mem>>
    %dma_start3A_516 = arith.constant 0 : i32
    %dma_start3A_517 = tpu.memref_slice %arg7[%dma_start3A_508, %dma_start3A_516] : memref<8x80xi32, #tpu.memory_space<vmem>> -> memref<1x80xi32, #tpu.memory_space<vmem>>
    %dma_start3A_518 = tpu.memref_squeeze %dma_start3A_517 : memref<1x80xi32, #tpu.memory_space<vmem>> -> memref<80xi32, #tpu.memory_space<vmem>>
    %dma_start3A_519 = tpu.memref_slice %arg3[%add3A_493] : memref<640000xi32, #tpu.memory_space<hbm>> -> memref<80xi32, #tpu.memory_space<hbm>>
    tpu.enqueue_dma source(%dma_start3A_519 : memref<80xi32, #tpu.memory_space<hbm>>) target(%dma_start3A_518 : memref<80xi32, #tpu.memory_space<vmem>>) target_semaphore(%dma_start3A_515 : memref<!tpu.dma_semaphore, #tpu.memory_space<semaphore_mem>>)
    %dma_start3A_520 = arith.constant 0 : i32
    %dma_start3A_521 = arith.constant 0 : i32
    %dma_start3A_522 = arith.constant 0 : i32
    %dma_start3A_523 = tpu.memref_slice %arg8[%dma_start3A_520, %dma_start3A_522] : memref<8x80xf32, #tpu.memory_space<vmem>> -> memref<1x80xf32, #tpu.memory_space<vmem>>
    %dma_start3A_524 = tpu.memref_squeeze %dma_start3A_523 : memref<1x80xf32, #tpu.memory_space<vmem>> -> memref<80xf32, #tpu.memory_space<vmem>>
    %dma_start3A_525 = tpu.memref_slice %arg4[%add3A_493] : memref<320000xf32, #tpu.memory_space<hbm>> -> memref<80xf32, #tpu.memory_space<hbm>>
    %dma_start3A_526 = tpu.memref_slice %arg11[%dma_start3A_521] : memref<8x!tpu.dma_semaphore, #tpu.memory_space<semaphore_mem>> -> memref<1x!tpu.dma_semaphore, #tpu.memory_space<semaphore_mem>>
    %dma_start3A_527 = tpu.memref_squeeze %dma_start3A_526 : memref<1x!tpu.dma_semaphore, #tpu.memory_space<semaphore_mem>> -> memref<!tpu.dma_semaphore, #tpu.memory_space<semaphore_mem>>
    %dma_start3A_528 = arith.constant 0 : i32
    %dma_start3A_529 = tpu.memref_slice %arg8[%dma_start3A_520, %dma_start3A_528] : memref<8x80xf32, #tpu.memory_space<vmem>> -> memref<1x80xf32, #tpu.memory_space<vmem>>
    %dma_start3A_530 = tpu.memref_squeeze %dma_start3A_529 : memref<1x80xf32, #tpu.memory_space<vmem>> -> memref<80xf32, #tpu.memory_space<vmem>>
    %dma_start3A_531 = tpu.memref_slice %arg4[%add3A_493] : memref<320000xf32, #tpu.memory_space<hbm>> -> memref<80xf32, #tpu.memory_space<hbm>>
    tpu.enqueue_dma source(%dma_start3A_531 : memref<80xf32, #tpu.memory_space<hbm>>) target(%dma_start3A_530 : memref<80xf32, #tpu.memory_space<vmem>>) target_semaphore(%dma_start3A_527 : memref<!tpu.dma_semaphore, #tpu.memory_space<semaphore_mem>>)
    %add3A_532 = arith.constant 80 : i32
    %add3A_533 = arith.addi %mul3A_2, %add3A_532 : i32
    %add3A_534 = arith.constant 320000 : i32
    %add3A_535 = arith.addi %add3A_534, %add3A_533 : i32
    %dma_start3A_536 = arith.constant 1 : i32
    %dma_start3A_537 = arith.constant 1 : i32
    %dma_start3A_538 = arith.constant 0 : i32
    %dma_start3A_539 = tpu.memref_slice %arg6[%dma_start3A_536, %dma_start3A_538] : memref<8x80xi32, #tpu.memory_space<vmem>> -> memref<1x80xi32, #tpu.memory_space<vmem>>
    %dma_start3A_540 = tpu.memref_squeeze %dma_start3A_539 : memref<1x80xi32, #tpu.memory_space<vmem>> -> memref<80xi32, #tpu.memory_space<vmem>>
    %dma_start3A_541 = tpu.memref_slice %arg3[%add3A_535] : memref<640000xi32, #tpu.memory_space<hbm>> -> memref<80xi32, #tpu.memory_space<hbm>>
    %dma_start3A_542 = tpu.memref_slice %arg11[%dma_start3A_537] : memref<8x!tpu.dma_semaphore, #tpu.memory_space<semaphore_mem>> -> memref<1x!tpu.dma_semaphore, #tpu.memory_space<semaphore_mem>>
    %dma_start3A_543 = tpu.memref_squeeze %dma_start3A_542 : memref<1x!tpu.dma_semaphore, #tpu.memory_space<semaphore_mem>> -> memref<!tpu.dma_semaphore, #tpu.memory_space<semaphore_mem>>
    %dma_start3A_544 = arith.constant 0 : i32
    %dma_start3A_545 = tpu.memref_slice %arg6[%dma_start3A_536, %dma_start3A_544] : memref<8x80xi32, #tpu.memory_space<vmem>> -> memref<1x80xi32, #tpu.memory_space<vmem>>
    %dma_start3A_546 = tpu.memref_squeeze %dma_start3A_545 : memref<1x80xi32, #tpu.memory_space<vmem>> -> memref<80xi32, #tpu.memory_space<vmem>>
    %dma_start3A_547 = tpu.memref_slice %arg3[%add3A_535] : memref<640000xi32, #tpu.memory_space<hbm>> -> memref<80xi32, #tpu.memory_space<hbm>>
    tpu.enqueue_dma source(%dma_start3A_547 : memref<80xi32, #tpu.memory_space<hbm>>) target(%dma_start3A_546 : memref<80xi32, #tpu.memory_space<vmem>>) target_semaphore(%dma_start3A_543 : memref<!tpu.dma_semaphore, #tpu.memory_space<semaphore_mem>>)
    %dma_start3A_548 = arith.constant 1 : i32
    %dma_start3A_549 = arith.constant 1 : i32
    %dma_start3A_550 = arith.constant 0 : i32
    %dma_start3A_551 = tpu.memref_slice %arg7[%dma_start3A_548, %dma_start3A_550] : memref<8x80xi32, #tpu.memory_space<vmem>> -> memref<1x80xi32, #tpu.memory_space<vmem>>
    %dma_start3A_552 = tpu.memref_squeeze %dma_start3A_551 : memref<1x80xi32, #tpu.memory_space<vmem>> -> memref<80xi32, #tpu.memory_space<vmem>>
    %dma_start3A_553 = tpu.memref_slice %arg3[%add3A_533] : memref<640000xi32, #tpu.memory_space<hbm>> -> memref<80xi32, #tpu.memory_space<hbm>>
    %dma_start3A_554 = tpu.memref_slice %arg11[%dma_start3A_549] : memref<8x!tpu.dma_semaphore, #tpu.memory_space<semaphore_mem>> -> memref<1x!tpu.dma_semaphore, #tpu.memory_space<semaphore_mem>>
    %dma_start3A_555 = tpu.memref_squeeze %dma_start3A_554 : memref<1x!tpu.dma_semaphore, #tpu.memory_space<semaphore_mem>> -> memref<!tpu.dma_semaphore, #tpu.memory_space<semaphore_mem>>
    %dma_start3A_556 = arith.constant 0 : i32
    %dma_start3A_557 = tpu.memref_slice %arg7[%dma_start3A_548, %dma_start3A_556] : memref<8x80xi32, #tpu.memory_space<vmem>> -> memref<1x80xi32, #tpu.memory_space<vmem>>
    %dma_start3A_558 = tpu.memref_squeeze %dma_start3A_557 : memref<1x80xi32, #tpu.memory_space<vmem>> -> memref<80xi32, #tpu.memory_space<vmem>>
    %dma_start3A_559 = tpu.memref_slice %arg3[%add3A_533] : memref<640000xi32, #tpu.memory_space<hbm>> -> memref<80xi32, #tpu.memory_space<hbm>>
    tpu.enqueue_dma source(%dma_start3A_559 : memref<80xi32, #tpu.memory_space<hbm>>) target(%dma_start3A_558 : memref<80xi32, #tpu.memory_space<vmem>>) target_semaphore(%dma_start3A_555 : memref<!tpu.dma_semaphore, #tpu.memory_space<semaphore_mem>>)
    %dma_start3A_560 = arith.constant 1 : i32
    %dma_start3A_561 = arith.constant 1 : i32
    %dma_start3A_562 = arith.constant 0 : i32
    %dma_start3A_563 = tpu.memref_slice %arg8[%dma_start3A_560, %dma_start3A_562] : memref<8x80xf32, #tpu.memory_space<vmem>> -> memref<1x80xf32, #tpu.memory_space<vmem>>
    %dma_start3A_564 = tpu.memref_squeeze %dma_start3A_563 : memref<1x80xf32, #tpu.memory_space<vmem>> -> memref<80xf32, #tpu.memory_space<vmem>>
    %dma_start3A_565 = tpu.memref_slice %arg4[%add3A_533] : memref<320000xf32, #tpu.memory_space<hbm>> -> memref<80xf32, #tpu.memory_space<hbm>>
    %dma_start3A_566 = tpu.memref_slice %arg11[%dma_start3A_561] : memref<8x!tpu.dma_semaphore, #tpu.memory_space<semaphore_mem>> -> memref<1x!tpu.dma_semaphore, #tpu.memory_space<semaphore_mem>>
    %dma_start3A_567 = tpu.memref_squeeze %dma_start3A_566 : memref<1x!tpu.dma_semaphore, #tpu.memory_space<semaphore_mem>> -> memref<!tpu.dma_semaphore, #tpu.memory_space<semaphore_mem>>
    %dma_start3A_568 = arith.constant 0 : i32
    %dma_start3A_569 = tpu.memref_slice %arg8[%dma_start3A_560, %dma_start3A_568] : memref<8x80xf32, #tpu.memory_space<vmem>> -> memref<1x80xf32, #tpu.memory_space<vmem>>
    %dma_start3A_570 = tpu.memref_squeeze %dma_start3A_569 : memref<1x80xf32, #tpu.memory_space<vmem>> -> memref<80xf32, #tpu.memory_space<vmem>>
    %dma_start3A_571 = tpu.memref_slice %arg4[%add3A_533] : memref<320000xf32, #tpu.memory_space<hbm>> -> memref<80xf32, #tpu.memory_space<hbm>>
    tpu.enqueue_dma source(%dma_start3A_571 : memref<80xf32, #tpu.memory_space<hbm>>) target(%dma_start3A_570 : memref<80xf32, #tpu.memory_space<vmem>>) target_semaphore(%dma_start3A_567 : memref<!tpu.dma_semaphore, #tpu.memory_space<semaphore_mem>>)
    %add3A_572 = arith.constant 160 : i32
    %add3A_573 = arith.addi %mul3A_2, %add3A_572 : i32
    %add3A_574 = arith.constant 320000 : i32
    %add3A_575 = arith.addi %add3A_574, %add3A_573 : i32
    %dma_start3A_576 = arith.constant 2 : i32
    %dma_start3A_577 = arith.constant 2 : i32
    %dma_start3A_578 = arith.constant 0 : i32
    %dma_start3A_579 = tpu.memref_slice %arg6[%dma_start3A_576, %dma_start3A_578] : memref<8x80xi32, #tpu.memory_space<vmem>> -> memref<1x80xi32, #tpu.memory_space<vmem>>
    %dma_start3A_580 = tpu.memref_squeeze %dma_start3A_579 : memref<1x80xi32, #tpu.memory_space<vmem>> -> memref<80xi32, #tpu.memory_space<vmem>>
    %dma_start3A_581 = tpu.memref_slice %arg3[%add3A_575] : memref<640000xi32, #tpu.memory_space<hbm>> -> memref<80xi32, #tpu.memory_space<hbm>>
    %dma_start3A_582 = tpu.memref_slice %arg11[%dma_start3A_577] : memref<8x!tpu.dma_semaphore, #tpu.memory_space<semaphore_mem>> -> memref<1x!tpu.dma_semaphore, #tpu.memory_space<semaphore_mem>>
    %dma_start3A_583 = tpu.memref_squeeze %dma_start3A_582 : memref<1x!tpu.dma_semaphore, #tpu.memory_space<semaphore_mem>> -> memref<!tpu.dma_semaphore, #tpu.memory_space<semaphore_mem>>
    %dma_start3A_584 = arith.constant 0 : i32
    %dma_start3A_585 = tpu.memref_slice %arg6[%dma_start3A_576, %dma_start3A_584] : memref<8x80xi32, #tpu.memory_space<vmem>> -> memref<1x80xi32, #tpu.memory_space<vmem>>
    %dma_start3A_586 = tpu.memref_squeeze %dma_start3A_585 : memref<1x80xi32, #tpu.memory_space<vmem>> -> memref<80xi32, #tpu.memory_space<vmem>>
    %dma_start3A_587 = tpu.memref_slice %arg3[%add3A_575] : memref<640000xi32, #tpu.memory_space<hbm>> -> memref<80xi32, #tpu.memory_space<hbm>>
    tpu.enqueue_dma source(%dma_start3A_587 : memref<80xi32, #tpu.memory_space<hbm>>) target(%dma_start3A_586 : memref<80xi32, #tpu.memory_space<vmem>>) target_semaphore(%dma_start3A_583 : memref<!tpu.dma_semaphore, #tpu.memory_space<semaphore_mem>>)
    %dma_start3A_588 = arith.constant 2 : i32
    %dma_start3A_589 = arith.constant 2 : i32
    %dma_start3A_590 = arith.constant 0 : i32
    %dma_start3A_591 = tpu.memref_slice %arg7[%dma_start3A_588, %dma_start3A_590] : memref<8x80xi32, #tpu.memory_space<vmem>> -> memref<1x80xi32, #tpu.memory_space<vmem>>
    %dma_start3A_592 = tpu.memref_squeeze %dma_start3A_591 : memref<1x80xi32, #tpu.memory_space<vmem>> -> memref<80xi32, #tpu.memory_space<vmem>>
    %dma_start3A_593 = tpu.memref_slice %arg3[%add3A_573] : memref<640000xi32, #tpu.memory_space<hbm>> -> memref<80xi32, #tpu.memory_space<hbm>>
    %dma_start3A_594 = tpu.memref_slice %arg11[%dma_start3A_589] : memref<8x!tpu.dma_semaphore, #tpu.memory_space<semaphore_mem>> -> memref<1x!tpu.dma_semaphore, #tpu.memory_space<semaphore_mem>>
    %dma_start3A_595 = tpu.memref_squeeze %dma_start3A_594 : memref<1x!tpu.dma_semaphore, #tpu.memory_space<semaphore_mem>> -> memref<!tpu.dma_semaphore, #tpu.memory_space<semaphore_mem>>
    %dma_start3A_596 = arith.constant 0 : i32
    %dma_start3A_597 = tpu.memref_slice %arg7[%dma_start3A_588, %dma_start3A_596] : memref<8x80xi32, #tpu.memory_space<vmem>> -> memref<1x80xi32, #tpu.memory_space<vmem>>
    %dma_start3A_598 = tpu.memref_squeeze %dma_start3A_597 : memref<1x80xi32, #tpu.memory_space<vmem>> -> memref<80xi32, #tpu.memory_space<vmem>>
    %dma_start3A_599 = tpu.memref_slice %arg3[%add3A_573] : memref<640000xi32, #tpu.memory_space<hbm>> -> memref<80xi32, #tpu.memory_space<hbm>>
    tpu.enqueue_dma source(%dma_start3A_599 : memref<80xi32, #tpu.memory_space<hbm>>) target(%dma_start3A_598 : memref<80xi32, #tpu.memory_space<vmem>>) target_semaphore(%dma_start3A_595 : memref<!tpu.dma_semaphore, #tpu.memory_space<semaphore_mem>>)
    %dma_start3A_600 = arith.constant 2 : i32
    %dma_start3A_601 = arith.constant 2 : i32
    %dma_start3A_602 = arith.constant 0 : i32
    %dma_start3A_603 = tpu.memref_slice %arg8[%dma_start3A_600, %dma_start3A_602] : memref<8x80xf32, #tpu.memory_space<vmem>> -> memref<1x80xf32, #tpu.memory_space<vmem>>
    %dma_start3A_604 = tpu.memref_squeeze %dma_start3A_603 : memref<1x80xf32, #tpu.memory_space<vmem>> -> memref<80xf32, #tpu.memory_space<vmem>>
    %dma_start3A_605 = tpu.memref_slice %arg4[%add3A_573] : memref<320000xf32, #tpu.memory_space<hbm>> -> memref<80xf32, #tpu.memory_space<hbm>>
    %dma_start3A_606 = tpu.memref_slice %arg11[%dma_start3A_601] : memref<8x!tpu.dma_semaphore, #tpu.memory_space<semaphore_mem>> -> memref<1x!tpu.dma_semaphore, #tpu.memory_space<semaphore_mem>>
    %dma_start3A_607 = tpu.memref_squeeze %dma_start3A_606 : memref<1x!tpu.dma_semaphore, #tpu.memory_space<semaphore_mem>> -> memref<!tpu.dma_semaphore, #tpu.memory_space<semaphore_mem>>
    %dma_start3A_608 = arith.constant 0 : i32
    %dma_start3A_609 = tpu.memref_slice %arg8[%dma_start3A_600, %dma_start3A_608] : memref<8x80xf32, #tpu.memory_space<vmem>> -> memref<1x80xf32, #tpu.memory_space<vmem>>
    %dma_start3A_610 = tpu.memref_squeeze %dma_start3A_609 : memref<1x80xf32, #tpu.memory_space<vmem>> -> memref<80xf32, #tpu.memory_space<vmem>>
    %dma_start3A_611 = tpu.memref_slice %arg4[%add3A_573] : memref<320000xf32, #tpu.memory_space<hbm>> -> memref<80xf32, #tpu.memory_space<hbm>>
    tpu.enqueue_dma source(%dma_start3A_611 : memref<80xf32, #tpu.memory_space<hbm>>) target(%dma_start3A_610 : memref<80xf32, #tpu.memory_space<vmem>>) target_semaphore(%dma_start3A_607 : memref<!tpu.dma_semaphore, #tpu.memory_space<semaphore_mem>>)
    %add3A_612 = arith.constant 240 : i32
    %add3A_613 = arith.addi %mul3A_2, %add3A_612 : i32
    %add3A_614 = arith.constant 320000 : i32
    %add3A_615 = arith.addi %add3A_614, %add3A_613 : i32
    %dma_start3A_616 = arith.constant 3 : i32
    %dma_start3A_617 = arith.constant 3 : i32
    %dma_start3A_618 = arith.constant 0 : i32
    %dma_start3A_619 = tpu.memref_slice %arg6[%dma_start3A_616, %dma_start3A_618] : memref<8x80xi32, #tpu.memory_space<vmem>> -> memref<1x80xi32, #tpu.memory_space<vmem>>
    %dma_start3A_620 = tpu.memref_squeeze %dma_start3A_619 : memref<1x80xi32, #tpu.memory_space<vmem>> -> memref<80xi32, #tpu.memory_space<vmem>>
    %dma_start3A_621 = tpu.memref_slice %arg3[%add3A_615] : memref<640000xi32, #tpu.memory_space<hbm>> -> memref<80xi32, #tpu.memory_space<hbm>>
    %dma_start3A_622 = tpu.memref_slice %arg11[%dma_start3A_617] : memref<8x!tpu.dma_semaphore, #tpu.memory_space<semaphore_mem>> -> memref<1x!tpu.dma_semaphore, #tpu.memory_space<semaphore_mem>>
    %dma_start3A_623 = tpu.memref_squeeze %dma_start3A_622 : memref<1x!tpu.dma_semaphore, #tpu.memory_space<semaphore_mem>> -> memref<!tpu.dma_semaphore, #tpu.memory_space<semaphore_mem>>
    %dma_start3A_624 = arith.constant 0 : i32
    %dma_start3A_625 = tpu.memref_slice %arg6[%dma_start3A_616, %dma_start3A_624] : memref<8x80xi32, #tpu.memory_space<vmem>> -> memref<1x80xi32, #tpu.memory_space<vmem>>
    %dma_start3A_626 = tpu.memref_squeeze %dma_start3A_625 : memref<1x80xi32, #tpu.memory_space<vmem>> -> memref<80xi32, #tpu.memory_space<vmem>>
    %dma_start3A_627 = tpu.memref_slice %arg3[%add3A_615] : memref<640000xi32, #tpu.memory_space<hbm>> -> memref<80xi32, #tpu.memory_space<hbm>>
    tpu.enqueue_dma source(%dma_start3A_627 : memref<80xi32, #tpu.memory_space<hbm>>) target(%dma_start3A_626 : memref<80xi32, #tpu.memory_space<vmem>>) target_semaphore(%dma_start3A_623 : memref<!tpu.dma_semaphore, #tpu.memory_space<semaphore_mem>>)
    %dma_start3A_628 = arith.constant 3 : i32
    %dma_start3A_629 = arith.constant 3 : i32
    %dma_start3A_630 = arith.constant 0 : i32
    %dma_start3A_631 = tpu.memref_slice %arg7[%dma_start3A_628, %dma_start3A_630] : memref<8x80xi32, #tpu.memory_space<vmem>> -> memref<1x80xi32, #tpu.memory_space<vmem>>
    %dma_start3A_632 = tpu.memref_squeeze %dma_start3A_631 : memref<1x80xi32, #tpu.memory_space<vmem>> -> memref<80xi32, #tpu.memory_space<vmem>>
    %dma_start3A_633 = tpu.memref_slice %arg3[%add3A_613] : memref<640000xi32, #tpu.memory_space<hbm>> -> memref<80xi32, #tpu.memory_space<hbm>>
    %dma_start3A_634 = tpu.memref_slice %arg11[%dma_start3A_629] : memref<8x!tpu.dma_semaphore, #tpu.memory_space<semaphore_mem>> -> memref<1x!tpu.dma_semaphore, #tpu.memory_space<semaphore_mem>>
    %dma_start3A_635 = tpu.memref_squeeze %dma_start3A_634 : memref<1x!tpu.dma_semaphore, #tpu.memory_space<semaphore_mem>> -> memref<!tpu.dma_semaphore, #tpu.memory_space<semaphore_mem>>
    %dma_start3A_636 = arith.constant 0 : i32
    %dma_start3A_637 = tpu.memref_slice %arg7[%dma_start3A_628, %dma_start3A_636] : memref<8x80xi32, #tpu.memory_space<vmem>> -> memref<1x80xi32, #tpu.memory_space<vmem>>
    %dma_start3A_638 = tpu.memref_squeeze %dma_start3A_637 : memref<1x80xi32, #tpu.memory_space<vmem>> -> memref<80xi32, #tpu.memory_space<vmem>>
    %dma_start3A_639 = tpu.memref_slice %arg3[%add3A_613] : memref<640000xi32, #tpu.memory_space<hbm>> -> memref<80xi32, #tpu.memory_space<hbm>>
    tpu.enqueue_dma source(%dma_start3A_639 : memref<80xi32, #tpu.memory_space<hbm>>) target(%dma_start3A_638 : memref<80xi32, #tpu.memory_space<vmem>>) target_semaphore(%dma_start3A_635 : memref<!tpu.dma_semaphore, #tpu.memory_space<semaphore_mem>>)
    %dma_start3A_640 = arith.constant 3 : i32
    %dma_start3A_641 = arith.constant 3 : i32
    %dma_start3A_642 = arith.constant 0 : i32
    %dma_start3A_643 = tpu.memref_slice %arg8[%dma_start3A_640, %dma_start3A_642] : memref<8x80xf32, #tpu.memory_space<vmem>> -> memref<1x80xf32, #tpu.memory_space<vmem>>
    %dma_start3A_644 = tpu.memref_squeeze %dma_start3A_643 : memref<1x80xf32, #tpu.memory_space<vmem>> -> memref<80xf32, #tpu.memory_space<vmem>>
    %dma_start3A_645 = tpu.memref_slice %arg4[%add3A_613] : memref<320000xf32, #tpu.memory_space<hbm>> -> memref<80xf32, #tpu.memory_space<hbm>>
    %dma_start3A_646 = tpu.memref_slice %arg11[%dma_start3A_641] : memref<8x!tpu.dma_semaphore, #tpu.memory_space<semaphore_mem>> -> memref<1x!tpu.dma_semaphore, #tpu.memory_space<semaphore_mem>>
    %dma_start3A_647 = tpu.memref_squeeze %dma_start3A_646 : memref<1x!tpu.dma_semaphore, #tpu.memory_space<semaphore_mem>> -> memref<!tpu.dma_semaphore, #tpu.memory_space<semaphore_mem>>
    %dma_start3A_648 = arith.constant 0 : i32
    %dma_start3A_649 = tpu.memref_slice %arg8[%dma_start3A_640, %dma_start3A_648] : memref<8x80xf32, #tpu.memory_space<vmem>> -> memref<1x80xf32, #tpu.memory_space<vmem>>
    %dma_start3A_650 = tpu.memref_squeeze %dma_start3A_649 : memref<1x80xf32, #tpu.memory_space<vmem>> -> memref<80xf32, #tpu.memory_space<vmem>>
    %dma_start3A_651 = tpu.memref_slice %arg4[%add3A_613] : memref<320000xf32, #tpu.memory_space<hbm>> -> memref<80xf32, #tpu.memory_space<hbm>>
    tpu.enqueue_dma source(%dma_start3A_651 : memref<80xf32, #tpu.memory_space<hbm>>) target(%dma_start3A_650 : memref<80xf32, #tpu.memory_space<vmem>>) target_semaphore(%dma_start3A_647 : memref<!tpu.dma_semaphore, #tpu.memory_space<semaphore_mem>>)
    %add3A_652 = arith.constant 320 : i32
    %add3A_653 = arith.addi %mul3A_2, %add3A_652 : i32
    %add3A_654 = arith.constant 320000 : i32
    %add3A_655 = arith.addi %add3A_654, %add3A_653 : i32
    %dma_start3A_656 = arith.constant 4 : i32
    %dma_start3A_657 = arith.constant 4 : i32
    %dma_start3A_658 = arith.constant 0 : i32
    %dma_start3A_659 = tpu.memref_slice %arg6[%dma_start3A_656, %dma_start3A_658] : memref<8x80xi32, #tpu.memory_space<vmem>> -> memref<1x80xi32, #tpu.memory_space<vmem>>
    %dma_start3A_660 = tpu.memref_squeeze %dma_start3A_659 : memref<1x80xi32, #tpu.memory_space<vmem>> -> memref<80xi32, #tpu.memory_space<vmem>>
    %dma_start3A_661 = tpu.memref_slice %arg3[%add3A_655] : memref<640000xi32, #tpu.memory_space<hbm>> -> memref<80xi32, #tpu.memory_space<hbm>>
    %dma_start3A_662 = tpu.memref_slice %arg11[%dma_start3A_657] : memref<8x!tpu.dma_semaphore, #tpu.memory_space<semaphore_mem>> -> memref<1x!tpu.dma_semaphore, #tpu.memory_space<semaphore_mem>>
    %dma_start3A_663 = tpu.memref_squeeze %dma_start3A_662 : memref<1x!tpu.dma_semaphore, #tpu.memory_space<semaphore_mem>> -> memref<!tpu.dma_semaphore, #tpu.memory_space<semaphore_mem>>
    %dma_start3A_664 = arith.constant 0 : i32
    %dma_start3A_665 = tpu.memref_slice %arg6[%dma_start3A_656, %dma_start3A_664] : memref<8x80xi32, #tpu.memory_space<vmem>> -> memref<1x80xi32, #tpu.memory_space<vmem>>
    %dma_start3A_666 = tpu.memref_squeeze %dma_start3A_665 : memref<1x80xi32, #tpu.memory_space<vmem>> -> memref<80xi32, #tpu.memory_space<vmem>>
    %dma_start3A_667 = tpu.memref_slice %arg3[%add3A_655] : memref<640000xi32, #tpu.memory_space<hbm>> -> memref<80xi32, #tpu.memory_space<hbm>>
    tpu.enqueue_dma source(%dma_start3A_667 : memref<80xi32, #tpu.memory_space<hbm>>) target(%dma_start3A_666 : memref<80xi32, #tpu.memory_space<vmem>>) target_semaphore(%dma_start3A_663 : memref<!tpu.dma_semaphore, #tpu.memory_space<semaphore_mem>>)
    %dma_start3A_668 = arith.constant 4 : i32
    %dma_start3A_669 = arith.constant 4 : i32
    %dma_start3A_670 = arith.constant 0 : i32
    %dma_start3A_671 = tpu.memref_slice %arg7[%dma_start3A_668, %dma_start3A_670] : memref<8x80xi32, #tpu.memory_space<vmem>> -> memref<1x80xi32, #tpu.memory_space<vmem>>
    %dma_start3A_672 = tpu.memref_squeeze %dma_start3A_671 : memref<1x80xi32, #tpu.memory_space<vmem>> -> memref<80xi32, #tpu.memory_space<vmem>>
    %dma_start3A_673 = tpu.memref_slice %arg3[%add3A_653] : memref<640000xi32, #tpu.memory_space<hbm>> -> memref<80xi32, #tpu.memory_space<hbm>>
    %dma_start3A_674 = tpu.memref_slice %arg11[%dma_start3A_669] : memref<8x!tpu.dma_semaphore, #tpu.memory_space<semaphore_mem>> -> memref<1x!tpu.dma_semaphore, #tpu.memory_space<semaphore_mem>>
    %dma_start3A_675 = tpu.memref_squeeze %dma_start3A_674 : memref<1x!tpu.dma_semaphore, #tpu.memory_space<semaphore_mem>> -> memref<!tpu.dma_semaphore, #tpu.memory_space<semaphore_mem>>
    %dma_start3A_676 = arith.constant 0 : i32
    %dma_start3A_677 = tpu.memref_slice %arg7[%dma_start3A_668, %dma_start3A_676] : memref<8x80xi32, #tpu.memory_space<vmem>> -> memref<1x80xi32, #tpu.memory_space<vmem>>
    %dma_start3A_678 = tpu.memref_squeeze %dma_start3A_677 : memref<1x80xi32, #tpu.memory_space<vmem>> -> memref<80xi32, #tpu.memory_space<vmem>>
    %dma_start3A_679 = tpu.memref_slice %arg3[%add3A_653] : memref<640000xi32, #tpu.memory_space<hbm>> -> memref<80xi32, #tpu.memory_space<hbm>>
    tpu.enqueue_dma source(%dma_start3A_679 : memref<80xi32, #tpu.memory_space<hbm>>) target(%dma_start3A_678 : memref<80xi32, #tpu.memory_space<vmem>>) target_semaphore(%dma_start3A_675 : memref<!tpu.dma_semaphore, #tpu.memory_space<semaphore_mem>>)
    %dma_start3A_680 = arith.constant 4 : i32
    %dma_start3A_681 = arith.constant 4 : i32
    %dma_start3A_682 = arith.constant 0 : i32
    %dma_start3A_683 = tpu.memref_slice %arg8[%dma_start3A_680, %dma_start3A_682] : memref<8x80xf32, #tpu.memory_space<vmem>> -> memref<1x80xf32, #tpu.memory_space<vmem>>
    %dma_start3A_684 = tpu.memref_squeeze %dma_start3A_683 : memref<1x80xf32, #tpu.memory_space<vmem>> -> memref<80xf32, #tpu.memory_space<vmem>>
    %dma_start3A_685 = tpu.memref_slice %arg4[%add3A_653] : memref<320000xf32, #tpu.memory_space<hbm>> -> memref<80xf32, #tpu.memory_space<hbm>>
    %dma_start3A_686 = tpu.memref_slice %arg11[%dma_start3A_681] : memref<8x!tpu.dma_semaphore, #tpu.memory_space<semaphore_mem>> -> memref<1x!tpu.dma_semaphore, #tpu.memory_space<semaphore_mem>>
    %dma_start3A_687 = tpu.memref_squeeze %dma_start3A_686 : memref<1x!tpu.dma_semaphore, #tpu.memory_space<semaphore_mem>> -> memref<!tpu.dma_semaphore, #tpu.memory_space<semaphore_mem>>
    %dma_start3A_688 = arith.constant 0 : i32
    %dma_start3A_689 = tpu.memref_slice %arg8[%dma_start3A_680, %dma_start3A_688] : memref<8x80xf32, #tpu.memory_space<vmem>> -> memref<1x80xf32, #tpu.memory_space<vmem>>
    %dma_start3A_690 = tpu.memref_squeeze %dma_start3A_689 : memref<1x80xf32, #tpu.memory_space<vmem>> -> memref<80xf32, #tpu.memory_space<vmem>>
    %dma_start3A_691 = tpu.memref_slice %arg4[%add3A_653] : memref<320000xf32, #tpu.memory_space<hbm>> -> memref<80xf32, #tpu.memory_space<hbm>>
    tpu.enqueue_dma source(%dma_start3A_691 : memref<80xf32, #tpu.memory_space<hbm>>) target(%dma_start3A_690 : memref<80xf32, #tpu.memory_space<vmem>>) target_semaphore(%dma_start3A_687 : memref<!tpu.dma_semaphore, #tpu.memory_space<semaphore_mem>>)
    %add3A_692 = arith.constant 400 : i32
    %add3A_693 = arith.addi %mul3A_2, %add3A_692 : i32
    %add3A_694 = arith.constant 320000 : i32
    %add3A_695 = arith.addi %add3A_694, %add3A_693 : i32
    %dma_start3A_696 = arith.constant 5 : i32
    %dma_start3A_697 = arith.constant 5 : i32
    %dma_start3A_698 = arith.constant 0 : i32
    %dma_start3A_699 = tpu.memref_slice %arg6[%dma_start3A_696, %dma_start3A_698] : memref<8x80xi32, #tpu.memory_space<vmem>> -> memref<1x80xi32, #tpu.memory_space<vmem>>
    %dma_start3A_700 = tpu.memref_squeeze %dma_start3A_699 : memref<1x80xi32, #tpu.memory_space<vmem>> -> memref<80xi32, #tpu.memory_space<vmem>>
    %dma_start3A_701 = tpu.memref_slice %arg3[%add3A_695] : memref<640000xi32, #tpu.memory_space<hbm>> -> memref<80xi32, #tpu.memory_space<hbm>>
    %dma_start3A_702 = tpu.memref_slice %arg11[%dma_start3A_697] : memref<8x!tpu.dma_semaphore, #tpu.memory_space<semaphore_mem>> -> memref<1x!tpu.dma_semaphore, #tpu.memory_space<semaphore_mem>>
    %dma_start3A_703 = tpu.memref_squeeze %dma_start3A_702 : memref<1x!tpu.dma_semaphore, #tpu.memory_space<semaphore_mem>> -> memref<!tpu.dma_semaphore, #tpu.memory_space<semaphore_mem>>
    %dma_start3A_704 = arith.constant 0 : i32
    %dma_start3A_705 = tpu.memref_slice %arg6[%dma_start3A_696, %dma_start3A_704] : memref<8x80xi32, #tpu.memory_space<vmem>> -> memref<1x80xi32, #tpu.memory_space<vmem>>
    %dma_start3A_706 = tpu.memref_squeeze %dma_start3A_705 : memref<1x80xi32, #tpu.memory_space<vmem>> -> memref<80xi32, #tpu.memory_space<vmem>>
    %dma_start3A_707 = tpu.memref_slice %arg3[%add3A_695] : memref<640000xi32, #tpu.memory_space<hbm>> -> memref<80xi32, #tpu.memory_space<hbm>>
    tpu.enqueue_dma source(%dma_start3A_707 : memref<80xi32, #tpu.memory_space<hbm>>) target(%dma_start3A_706 : memref<80xi32, #tpu.memory_space<vmem>>) target_semaphore(%dma_start3A_703 : memref<!tpu.dma_semaphore, #tpu.memory_space<semaphore_mem>>)
    %dma_start3A_708 = arith.constant 5 : i32
    %dma_start3A_709 = arith.constant 5 : i32
    %dma_start3A_710 = arith.constant 0 : i32
    %dma_start3A_711 = tpu.memref_slice %arg7[%dma_start3A_708, %dma_start3A_710] : memref<8x80xi32, #tpu.memory_space<vmem>> -> memref<1x80xi32, #tpu.memory_space<vmem>>
    %dma_start3A_712 = tpu.memref_squeeze %dma_start3A_711 : memref<1x80xi32, #tpu.memory_space<vmem>> -> memref<80xi32, #tpu.memory_space<vmem>>
    %dma_start3A_713 = tpu.memref_slice %arg3[%add3A_693] : memref<640000xi32, #tpu.memory_space<hbm>> -> memref<80xi32, #tpu.memory_space<hbm>>
    %dma_start3A_714 = tpu.memref_slice %arg11[%dma_start3A_709] : memref<8x!tpu.dma_semaphore, #tpu.memory_space<semaphore_mem>> -> memref<1x!tpu.dma_semaphore, #tpu.memory_space<semaphore_mem>>
    %dma_start3A_715 = tpu.memref_squeeze %dma_start3A_714 : memref<1x!tpu.dma_semaphore, #tpu.memory_space<semaphore_mem>> -> memref<!tpu.dma_semaphore, #tpu.memory_space<semaphore_mem>>
    %dma_start3A_716 = arith.constant 0 : i32
    %dma_start3A_717 = tpu.memref_slice %arg7[%dma_start3A_708, %dma_start3A_716] : memref<8x80xi32, #tpu.memory_space<vmem>> -> memref<1x80xi32, #tpu.memory_space<vmem>>
    %dma_start3A_718 = tpu.memref_squeeze %dma_start3A_717 : memref<1x80xi32, #tpu.memory_space<vmem>> -> memref<80xi32, #tpu.memory_space<vmem>>
    %dma_start3A_719 = tpu.memref_slice %arg3[%add3A_693] : memref<640000xi32, #tpu.memory_space<hbm>> -> memref<80xi32, #tpu.memory_space<hbm>>
    tpu.enqueue_dma source(%dma_start3A_719 : memref<80xi32, #tpu.memory_space<hbm>>) target(%dma_start3A_718 : memref<80xi32, #tpu.memory_space<vmem>>) target_semaphore(%dma_start3A_715 : memref<!tpu.dma_semaphore, #tpu.memory_space<semaphore_mem>>)
    %dma_start3A_720 = arith.constant 5 : i32
    %dma_start3A_721 = arith.constant 5 : i32
    %dma_start3A_722 = arith.constant 0 : i32
    %dma_start3A_723 = tpu.memref_slice %arg8[%dma_start3A_720, %dma_start3A_722] : memref<8x80xf32, #tpu.memory_space<vmem>> -> memref<1x80xf32, #tpu.memory_space<vmem>>
    %dma_start3A_724 = tpu.memref_squeeze %dma_start3A_723 : memref<1x80xf32, #tpu.memory_space<vmem>> -> memref<80xf32, #tpu.memory_space<vmem>>
    %dma_start3A_725 = tpu.memref_slice %arg4[%add3A_693] : memref<320000xf32, #tpu.memory_space<hbm>> -> memref<80xf32, #tpu.memory_space<hbm>>
    %dma_start3A_726 = tpu.memref_slice %arg11[%dma_start3A_721] : memref<8x!tpu.dma_semaphore, #tpu.memory_space<semaphore_mem>> -> memref<1x!tpu.dma_semaphore, #tpu.memory_space<semaphore_mem>>
    %dma_start3A_727 = tpu.memref_squeeze %dma_start3A_726 : memref<1x!tpu.dma_semaphore, #tpu.memory_space<semaphore_mem>> -> memref<!tpu.dma_semaphore, #tpu.memory_space<semaphore_mem>>
    %dma_start3A_728 = arith.constant 0 : i32
    %dma_start3A_729 = tpu.memref_slice %arg8[%dma_start3A_720, %dma_start3A_728] : memref<8x80xf32, #tpu.memory_space<vmem>> -> memref<1x80xf32, #tpu.memory_space<vmem>>
    %dma_start3A_730 = tpu.memref_squeeze %dma_start3A_729 : memref<1x80xf32, #tpu.memory_space<vmem>> -> memref<80xf32, #tpu.memory_space<vmem>>
    %dma_start3A_731 = tpu.memref_slice %arg4[%add3A_693] : memref<320000xf32, #tpu.memory_space<hbm>> -> memref<80xf32, #tpu.memory_space<hbm>>
    tpu.enqueue_dma source(%dma_start3A_731 : memref<80xf32, #tpu.memory_space<hbm>>) target(%dma_start3A_730 : memref<80xf32, #tpu.memory_space<vmem>>) target_semaphore(%dma_start3A_727 : memref<!tpu.dma_semaphore, #tpu.memory_space<semaphore_mem>>)
    %dma_wait3A_732 = arith.constant 0 : i32
    %dma_wait3A_733 = arith.constant 0 : i32
    %dma_wait3A_734 = arith.constant 0 : i32
    %dma_wait3A_735 = tpu.memref_slice %arg6[%dma_wait3A_732, %dma_wait3A_734] : memref<8x80xi32, #tpu.memory_space<vmem>> -> memref<1x80xi32, #tpu.memory_space<vmem>>
    %dma_wait3A_736 = tpu.memref_squeeze %dma_wait3A_735 : memref<1x80xi32, #tpu.memory_space<vmem>> -> memref<80xi32, #tpu.memory_space<vmem>>
    %dma_wait3A_737 = arith.constant 0 : i32
    %dma_wait3A_738 = tpu.memref_slice %arg3[%dma_wait3A_737] : memref<640000xi32, #tpu.memory_space<hbm>> -> memref<80xi32, #tpu.memory_space<hbm>>
    %dma_wait3A_739 = tpu.memref_slice %arg11[%dma_wait3A_733] : memref<8x!tpu.dma_semaphore, #tpu.memory_space<semaphore_mem>> -> memref<1x!tpu.dma_semaphore, #tpu.memory_space<semaphore_mem>>
    %dma_wait3A_740 = tpu.memref_squeeze %dma_wait3A_739 : memref<1x!tpu.dma_semaphore, #tpu.memory_space<semaphore_mem>> -> memref<!tpu.dma_semaphore, #tpu.memory_space<semaphore_mem>>
    %dma_wait3A_741 = arith.constant 0 : i32
    %dma_wait3A_742 = tpu.memref_slice %arg6[%dma_wait3A_732, %dma_wait3A_741] : memref<8x80xi32, #tpu.memory_space<vmem>> -> memref<1x80xi32, #tpu.memory_space<vmem>>
    %dma_wait3A_743 = tpu.memref_squeeze %dma_wait3A_742 : memref<1x80xi32, #tpu.memory_space<vmem>> -> memref<80xi32, #tpu.memory_space<vmem>>
    %dma_wait3A_744 = arith.constant 0 : i32
    %dma_wait3A_745 = tpu.memref_slice %arg3[%dma_wait3A_744] : memref<640000xi32, #tpu.memory_space<hbm>> -> memref<80xi32, #tpu.memory_space<hbm>>
    tpu.wait_dma2 semaphore(%dma_wait3A_740 : memref<!tpu.dma_semaphore, #tpu.memory_space<semaphore_mem>>) src(%dma_wait3A_745 : memref<80xi32, #tpu.memory_space<hbm>>) dst(%dma_wait3A_743 : memref<80xi32, #tpu.memory_space<vmem>>)
    %dma_wait3A_746 = arith.constant 0 : i32
    %dma_wait3A_747 = arith.constant 0 : i32
    %dma_wait3A_748 = arith.constant 0 : i32
    %dma_wait3A_749 = tpu.memref_slice %arg7[%dma_wait3A_746, %dma_wait3A_748] : memref<8x80xi32, #tpu.memory_space<vmem>> -> memref<1x80xi32, #tpu.memory_space<vmem>>
    %dma_wait3A_750 = tpu.memref_squeeze %dma_wait3A_749 : memref<1x80xi32, #tpu.memory_space<vmem>> -> memref<80xi32, #tpu.memory_space<vmem>>
    %dma_wait3A_751 = arith.constant 0 : i32
    %dma_wait3A_752 = tpu.memref_slice %arg3[%dma_wait3A_751] : memref<640000xi32, #tpu.memory_space<hbm>> -> memref<80xi32, #tpu.memory_space<hbm>>
    %dma_wait3A_753 = tpu.memref_slice %arg11[%dma_wait3A_747] : memref<8x!tpu.dma_semaphore, #tpu.memory_space<semaphore_mem>> -> memref<1x!tpu.dma_semaphore, #tpu.memory_space<semaphore_mem>>
    %dma_wait3A_754 = tpu.memref_squeeze %dma_wait3A_753 : memref<1x!tpu.dma_semaphore, #tpu.memory_space<semaphore_mem>> -> memref<!tpu.dma_semaphore, #tpu.memory_space<semaphore_mem>>
    %dma_wait3A_755 = arith.constant 0 : i32
    %dma_wait3A_756 = tpu.memref_slice %arg7[%dma_wait3A_746, %dma_wait3A_755] : memref<8x80xi32, #tpu.memory_space<vmem>> -> memref<1x80xi32, #tpu.memory_space<vmem>>
    %dma_wait3A_757 = tpu.memref_squeeze %dma_wait3A_756 : memref<1x80xi32, #tpu.memory_space<vmem>> -> memref<80xi32, #tpu.memory_space<vmem>>
    %dma_wait3A_758 = arith.constant 0 : i32
    %dma_wait3A_759 = tpu.memref_slice %arg3[%dma_wait3A_758] : memref<640000xi32, #tpu.memory_space<hbm>> -> memref<80xi32, #tpu.memory_space<hbm>>
    tpu.wait_dma2 semaphore(%dma_wait3A_754 : memref<!tpu.dma_semaphore, #tpu.memory_space<semaphore_mem>>) src(%dma_wait3A_759 : memref<80xi32, #tpu.memory_space<hbm>>) dst(%dma_wait3A_757 : memref<80xi32, #tpu.memory_space<vmem>>)
    %dma_wait3A_760 = arith.constant 0 : i32
    %dma_wait3A_761 = arith.constant 0 : i32
    %dma_wait3A_762 = arith.constant 0 : i32
    %dma_wait3A_763 = tpu.memref_slice %arg8[%dma_wait3A_760, %dma_wait3A_762] : memref<8x80xf32, #tpu.memory_space<vmem>> -> memref<1x80xf32, #tpu.memory_space<vmem>>
    %dma_wait3A_764 = tpu.memref_squeeze %dma_wait3A_763 : memref<1x80xf32, #tpu.memory_space<vmem>> -> memref<80xf32, #tpu.memory_space<vmem>>
    %dma_wait3A_765 = arith.constant 0 : i32
    %dma_wait3A_766 = tpu.memref_slice %arg4[%dma_wait3A_765] : memref<320000xf32, #tpu.memory_space<hbm>> -> memref<80xf32, #tpu.memory_space<hbm>>
    %dma_wait3A_767 = tpu.memref_slice %arg11[%dma_wait3A_761] : memref<8x!tpu.dma_semaphore, #tpu.memory_space<semaphore_mem>> -> memref<1x!tpu.dma_semaphore, #tpu.memory_space<semaphore_mem>>
    %dma_wait3A_768 = tpu.memref_squeeze %dma_wait3A_767 : memref<1x!tpu.dma_semaphore, #tpu.memory_space<semaphore_mem>> -> memref<!tpu.dma_semaphore, #tpu.memory_space<semaphore_mem>>
    %dma_wait3A_769 = arith.constant 0 : i32
    %dma_wait3A_770 = tpu.memref_slice %arg8[%dma_wait3A_760, %dma_wait3A_769] : memref<8x80xf32, #tpu.memory_space<vmem>> -> memref<1x80xf32, #tpu.memory_space<vmem>>
    %dma_wait3A_771 = tpu.memref_squeeze %dma_wait3A_770 : memref<1x80xf32, #tpu.memory_space<vmem>> -> memref<80xf32, #tpu.memory_space<vmem>>
    %dma_wait3A_772 = arith.constant 0 : i32
    %dma_wait3A_773 = tpu.memref_slice %arg4[%dma_wait3A_772] : memref<320000xf32, #tpu.memory_space<hbm>> -> memref<80xf32, #tpu.memory_space<hbm>>
    tpu.wait_dma2 semaphore(%dma_wait3A_768 : memref<!tpu.dma_semaphore, #tpu.memory_space<semaphore_mem>>) src(%dma_wait3A_773 : memref<80xf32, #tpu.memory_space<hbm>>) dst(%dma_wait3A_771 : memref<80xf32, #tpu.memory_space<vmem>>)
    %dma_start3A_774 = arith.constant 0 : i32
    %dma_start3A_775 = arith.constant 0 : i32
    %dma_start3A_776 = arith.constant 0 : i32
    %dma_start3A_777 = arith.constant 0 : i32
    %dma_start3A_778 = arith.constant 0 : i32
    %dma_start3A_779 = tpu.memref_slice %arg9[%dma_start3A_775, %dma_start3A_777, %dma_start3A_778] : memref<4x80x128xf32, #tpu.memory_space<vmem>> -> memref<1x80x128xf32, #tpu.memory_space<vmem>>
    %dma_start3A_780 = tpu.memref_squeeze %dma_start3A_779 : memref<1x80x128xf32, #tpu.memory_space<vmem>> -> memref<80x128xf32, #tpu.memory_space<vmem>>
    %dma_start3A_781 = arith.constant 0 : i32
    %dma_start3A_782 = tpu.memref_slice %arg6[%dma_start3A_774, %dma_start3A_781] : memref<8x80xi32, #tpu.memory_space<vmem>> -> memref<1x80xi32, #tpu.memory_space<vmem>>
    %dma_start3A_783 = tpu.memref_squeeze %dma_start3A_782 : memref<1x80xi32, #tpu.memory_space<vmem>> -> memref<80xi32, #tpu.memory_space<vmem>>
    %dma_start3A_784 = arith.constant 0 : i32
    %dma_start3A_785 = arith.constant 0 : i32
    %dma_start3A_786 = tpu.memref_slice %arg2[%dma_start3A_784, %dma_start3A_785] : memref<10000x128xf32, #tpu.memory_space<hbm>> -> memref<10000x128xf32, #tpu.memory_space<hbm>>
    %dma_start3A_787 = tpu.memref_slice %arg12[%dma_start3A_776] : memref<4x!tpu.dma_semaphore, #tpu.memory_space<semaphore_mem>> -> memref<1x!tpu.dma_semaphore, #tpu.memory_space<semaphore_mem>>
    %dma_start3A_788 = tpu.memref_squeeze %dma_start3A_787 : memref<1x!tpu.dma_semaphore, #tpu.memory_space<semaphore_mem>> -> memref<!tpu.dma_semaphore, #tpu.memory_space<semaphore_mem>>
    tpu.enqueue_indirect_dma source(%dma_start3A_786 : memref<10000x128xf32, #tpu.memory_space<hbm>>) target(%dma_start3A_780 : memref<80x128xf32, #tpu.memory_space<vmem>>) offsets(%dma_start3A_783 : memref<80xi32, #tpu.memory_space<vmem>>) semaphore(%dma_start3A_788 : memref<!tpu.dma_semaphore, #tpu.memory_space<semaphore_mem>>)
    %dma_wait3A_789 = arith.constant 1 : i32
    %dma_wait3A_790 = arith.constant 1 : i32
    %dma_wait3A_791 = arith.constant 0 : i32
    %dma_wait3A_792 = tpu.memref_slice %arg6[%dma_wait3A_789, %dma_wait3A_791] : memref<8x80xi32, #tpu.memory_space<vmem>> -> memref<1x80xi32, #tpu.memory_space<vmem>>
    %dma_wait3A_793 = tpu.memref_squeeze %dma_wait3A_792 : memref<1x80xi32, #tpu.memory_space<vmem>> -> memref<80xi32, #tpu.memory_space<vmem>>
    %dma_wait3A_794 = arith.constant 0 : i32
    %dma_wait3A_795 = tpu.memref_slice %arg3[%dma_wait3A_794] : memref<640000xi32, #tpu.memory_space<hbm>> -> memref<80xi32, #tpu.memory_space<hbm>>
    %dma_wait3A_796 = tpu.memref_slice %arg11[%dma_wait3A_790] : memref<8x!tpu.dma_semaphore, #tpu.memory_space<semaphore_mem>> -> memref<1x!tpu.dma_semaphore, #tpu.memory_space<semaphore_mem>>
    %dma_wait3A_797 = tpu.memref_squeeze %dma_wait3A_796 : memref<1x!tpu.dma_semaphore, #tpu.memory_space<semaphore_mem>> -> memref<!tpu.dma_semaphore, #tpu.memory_space<semaphore_mem>>
    %dma_wait3A_798 = arith.constant 0 : i32
    %dma_wait3A_799 = tpu.memref_slice %arg6[%dma_wait3A_789, %dma_wait3A_798] : memref<8x80xi32, #tpu.memory_space<vmem>> -> memref<1x80xi32, #tpu.memory_space<vmem>>
    %dma_wait3A_800 = tpu.memref_squeeze %dma_wait3A_799 : memref<1x80xi32, #tpu.memory_space<vmem>> -> memref<80xi32, #tpu.memory_space<vmem>>
    %dma_wait3A_801 = arith.constant 0 : i32
    %dma_wait3A_802 = tpu.memref_slice %arg3[%dma_wait3A_801] : memref<640000xi32, #tpu.memory_space<hbm>> -> memref<80xi32, #tpu.memory_space<hbm>>
    tpu.wait_dma2 semaphore(%dma_wait3A_797 : memref<!tpu.dma_semaphore, #tpu.memory_space<semaphore_mem>>) src(%dma_wait3A_802 : memref<80xi32, #tpu.memory_space<hbm>>) dst(%dma_wait3A_800 : memref<80xi32, #tpu.memory_space<vmem>>)
    %dma_wait3A_803 = arith.constant 1 : i32
    %dma_wait3A_804 = arith.constant 1 : i32
    %dma_wait3A_805 = arith.constant 0 : i32
    %dma_wait3A_806 = tpu.memref_slice %arg7[%dma_wait3A_803, %dma_wait3A_805] : memref<8x80xi32, #tpu.memory_space<vmem>> -> memref<1x80xi32, #tpu.memory_space<vmem>>
    %dma_wait3A_807 = tpu.memref_squeeze %dma_wait3A_806 : memref<1x80xi32, #tpu.memory_space<vmem>> -> memref<80xi32, #tpu.memory_space<vmem>>
    %dma_wait3A_808 = arith.constant 0 : i32
    %dma_wait3A_809 = tpu.memref_slice %arg3[%dma_wait3A_808] : memref<640000xi32, #tpu.memory_space<hbm>> -> memref<80xi32, #tpu.memory_space<hbm>>
    %dma_wait3A_810 = tpu.memref_slice %arg11[%dma_wait3A_804] : memref<8x!tpu.dma_semaphore, #tpu.memory_space<semaphore_mem>> -> memref<1x!tpu.dma_semaphore, #tpu.memory_space<semaphore_mem>>
    %dma_wait3A_811 = tpu.memref_squeeze %dma_wait3A_810 : memref<1x!tpu.dma_semaphore, #tpu.memory_space<semaphore_mem>> -> memref<!tpu.dma_semaphore, #tpu.memory_space<semaphore_mem>>
    %dma_wait3A_812 = arith.constant 0 : i32
    %dma_wait3A_813 = tpu.memref_slice %arg7[%dma_wait3A_803, %dma_wait3A_812] : memref<8x80xi32, #tpu.memory_space<vmem>> -> memref<1x80xi32, #tpu.memory_space<vmem>>
    %dma_wait3A_814 = tpu.memref_squeeze %dma_wait3A_813 : memref<1x80xi32, #tpu.memory_space<vmem>> -> memref<80xi32, #tpu.memory_space<vmem>>
    %dma_wait3A_815 = arith.constant 0 : i32
    %dma_wait3A_816 = tpu.memref_slice %arg3[%dma_wait3A_815] : memref<640000xi32, #tpu.memory_space<hbm>> -> memref<80xi32, #tpu.memory_space<hbm>>
    tpu.wait_dma2 semaphore(%dma_wait3A_811 : memref<!tpu.dma_semaphore, #tpu.memory_space<semaphore_mem>>) src(%dma_wait3A_816 : memref<80xi32, #tpu.memory_space<hbm>>) dst(%dma_wait3A_814 : memref<80xi32, #tpu.memory_space<vmem>>)
    %dma_wait3A_817 = arith.constant 1 : i32
    %dma_wait3A_818 = arith.constant 1 : i32
    %dma_wait3A_819 = arith.constant 0 : i32
    %dma_wait3A_820 = tpu.memref_slice %arg8[%dma_wait3A_817, %dma_wait3A_819] : memref<8x80xf32, #tpu.memory_space<vmem>> -> memref<1x80xf32, #tpu.memory_space<vmem>>
    %dma_wait3A_821 = tpu.memref_squeeze %dma_wait3A_820 : memref<1x80xf32, #tpu.memory_space<vmem>> -> memref<80xf32, #tpu.memory_space<vmem>>
    %dma_wait3A_822 = arith.constant 0 : i32
    %dma_wait3A_823 = tpu.memref_slice %arg4[%dma_wait3A_822] : memref<320000xf32, #tpu.memory_space<hbm>> -> memref<80xf32, #tpu.memory_space<hbm>>
    %dma_wait3A_824 = tpu.memref_slice %arg11[%dma_wait3A_818] : memref<8x!tpu.dma_semaphore, #tpu.memory_space<semaphore_mem>> -> memref<1x!tpu.dma_semaphore, #tpu.memory_space<semaphore_mem>>
    %dma_wait3A_825 = tpu.memref_squeeze %dma_wait3A_824 : memref<1x!tpu.dma_semaphore, #tpu.memory_space<semaphore_mem>> -> memref<!tpu.dma_semaphore, #tpu.memory_space<semaphore_mem>>
    %dma_wait3A_826 = arith.constant 0 : i32
    %dma_wait3A_827 = tpu.memref_slice %arg8[%dma_wait3A_817, %dma_wait3A_826] : memref<8x80xf32, #tpu.memory_space<vmem>> -> memref<1x80xf32, #tpu.memory_space<vmem>>
    %dma_wait3A_828 = tpu.memref_squeeze %dma_wait3A_827 : memref<1x80xf32, #tpu.memory_space<vmem>> -> memref<80xf32, #tpu.memory_space<vmem>>
    %dma_wait3A_829 = arith.constant 0 : i32
    %dma_wait3A_830 = tpu.memref_slice %arg4[%dma_wait3A_829] : memref<320000xf32, #tpu.memory_space<hbm>> -> memref<80xf32, #tpu.memory_space<hbm>>
    tpu.wait_dma2 semaphore(%dma_wait3A_825 : memref<!tpu.dma_semaphore, #tpu.memory_space<semaphore_mem>>) src(%dma_wait3A_830 : memref<80xf32, #tpu.memory_space<hbm>>) dst(%dma_wait3A_828 : memref<80xf32, #tpu.memory_space<vmem>>)
    %dma_start3A_831 = arith.constant 1 : i32
    %dma_start3A_832 = arith.constant 1 : i32
    %dma_start3A_833 = arith.constant 1 : i32
    %dma_start3A_834 = arith.constant 0 : i32
    %dma_start3A_835 = arith.constant 0 : i32
    %dma_start3A_836 = tpu.memref_slice %arg9[%dma_start3A_832, %dma_start3A_834, %dma_start3A_835] : memref<4x80x128xf32, #tpu.memory_space<vmem>> -> memref<1x80x128xf32, #tpu.memory_space<vmem>>
    %dma_start3A_837 = tpu.memref_squeeze %dma_start3A_836 : memref<1x80x128xf32, #tpu.memory_space<vmem>> -> memref<80x128xf32, #tpu.memory_space<vmem>>
    %dma_start3A_838 = arith.constant 0 : i32
    %dma_start3A_839 = tpu.memref_slice %arg6[%dma_start3A_831, %dma_start3A_838] : memref<8x80xi32, #tpu.memory_space<vmem>> -> memref<1x80xi32, #tpu.memory_space<vmem>>
    %dma_start3A_840 = tpu.memref_squeeze %dma_start3A_839 : memref<1x80xi32, #tpu.memory_space<vmem>> -> memref<80xi32, #tpu.memory_space<vmem>>
    %dma_start3A_841 = arith.constant 0 : i32
    %dma_start3A_842 = arith.constant 0 : i32
    %dma_start3A_843 = tpu.memref_slice %arg2[%dma_start3A_841, %dma_start3A_842] : memref<10000x128xf32, #tpu.memory_space<hbm>> -> memref<10000x128xf32, #tpu.memory_space<hbm>>
    %dma_start3A_844 = tpu.memref_slice %arg12[%dma_start3A_833] : memref<4x!tpu.dma_semaphore, #tpu.memory_space<semaphore_mem>> -> memref<1x!tpu.dma_semaphore, #tpu.memory_space<semaphore_mem>>
    %dma_start3A_845 = tpu.memref_squeeze %dma_start3A_844 : memref<1x!tpu.dma_semaphore, #tpu.memory_space<semaphore_mem>> -> memref<!tpu.dma_semaphore, #tpu.memory_space<semaphore_mem>>
    tpu.enqueue_indirect_dma source(%dma_start3A_843 : memref<10000x128xf32, #tpu.memory_space<hbm>>) target(%dma_start3A_837 : memref<80x128xf32, #tpu.memory_space<vmem>>) offsets(%dma_start3A_840 : memref<80xi32, #tpu.memory_space<vmem>>) semaphore(%dma_start3A_845 : memref<!tpu.dma_semaphore, #tpu.memory_space<semaphore_mem>>)
    %scan3A_846 = arith.constant 0 : i32
    %scan3A_847 = arith.constant 0 : i32
    %scan3A_848 = arith.constant 125 : i32
    %scan3A_849 = arith.addi %scan3A_847, %scan3A_848 : i32
    %scan3A_850 = arith.constant 1 : i32
    scf.for %scan3A_924 = %scan3A_847 to %scan3A_849 step %scan3A_850  : i32 {
      %rem3A = arith.constant 4 : i32
      %rem3A_925 = arith.remsi %scan3A_924, %rem3A : i32
      %rem3A_926 = arith.constant 8 : i32
      %rem3A_927 = arith.remsi %scan3A_924, %rem3A_926 : i32
      %dma_wait3A_928 = arith.constant 0 : i32
      %dma_wait3A_929 = arith.constant 0 : i32
      %dma_wait3A_930 = tpu.memref_slice %arg9[%rem3A_925, %dma_wait3A_928, %dma_wait3A_929] : memref<4x80x128xf32, #tpu.memory_space<vmem>> -> memref<1x80x128xf32, #tpu.memory_space<vmem>>
      %dma_wait3A_931 = tpu.memref_squeeze %dma_wait3A_930 : memref<1x80x128xf32, #tpu.memory_space<vmem>> -> memref<80x128xf32, #tpu.memory_space<vmem>>
      %dma_wait3A_932 = arith.constant 0 : i32
      %dma_wait3A_933 = arith.constant 0 : i32
      %dma_wait3A_934 = tpu.memref_slice %arg2[%dma_wait3A_932, %dma_wait3A_933] : memref<10000x128xf32, #tpu.memory_space<hbm>> -> memref<80x128xf32, #tpu.memory_space<hbm>>
      %dma_wait3A_935 = tpu.memref_slice %arg12[%rem3A_925] : memref<4x!tpu.dma_semaphore, #tpu.memory_space<semaphore_mem>> -> memref<1x!tpu.dma_semaphore, #tpu.memory_space<semaphore_mem>>
      %dma_wait3A_936 = tpu.memref_squeeze %dma_wait3A_935 : memref<1x!tpu.dma_semaphore, #tpu.memory_space<semaphore_mem>> -> memref<!tpu.dma_semaphore, #tpu.memory_space<semaphore_mem>>
      %dma_wait3A_937 = arith.constant 0 : i32
      %dma_wait3A_938 = arith.constant 0 : i32
      %dma_wait3A_939 = tpu.memref_slice %arg9[%rem3A_925, %dma_wait3A_937, %dma_wait3A_938] : memref<4x80x128xf32, #tpu.memory_space<vmem>> -> memref<1x80x128xf32, #tpu.memory_space<vmem>>
      %dma_wait3A_940 = tpu.memref_squeeze %dma_wait3A_939 : memref<1x80x128xf32, #tpu.memory_space<vmem>> -> memref<80x128xf32, #tpu.memory_space<vmem>>
      %dma_wait3A_941 = arith.constant 0 : i32
      %dma_wait3A_942 = arith.constant 0 : i32
      %dma_wait3A_943 = tpu.memref_slice %arg2[%dma_wait3A_941, %dma_wait3A_942] : memref<10000x128xf32, #tpu.memory_space<hbm>> -> memref<80x128xf32, #tpu.memory_space<hbm>>
      tpu.wait_dma2 semaphore(%dma_wait3A_936 : memref<!tpu.dma_semaphore, #tpu.memory_space<semaphore_mem>>) src(%dma_wait3A_943 : memref<80x128xf32, #tpu.memory_space<hbm>>) dst(%dma_wait3A_940 : memref<80x128xf32, #tpu.memory_space<vmem>>)
      %parallel_loop3A = arith.constant 0 : i32
      %parallel_loop3A_944 = arith.constant 80 : i32
      %parallel_loop3A_945 = arith.constant 1 : i32
      scf.for %parallel_loop3A_976 = %parallel_loop3A to %parallel_loop3A_944 step %parallel_loop3A_945  : i32 {
        %parallel_loop3A_977 = vector.broadcast %parallel_loop3A_976 : i32 to vector<16xi32>
        %parallel_loop3A_978 = arith.constant 0 : i32
        %parallel_loop3A_979 = tpu.memref_slice %arg8[%rem3A_927, %parallel_loop3A_978] : memref<8x80xf32, #tpu.memory_space<vmem>> -> memref<1x80xf32, #tpu.memory_space<vmem>>
        %parallel_loop3A_980 = tpu.memref_squeeze %parallel_loop3A_979 : memref<1x80xf32, #tpu.memory_space<vmem>> -> memref<80xf32, #tpu.memory_space<vmem>>
        %parallel_loop3A_981 = tpu.vector_load_idx %parallel_loop3A_980[%parallel_loop3A_977] : memref<80xf32, #tpu.memory_space<vmem>>[vector<16xi32>], vector<16xf32>,
        %parallel_loop3A_982 = arith.constant 0 : i32
        %parallel_loop3A_983 = arith.constant 0 : i32
        %parallel_loop3A_984 = tpu.memref_slice %arg9[%rem3A_925, %parallel_loop3A_982, %parallel_loop3A_983] : memref<4x80x128xf32, #tpu.memory_space<vmem>> -> memref<1x80x128xf32, #tpu.memory_space<vmem>>
        %parallel_loop3A_985 = tpu.memref_squeeze %parallel_loop3A_984 : memref<1x80x128xf32, #tpu.memory_space<vmem>> -> memref<80x128xf32, #tpu.memory_space<vmem>>
        %parallel_loop3A_986 = arith.index_cast %parallel_loop3A_976 : i32 to index
        %parallel_loop3A_987 = arith.constant 0 : index
        %parallel_loop3A_988 = tpu.vector_load %parallel_loop3A_985[%parallel_loop3A_986, %parallel_loop3A_987] {strides = array<i32>} : memref<80x128xf32, #tpu.memory_space<vmem>>, vector<16xf32>,
        %parallel_loop3A_989 = arith.mulf %parallel_loop3A_988, %parallel_loop3A_981 : vector<16xf32>
        %parallel_loop3A_990 = arith.constant 0 : i32
        %parallel_loop3A_991 = arith.constant 0 : i32
        %parallel_loop3A_992 = tpu.memref_slice %arg9[%rem3A_925, %parallel_loop3A_990, %parallel_loop3A_991] : memref<4x80x128xf32, #tpu.memory_space<vmem>> -> memref<1x80x128xf32, #tpu.memory_space<vmem>>
        %parallel_loop3A_993 = tpu.memref_squeeze %parallel_loop3A_992 : memref<1x80x128xf32, #tpu.memory_space<vmem>> -> memref<80x128xf32, #tpu.memory_space<vmem>>
        %parallel_loop3A_994 = arith.index_cast %parallel_loop3A_976 : i32 to index
        %parallel_loop3A_995 = arith.constant 0 : index
        %parallel_loop3A_996 = tpu.vector_load %parallel_loop3A_993[%parallel_loop3A_994, %parallel_loop3A_995] {strides = array<i32>} : memref<80x128xf32, #tpu.memory_space<vmem>>, vector<16xf32>,
        tpu.vector_store %parallel_loop3A_993[%parallel_loop3A_994, %parallel_loop3A_995], %parallel_loop3A_989 {strides = array<i32>} : memref<80x128xf32, #tpu.memory_space<vmem>>, vector<16xf32>,
        %parallel_loop3A_997 = arith.constant 0 : i32
        %parallel_loop3A_998 = arith.constant 0 : i32
        %parallel_loop3A_999 = tpu.memref_slice %arg9[%rem3A_925, %parallel_loop3A_997, %parallel_loop3A_998] : memref<4x80x128xf32, #tpu.memory_space<vmem>> -> memref<1x80x128xf32, #tpu.memory_space<vmem>>
        %parallel_loop3A_1000 = tpu.memref_squeeze %parallel_loop3A_999 : memref<1x80x128xf32, #tpu.memory_space<vmem>> -> memref<80x128xf32, #tpu.memory_space<vmem>>
        %parallel_loop3A_1001 = arith.index_cast %parallel_loop3A_976 : i32 to index
        %parallel_loop3A_1002 = arith.constant 16 : index
        %parallel_loop3A_1003 = tpu.vector_load %parallel_loop3A_1000[%parallel_loop3A_1001, %parallel_loop3A_1002] {strides = array<i32>} : memref<80x128xf32, #tpu.memory_space<vmem>>, vector<16xf32>,
        %parallel_loop3A_1004 = arith.mulf %parallel_loop3A_1003, %parallel_loop3A_981 : vector<16xf32>
        %parallel_loop3A_1005 = arith.constant 0 : i32
        %parallel_loop3A_1006 = arith.constant 0 : i32
        %parallel_loop3A_1007 = tpu.memref_slice %arg9[%rem3A_925, %parallel_loop3A_1005, %parallel_loop3A_1006] : memref<4x80x128xf32, #tpu.memory_space<vmem>> -> memref<1x80x128xf32, #tpu.memory_space<vmem>>
        %parallel_loop3A_1008 = tpu.memref_squeeze %parallel_loop3A_1007 : memref<1x80x128xf32, #tpu.memory_space<vmem>> -> memref<80x128xf32, #tpu.memory_space<vmem>>
        %parallel_loop3A_1009 = arith.index_cast %parallel_loop3A_976 : i32 to index
        %parallel_loop3A_1010 = arith.constant 16 : index
        %parallel_loop3A_1011 = tpu.vector_load %parallel_loop3A_1008[%parallel_loop3A_1009, %parallel_loop3A_1010] {strides = array<i32>} : memref<80x128xf32, #tpu.memory_space<vmem>>, vector<16xf32>,
        tpu.vector_store %parallel_loop3A_1008[%parallel_loop3A_1009, %parallel_loop3A_1010], %parallel_loop3A_1004 {strides = array<i32>} : memref<80x128xf32, #tpu.memory_space<vmem>>, vector<16xf32>,
        %parallel_loop3A_1012 = arith.constant 0 : i32
        %parallel_loop3A_1013 = arith.constant 0 : i32
        %parallel_loop3A_1014 = tpu.memref_slice %arg9[%rem3A_925, %parallel_loop3A_1012, %parallel_loop3A_1013] : memref<4x80x128xf32, #tpu.memory_space<vmem>> -> memref<1x80x128xf32, #tpu.memory_space<vmem>>
        %parallel_loop3A_1015 = tpu.memref_squeeze %parallel_loop3A_1014 : memref<1x80x128xf32, #tpu.memory_space<vmem>> -> memref<80x128xf32, #tpu.memory_space<vmem>>
        %parallel_loop3A_1016 = arith.index_cast %parallel_loop3A_976 : i32 to index
        %parallel_loop3A_1017 = arith.constant 32 : index
        %parallel_loop3A_1018 = tpu.vector_load %parallel_loop3A_1015[%parallel_loop3A_1016, %parallel_loop3A_1017] {strides = array<i32>} : memref<80x128xf32, #tpu.memory_space<vmem>>, vector<16xf32>,
        %parallel_loop3A_1019 = arith.mulf %parallel_loop3A_1018, %parallel_loop3A_981 : vector<16xf32>
        %parallel_loop3A_1020 = arith.constant 0 : i32
        %parallel_loop3A_1021 = arith.constant 0 : i32
        %parallel_loop3A_1022 = tpu.memref_slice %arg9[%rem3A_925, %parallel_loop3A_1020, %parallel_loop3A_1021] : memref<4x80x128xf32, #tpu.memory_space<vmem>> -> memref<1x80x128xf32, #tpu.memory_space<vmem>>
        %parallel_loop3A_1023 = tpu.memref_squeeze %parallel_loop3A_1022 : memref<1x80x128xf32, #tpu.memory_space<vmem>> -> memref<80x128xf32, #tpu.memory_space<vmem>>
        %parallel_loop3A_1024 = arith.index_cast %parallel_loop3A_976 : i32 to index
        %parallel_loop3A_1025 = arith.constant 32 : index
        %parallel_loop3A_1026 = tpu.vector_load %parallel_loop3A_1023[%parallel_loop3A_1024, %parallel_loop3A_1025] {strides = array<i32>} : memref<80x128xf32, #tpu.memory_space<vmem>>, vector<16xf32>,
        tpu.vector_store %parallel_loop3A_1023[%parallel_loop3A_1024, %parallel_loop3A_1025], %parallel_loop3A_1019 {strides = array<i32>} : memref<80x128xf32, #tpu.memory_space<vmem>>, vector<16xf32>,
        %parallel_loop3A_1027 = arith.constant 0 : i32
        %parallel_loop3A_1028 = arith.constant 0 : i32
        %parallel_loop3A_1029 = tpu.memref_slice %arg9[%rem3A_925, %parallel_loop3A_1027, %parallel_loop3A_1028] : memref<4x80x128xf32, #tpu.memory_space<vmem>> -> memref<1x80x128xf32, #tpu.memory_space<vmem>>
        %parallel_loop3A_1030 = tpu.memref_squeeze %parallel_loop3A_1029 : memref<1x80x128xf32, #tpu.memory_space<vmem>> -> memref<80x128xf32, #tpu.memory_space<vmem>>
        %parallel_loop3A_1031 = arith.index_cast %parallel_loop3A_976 : i32 to index
        %parallel_loop3A_1032 = arith.constant 48 : index
        %parallel_loop3A_1033 = tpu.vector_load %parallel_loop3A_1030[%parallel_loop3A_1031, %parallel_loop3A_1032] {strides = array<i32>} : memref<80x128xf32, #tpu.memory_space<vmem>>, vector<16xf32>,
        %parallel_loop3A_1034 = arith.mulf %parallel_loop3A_1033, %parallel_loop3A_981 : vector<16xf32>
        %parallel_loop3A_1035 = arith.constant 0 : i32
        %parallel_loop3A_1036 = arith.constant 0 : i32
        %parallel_loop3A_1037 = tpu.memref_slice %arg9[%rem3A_925, %parallel_loop3A_1035, %parallel_loop3A_1036] : memref<4x80x128xf32, #tpu.memory_space<vmem>> -> memref<1x80x128xf32, #tpu.memory_space<vmem>>
        %parallel_loop3A_1038 = tpu.memref_squeeze %parallel_loop3A_1037 : memref<1x80x128xf32, #tpu.memory_space<vmem>> -> memref<80x128xf32, #tpu.memory_space<vmem>>
        %parallel_loop3A_1039 = arith.index_cast %parallel_loop3A_976 : i32 to index
        %parallel_loop3A_1040 = arith.constant 48 : index
        %parallel_loop3A_1041 = tpu.vector_load %parallel_loop3A_1038[%parallel_loop3A_1039, %parallel_loop3A_1040] {strides = array<i32>} : memref<80x128xf32, #tpu.memory_space<vmem>>, vector<16xf32>,
        tpu.vector_store %parallel_loop3A_1038[%parallel_loop3A_1039, %parallel_loop3A_1040], %parallel_loop3A_1034 {strides = array<i32>} : memref<80x128xf32, #tpu.memory_space<vmem>>, vector<16xf32>,
        %parallel_loop3A_1042 = arith.constant 0 : i32
        %parallel_loop3A_1043 = arith.constant 0 : i32
        %parallel_loop3A_1044 = tpu.memref_slice %arg9[%rem3A_925, %parallel_loop3A_1042, %parallel_loop3A_1043] : memref<4x80x128xf32, #tpu.memory_space<vmem>> -> memref<1x80x128xf32, #tpu.memory_space<vmem>>
        %parallel_loop3A_1045 = tpu.memref_squeeze %parallel_loop3A_1044 : memref<1x80x128xf32, #tpu.memory_space<vmem>> -> memref<80x128xf32, #tpu.memory_space<vmem>>
        %parallel_loop3A_1046 = arith.index_cast %parallel_loop3A_976 : i32 to index
        %parallel_loop3A_1047 = arith.constant 64 : index
        %parallel_loop3A_1048 = tpu.vector_load %parallel_loop3A_1045[%parallel_loop3A_1046, %parallel_loop3A_1047] {strides = array<i32>} : memref<80x128xf32, #tpu.memory_space<vmem>>, vector<16xf32>,
        %parallel_loop3A_1049 = arith.mulf %parallel_loop3A_1048, %parallel_loop3A_981 : vector<16xf32>
        %parallel_loop3A_1050 = arith.constant 0 : i32
        %parallel_loop3A_1051 = arith.constant 0 : i32
        %parallel_loop3A_1052 = tpu.memref_slice %arg9[%rem3A_925, %parallel_loop3A_1050, %parallel_loop3A_1051] : memref<4x80x128xf32, #tpu.memory_space<vmem>> -> memref<1x80x128xf32, #tpu.memory_space<vmem>>
        %parallel_loop3A_1053 = tpu.memref_squeeze %parallel_loop3A_1052 : memref<1x80x128xf32, #tpu.memory_space<vmem>> -> memref<80x128xf32, #tpu.memory_space<vmem>>
        %parallel_loop3A_1054 = arith.index_cast %parallel_loop3A_976 : i32 to index
        %parallel_loop3A_1055 = arith.constant 64 : index
        %parallel_loop3A_1056 = tpu.vector_load %parallel_loop3A_1053[%parallel_loop3A_1054, %parallel_loop3A_1055] {strides = array<i32>} : memref<80x128xf32, #tpu.memory_space<vmem>>, vector<16xf32>,
        tpu.vector_store %parallel_loop3A_1053[%parallel_loop3A_1054, %parallel_loop3A_1055], %parallel_loop3A_1049 {strides = array<i32>} : memref<80x128xf32, #tpu.memory_space<vmem>>, vector<16xf32>,
        %parallel_loop3A_1057 = arith.constant 0 : i32
        %parallel_loop3A_1058 = arith.constant 0 : i32
        %parallel_loop3A_1059 = tpu.memref_slice %arg9[%rem3A_925, %parallel_loop3A_1057, %parallel_loop3A_1058] : memref<4x80x128xf32, #tpu.memory_space<vmem>> -> memref<1x80x128xf32, #tpu.memory_space<vmem>>
        %parallel_loop3A_1060 = tpu.memref_squeeze %parallel_loop3A_1059 : memref<1x80x128xf32, #tpu.memory_space<vmem>> -> memref<80x128xf32, #tpu.memory_space<vmem>>
        %parallel_loop3A_1061 = arith.index_cast %parallel_loop3A_976 : i32 to index
        %parallel_loop3A_1062 = arith.constant 80 : index
        %parallel_loop3A_1063 = tpu.vector_load %parallel_loop3A_1060[%parallel_loop3A_1061, %parallel_loop3A_1062] {strides = array<i32>} : memref<80x128xf32, #tpu.memory_space<vmem>>, vector<16xf32>,
        %parallel_loop3A_1064 = arith.mulf %parallel_loop3A_1063, %parallel_loop3A_981 : vector<16xf32>
        %parallel_loop3A_1065 = arith.constant 0 : i32
        %parallel_loop3A_1066 = arith.constant 0 : i32
        %parallel_loop3A_1067 = tpu.memref_slice %arg9[%rem3A_925, %parallel_loop3A_1065, %parallel_loop3A_1066] : memref<4x80x128xf32, #tpu.memory_space<vmem>> -> memref<1x80x128xf32, #tpu.memory_space<vmem>>
        %parallel_loop3A_1068 = tpu.memref_squeeze %parallel_loop3A_1067 : memref<1x80x128xf32, #tpu.memory_space<vmem>> -> memref<80x128xf32, #tpu.memory_space<vmem>>
        %parallel_loop3A_1069 = arith.index_cast %parallel_loop3A_976 : i32 to index
        %parallel_loop3A_1070 = arith.constant 80 : index
        %parallel_loop3A_1071 = tpu.vector_load %parallel_loop3A_1068[%parallel_loop3A_1069, %parallel_loop3A_1070] {strides = array<i32>} : memref<80x128xf32, #tpu.memory_space<vmem>>, vector<16xf32>,
        tpu.vector_store %parallel_loop3A_1068[%parallel_loop3A_1069, %parallel_loop3A_1070], %parallel_loop3A_1064 {strides = array<i32>} : memref<80x128xf32, #tpu.memory_space<vmem>>, vector<16xf32>,
        %parallel_loop3A_1072 = arith.constant 0 : i32
        %parallel_loop3A_1073 = arith.constant 0 : i32
        %parallel_loop3A_1074 = tpu.memref_slice %arg9[%rem3A_925, %parallel_loop3A_1072, %parallel_loop3A_1073] : memref<4x80x128xf32, #tpu.memory_space<vmem>> -> memref<1x80x128xf32, #tpu.memory_space<vmem>>
        %parallel_loop3A_1075 = tpu.memref_squeeze %parallel_loop3A_1074 : memref<1x80x128xf32, #tpu.memory_space<vmem>> -> memref<80x128xf32, #tpu.memory_space<vmem>>
        %parallel_loop3A_1076 = arith.index_cast %parallel_loop3A_976 : i32 to index
        %parallel_loop3A_1077 = arith.constant 96 : index
        %parallel_loop3A_1078 = tpu.vector_load %parallel_loop3A_1075[%parallel_loop3A_1076, %parallel_loop3A_1077] {strides = array<i32>} : memref<80x128xf32, #tpu.memory_space<vmem>>, vector<16xf32>,
        %parallel_loop3A_1079 = arith.mulf %parallel_loop3A_1078, %parallel_loop3A_981 : vector<16xf32>
        %parallel_loop3A_1080 = arith.constant 0 : i32
        %parallel_loop3A_1081 = arith.constant 0 : i32
        %parallel_loop3A_1082 = tpu.memref_slice %arg9[%rem3A_925, %parallel_loop3A_1080, %parallel_loop3A_1081] : memref<4x80x128xf32, #tpu.memory_space<vmem>> -> memref<1x80x128xf32, #tpu.memory_space<vmem>>
        %parallel_loop3A_1083 = tpu.memref_squeeze %parallel_loop3A_1082 : memref<1x80x128xf32, #tpu.memory_space<vmem>> -> memref<80x128xf32, #tpu.memory_space<vmem>>
        %parallel_loop3A_1084 = arith.index_cast %parallel_loop3A_976 : i32 to index
        %parallel_loop3A_1085 = arith.constant 96 : index
        %parallel_loop3A_1086 = tpu.vector_load %parallel_loop3A_1083[%parallel_loop3A_1084, %parallel_loop3A_1085] {strides = array<i32>} : memref<80x128xf32, #tpu.memory_space<vmem>>, vector<16xf32>,
        tpu.vector_store %parallel_loop3A_1083[%parallel_loop3A_1084, %parallel_loop3A_1085], %parallel_loop3A_1079 {strides = array<i32>} : memref<80x128xf32, #tpu.memory_space<vmem>>, vector<16xf32>,
        %parallel_loop3A_1087 = arith.constant 0 : i32
        %parallel_loop3A_1088 = arith.constant 0 : i32
        %parallel_loop3A_1089 = tpu.memref_slice %arg9[%rem3A_925, %parallel_loop3A_1087, %parallel_loop3A_1088] : memref<4x80x128xf32, #tpu.memory_space<vmem>> -> memref<1x80x128xf32, #tpu.memory_space<vmem>>
        %parallel_loop3A_1090 = tpu.memref_squeeze %parallel_loop3A_1089 : memref<1x80x128xf32, #tpu.memory_space<vmem>> -> memref<80x128xf32, #tpu.memory_space<vmem>>
        %parallel_loop3A_1091 = arith.index_cast %parallel_loop3A_976 : i32 to index
        %parallel_loop3A_1092 = arith.constant 112 : index
        %parallel_loop3A_1093 = tpu.vector_load %parallel_loop3A_1090[%parallel_loop3A_1091, %parallel_loop3A_1092] {strides = array<i32>} : memref<80x128xf32, #tpu.memory_space<vmem>>, vector<16xf32>,
        %parallel_loop3A_1094 = arith.mulf %parallel_loop3A_1093, %parallel_loop3A_981 : vector<16xf32>
        %parallel_loop3A_1095 = arith.constant 0 : i32
        %parallel_loop3A_1096 = arith.constant 0 : i32
        %parallel_loop3A_1097 = tpu.memref_slice %arg9[%rem3A_925, %parallel_loop3A_1095, %parallel_loop3A_1096] : memref<4x80x128xf32, #tpu.memory_space<vmem>> -> memref<1x80x128xf32, #tpu.memory_space<vmem>>
        %parallel_loop3A_1098 = tpu.memref_squeeze %parallel_loop3A_1097 : memref<1x80x128xf32, #tpu.memory_space<vmem>> -> memref<80x128xf32, #tpu.memory_space<vmem>>
        %parallel_loop3A_1099 = arith.index_cast %parallel_loop3A_976 : i32 to index
        %parallel_loop3A_1100 = arith.constant 112 : index
        %parallel_loop3A_1101 = tpu.vector_load %parallel_loop3A_1098[%parallel_loop3A_1099, %parallel_loop3A_1100] {strides = array<i32>} : memref<80x128xf32, #tpu.memory_space<vmem>>, vector<16xf32>,
        tpu.vector_store %parallel_loop3A_1098[%parallel_loop3A_1099, %parallel_loop3A_1100], %parallel_loop3A_1094 {strides = array<i32>} : memref<80x128xf32, #tpu.memory_space<vmem>>, vector<16xf32>,
      } {sc.loop_unroll_factor = 16 : i64, sc.parallel_access}
      %dma_start3A_946 = arith.constant 0 : i32
      %dma_start3A_947 = arith.constant 0 : i32
      %dma_start3A_948 = tpu.memref_slice %arg9[%rem3A_925, %dma_start3A_946, %dma_start3A_947] : memref<4x80x128xf32, #tpu.memory_space<vmem>> -> memref<1x80x128xf32, #tpu.memory_space<vmem>>
      %dma_start3A_949 = tpu.memref_squeeze %dma_start3A_948 : memref<1x80x128xf32, #tpu.memory_space<vmem>> -> memref<80x128xf32, #tpu.memory_space<vmem>>
      %dma_start3A_950 = arith.constant 0 : i32
      %dma_start3A_951 = tpu.memref_slice %arg7[%rem3A_927, %dma_start3A_950] : memref<8x80xi32, #tpu.memory_space<vmem>> -> memref<1x80xi32, #tpu.memory_space<vmem>>
      %dma_start3A_952 = tpu.memref_squeeze %dma_start3A_951 : memref<1x80xi32, #tpu.memory_space<vmem>> -> memref<80xi32, #tpu.memory_space<vmem>>
      %dma_start3A_953 = arith.constant 0 : i32
      %dma_start3A_954 = arith.constant 0 : i32
      %dma_start3A_955 = tpu.memref_slice %arg10[%dma_start3A_953, %dma_start3A_954] : memref<10000x128xf32, #tpu.memory_space<vmem_shared>> -> memref<10000x128xf32, #tpu.memory_space<vmem_shared>>
      %dma_start3A_956 = tpu.memref_slice %arg13[%rem3A_925] : memref<4x!tpu.dma_semaphore, #tpu.memory_space<semaphore_mem>> -> memref<1x!tpu.dma_semaphore, #tpu.memory_space<semaphore_mem>>
      %dma_start3A_957 = tpu.memref_squeeze %dma_start3A_956 : memref<1x!tpu.dma_semaphore, #tpu.memory_space<semaphore_mem>> -> memref<!tpu.dma_semaphore, #tpu.memory_space<semaphore_mem>>
      tpu.enqueue_indirect_dma source(%dma_start3A_949 : memref<80x128xf32, #tpu.memory_space<vmem>>) target(%dma_start3A_955 : memref<10000x128xf32, #tpu.memory_space<vmem_shared>>) offsets(%dma_start3A_952 : memref<80xi32, #tpu.memory_space<vmem>>) semaphore(%dma_start3A_957 : memref<!tpu.dma_semaphore, #tpu.memory_space<semaphore_mem>>) {add = true}
      %ge3A = arith.constant 2 : i32
      %ge3A_958 = arith.cmpi sge, %scan3A_924, %ge3A : i32
      %convert_element_type3A_959 = arith.extui %ge3A_958 : i1 to i32
      %cond3A_960 = arith.constant 0 : i32
      %cond3A_961 = arith.cmpi ne, %convert_element_type3A_959, %cond3A_960 : i32
      scf.if %cond3A_961 {
        %add3A_976 = arith.constant 2 : i32
        %add3A_977 = arith.addi %scan3A_924, %add3A_976 : i32
        %rem3A_978 = arith.constant 4 : i32
        %rem3A_979 = arith.remsi %add3A_977, %rem3A_978 : i32
        %dma_wait3A_980 = arith.constant 0 : i32
        %dma_wait3A_981 = arith.constant 0 : i32
        %dma_wait3A_982 = tpu.memref_slice %arg9[%rem3A_979, %dma_wait3A_980, %dma_wait3A_981] : memref<4x80x128xf32, #tpu.memory_space<vmem>> -> memref<1x80x128xf32, #tpu.memory_space<vmem>>
        %dma_wait3A_983 = tpu.memref_squeeze %dma_wait3A_982 : memref<1x80x128xf32, #tpu.memory_space<vmem>> -> memref<80x128xf32, #tpu.memory_space<vmem>>
        %dma_wait3A_984 = arith.constant 0 : i32
        %dma_wait3A_985 = arith.constant 0 : i32
        %dma_wait3A_986 = tpu.memref_slice %arg10[%dma_wait3A_984, %dma_wait3A_985] : memref<10000x128xf32, #tpu.memory_space<vmem_shared>> -> memref<80x128xf32, #tpu.memory_space<vmem_shared>>
        %dma_wait3A_987 = tpu.memref_slice %arg13[%rem3A_979] : memref<4x!tpu.dma_semaphore, #tpu.memory_space<semaphore_mem>> -> memref<1x!tpu.dma_semaphore, #tpu.memory_space<semaphore_mem>>
        %dma_wait3A_988 = tpu.memref_squeeze %dma_wait3A_987 : memref<1x!tpu.dma_semaphore, #tpu.memory_space<semaphore_mem>> -> memref<!tpu.dma_semaphore, #tpu.memory_space<semaphore_mem>>
        %dma_wait3A_989 = arith.constant 0 : i32
        %dma_wait3A_990 = arith.constant 0 : i32
        %dma_wait3A_991 = tpu.memref_slice %arg10[%dma_wait3A_989, %dma_wait3A_990] : memref<10000x128xf32, #tpu.memory_space<vmem_shared>> -> memref<80x128xf32, #tpu.memory_space<vmem_shared>>
        %dma_wait3A_992 = arith.constant 0 : i32
        %dma_wait3A_993 = arith.constant 0 : i32
        %dma_wait3A_994 = tpu.memref_slice %arg9[%rem3A_979, %dma_wait3A_992, %dma_wait3A_993] : memref<4x80x128xf32, #tpu.memory_space<vmem>> -> memref<1x80x128xf32, #tpu.memory_space<vmem>>
        %dma_wait3A_995 = tpu.memref_squeeze %dma_wait3A_994 : memref<1x80x128xf32, #tpu.memory_space<vmem>> -> memref<80x128xf32, #tpu.memory_space<vmem>>
        tpu.wait_dma2 semaphore(%dma_wait3A_988 : memref<!tpu.dma_semaphore, #tpu.memory_space<semaphore_mem>>) src(%dma_wait3A_995 : memref<80x128xf32, #tpu.memory_space<vmem>>) dst(%dma_wait3A_991 : memref<80x128xf32, #tpu.memory_space<vmem_shared>>)
      } else {
      }
      %add3A_962 = arith.constant 6 : i32
      %add3A_963 = arith.addi %scan3A_924, %add3A_962 : i32
      %lt3A_964 = arith.constant 125 : i32
      %lt3A_965 = arith.cmpi slt, %add3A_963, %lt3A_964 : i32
      %convert_element_type3A_966 = arith.extui %lt3A_965 : i1 to i32
      %cond3A_967 = arith.constant 0 : i32
      %cond3A_968 = arith.cmpi ne, %convert_element_type3A_966, %cond3A_967 : i32
      scf.if %cond3A_968 {
        %add3A_976 = arith.constant 6 : i32
        %add3A_977 = arith.addi %scan3A_924, %add3A_976 : i32
        %add3A_978 = arith.constant 6 : i32
        %add3A_979 = arith.addi %scan3A_924, %add3A_978 : i32
        %rem3A_980 = arith.constant 8 : i32
        %rem3A_981 = arith.remsi %add3A_979, %rem3A_980 : i32
        %mul3A_982 = arith.constant 80 : i32
        %mul3A_983 = arith.muli %add3A_977, %mul3A_982 : i32
        %add3A_984 = arith.addi %mul3A_2, %mul3A_983 : i32
        %add3A_985 = arith.constant 320000 : i32
        %add3A_986 = arith.addi %add3A_985, %add3A_984 : i32
        %dma_start3A_987 = arith.constant 0 : i32
        %dma_start3A_988 = tpu.memref_slice %arg6[%rem3A_981, %dma_start3A_987] : memref<8x80xi32, #tpu.memory_space<vmem>> -> memref<1x80xi32, #tpu.memory_space<vmem>>
        %dma_start3A_989 = tpu.memref_squeeze %dma_start3A_988 : memref<1x80xi32, #tpu.memory_space<vmem>> -> memref<80xi32, #tpu.memory_space<vmem>>
        %dma_start3A_990 = tpu.memref_slice %arg3[%add3A_986] : memref<640000xi32, #tpu.memory_space<hbm>> -> memref<80xi32, #tpu.memory_space<hbm>>
        %dma_start3A_991 = tpu.memref_slice %arg11[%rem3A_981] : memref<8x!tpu.dma_semaphore, #tpu.memory_space<semaphore_mem>> -> memref<1x!tpu.dma_semaphore, #tpu.memory_space<semaphore_mem>>
        %dma_start3A_992 = tpu.memref_squeeze %dma_start3A_991 : memref<1x!tpu.dma_semaphore, #tpu.memory_space<semaphore_mem>> -> memref<!tpu.dma_semaphore, #tpu.memory_space<semaphore_mem>>
        %dma_start3A_993 = arith.constant 0 : i32
        %dma_start3A_994 = tpu.memref_slice %arg6[%rem3A_981, %dma_start3A_993] : memref<8x80xi32, #tpu.memory_space<vmem>> -> memref<1x80xi32, #tpu.memory_space<vmem>>
        %dma_start3A_995 = tpu.memref_squeeze %dma_start3A_994 : memref<1x80xi32, #tpu.memory_space<vmem>> -> memref<80xi32, #tpu.memory_space<vmem>>
        %dma_start3A_996 = tpu.memref_slice %arg3[%add3A_986] : memref<640000xi32, #tpu.memory_space<hbm>> -> memref<80xi32, #tpu.memory_space<hbm>>
        tpu.enqueue_dma source(%dma_start3A_996 : memref<80xi32, #tpu.memory_space<hbm>>) target(%dma_start3A_995 : memref<80xi32, #tpu.memory_space<vmem>>) target_semaphore(%dma_start3A_992 : memref<!tpu.dma_semaphore, #tpu.memory_space<semaphore_mem>>)
        %dma_start3A_997 = arith.constant 0 : i32
        %dma_start3A_998 = tpu.memref_slice %arg7[%rem3A_981, %dma_start3A_997] : memref<8x80xi32, #tpu.memory_space<vmem>> -> memref<1x80xi32, #tpu.memory_space<vmem>>
        %dma_start3A_999 = tpu.memref_squeeze %dma_start3A_998 : memref<1x80xi32, #tpu.memory_space<vmem>> -> memref<80xi32, #tpu.memory_space<vmem>>
        %dma_start3A_1000 = tpu.memref_slice %arg3[%add3A_984] : memref<640000xi32, #tpu.memory_space<hbm>> -> memref<80xi32, #tpu.memory_space<hbm>>
        %dma_start3A_1001 = tpu.memref_slice %arg11[%rem3A_981] : memref<8x!tpu.dma_semaphore, #tpu.memory_space<semaphore_mem>> -> memref<1x!tpu.dma_semaphore, #tpu.memory_space<semaphore_mem>>
        %dma_start3A_1002 = tpu.memref_squeeze %dma_start3A_1001 : memref<1x!tpu.dma_semaphore, #tpu.memory_space<semaphore_mem>> -> memref<!tpu.dma_semaphore, #tpu.memory_space<semaphore_mem>>
        %dma_start3A_1003 = arith.constant 0 : i32
        %dma_start3A_1004 = tpu.memref_slice %arg7[%rem3A_981, %dma_start3A_1003] : memref<8x80xi32, #tpu.memory_space<vmem>> -> memref<1x80xi32, #tpu.memory_space<vmem>>
        %dma_start3A_1005 = tpu.memref_squeeze %dma_start3A_1004 : memref<1x80xi32, #tpu.memory_space<vmem>> -> memref<80xi32, #tpu.memory_space<vmem>>
        %dma_start3A_1006 = tpu.memref_slice %arg3[%add3A_984] : memref<640000xi32, #tpu.memory_space<hbm>> -> memref<80xi32, #tpu.memory_space<hbm>>
        tpu.enqueue_dma source(%dma_start3A_1006 : memref<80xi32, #tpu.memory_space<hbm>>) target(%dma_start3A_1005 : memref<80xi32, #tpu.memory_space<vmem>>) target_semaphore(%dma_start3A_1002 : memref<!tpu.dma_semaphore, #tpu.memory_space<semaphore_mem>>)
        %dma_start3A_1007 = arith.constant 0 : i32
        %dma_start3A_1008 = tpu.memref_slice %arg8[%rem3A_981, %dma_start3A_1007] : memref<8x80xf32, #tpu.memory_space<vmem>> -> memref<1x80xf32, #tpu.memory_space<vmem>>
        %dma_start3A_1009 = tpu.memref_squeeze %dma_start3A_1008 : memref<1x80xf32, #tpu.memory_space<vmem>> -> memref<80xf32, #tpu.memory_space<vmem>>
        %dma_start3A_1010 = tpu.memref_slice %arg4[%add3A_984] : memref<320000xf32, #tpu.memory_space<hbm>> -> memref<80xf32, #tpu.memory_space<hbm>>
        %dma_start3A_1011 = tpu.memref_slice %arg11[%rem3A_981] : memref<8x!tpu.dma_semaphore, #tpu.memory_space<semaphore_mem>> -> memref<1x!tpu.dma_semaphore, #tpu.memory_space<semaphore_mem>>
        %dma_start3A_1012 = tpu.memref_squeeze %dma_start3A_1011 : memref<1x!tpu.dma_semaphore, #tpu.memory_space<semaphore_mem>> -> memref<!tpu.dma_semaphore, #tpu.memory_space<semaphore_mem>>
        %dma_start3A_1013 = arith.constant 0 : i32
        %dma_start3A_1014 = tpu.memref_slice %arg8[%rem3A_981, %dma_start3A_1013] : memref<8x80xf32, #tpu.memory_space<vmem>> -> memref<1x80xf32, #tpu.memory_space<vmem>>
        %dma_start3A_1015 = tpu.memref_squeeze %dma_start3A_1014 : memref<1x80xf32, #tpu.memory_space<vmem>> -> memref<80xf32, #tpu.memory_space<vmem>>
        %dma_start3A_1016 = tpu.memref_slice %arg4[%add3A_984] : memref<320000xf32, #tpu.memory_space<hbm>> -> memref<80xf32, #tpu.memory_space<hbm>>
        tpu.enqueue_dma source(%dma_start3A_1016 : memref<80xf32, #tpu.memory_space<hbm>>) target(%dma_start3A_1015 : memref<80xf32, #tpu.memory_space<vmem>>) target_semaphore(%dma_start3A_1012 : memref<!tpu.dma_semaphore, #tpu.memory_space<semaphore_mem>>)
      } else {
      }
      %add3A_969 = arith.constant 2 : i32
      %add3A_970 = arith.addi %scan3A_924, %add3A_969 : i32
      %lt3A_971 = arith.constant 125 : i32
      %lt3A_972 = arith.cmpi slt, %add3A_970, %lt3A_971 : i32
      %convert_element_type3A_973 = arith.extui %lt3A_972 : i1 to i32
      %cond3A_974 = arith.constant 0 : i32
      %cond3A_975 = arith.cmpi ne, %convert_element_type3A_973, %cond3A_974 : i32
      scf.if %cond3A_975 {
        %add3A_976 = arith.constant 2 : i32
        %add3A_977 = arith.addi %scan3A_924, %add3A_976 : i32
        %rem3A_978 = arith.constant 8 : i32
        %rem3A_979 = arith.remsi %add3A_977, %rem3A_978 : i32
        %dma_wait3A_980 = arith.constant 0 : i32
        %dma_wait3A_981 = tpu.memref_slice %arg6[%rem3A_979, %dma_wait3A_980] : memref<8x80xi32, #tpu.memory_space<vmem>> -> memref<1x80xi32, #tpu.memory_space<vmem>>
        %dma_wait3A_982 = tpu.memref_squeeze %dma_wait3A_981 : memref<1x80xi32, #tpu.memory_space<vmem>> -> memref<80xi32, #tpu.memory_space<vmem>>
        %dma_wait3A_983 = arith.constant 0 : i32
        %dma_wait3A_984 = tpu.memref_slice %arg3[%dma_wait3A_983] : memref<640000xi32, #tpu.memory_space<hbm>> -> memref<80xi32, #tpu.memory_space<hbm>>
        %dma_wait3A_985 = tpu.memref_slice %arg11[%rem3A_979] : memref<8x!tpu.dma_semaphore, #tpu.memory_space<semaphore_mem>> -> memref<1x!tpu.dma_semaphore, #tpu.memory_space<semaphore_mem>>
        %dma_wait3A_986 = tpu.memref_squeeze %dma_wait3A_985 : memref<1x!tpu.dma_semaphore, #tpu.memory_space<semaphore_mem>> -> memref<!tpu.dma_semaphore, #tpu.memory_space<semaphore_mem>>
        %dma_wait3A_987 = arith.constant 0 : i32
        %dma_wait3A_988 = tpu.memref_slice %arg6[%rem3A_979, %dma_wait3A_987] : memref<8x80xi32, #tpu.memory_space<vmem>> -> memref<1x80xi32, #tpu.memory_space<vmem>>
        %dma_wait3A_989 = tpu.memref_squeeze %dma_wait3A_988 : memref<1x80xi32, #tpu.memory_space<vmem>> -> memref<80xi32, #tpu.memory_space<vmem>>
        %dma_wait3A_990 = arith.constant 0 : i32
        %dma_wait3A_991 = tpu.memref_slice %arg3[%dma_wait3A_990] : memref<640000xi32, #tpu.memory_space<hbm>> -> memref<80xi32, #tpu.memory_space<hbm>>
        tpu.wait_dma2 semaphore(%dma_wait3A_986 : memref<!tpu.dma_semaphore, #tpu.memory_space<semaphore_mem>>) src(%dma_wait3A_991 : memref<80xi32, #tpu.memory_space<hbm>>) dst(%dma_wait3A_989 : memref<80xi32, #tpu.memory_space<vmem>>)
        %dma_wait3A_992 = arith.constant 0 : i32
        %dma_wait3A_993 = tpu.memref_slice %arg7[%rem3A_979, %dma_wait3A_992] : memref<8x80xi32, #tpu.memory_space<vmem>> -> memref<1x80xi32, #tpu.memory_space<vmem>>
        %dma_wait3A_994 = tpu.memref_squeeze %dma_wait3A_993 : memref<1x80xi32, #tpu.memory_space<vmem>> -> memref<80xi32, #tpu.memory_space<vmem>>
        %dma_wait3A_995 = arith.constant 0 : i32
        %dma_wait3A_996 = tpu.memref_slice %arg3[%dma_wait3A_995] : memref<640000xi32, #tpu.memory_space<hbm>> -> memref<80xi32, #tpu.memory_space<hbm>>
        %dma_wait3A_997 = tpu.memref_slice %arg11[%rem3A_979] : memref<8x!tpu.dma_semaphore, #tpu.memory_space<semaphore_mem>> -> memref<1x!tpu.dma_semaphore, #tpu.memory_space<semaphore_mem>>
        %dma_wait3A_998 = tpu.memref_squeeze %dma_wait3A_997 : memref<1x!tpu.dma_semaphore, #tpu.memory_space<semaphore_mem>> -> memref<!tpu.dma_semaphore, #tpu.memory_space<semaphore_mem>>
        %dma_wait3A_999 = arith.constant 0 : i32
        %dma_wait3A_1000 = tpu.memref_slice %arg7[%rem3A_979, %dma_wait3A_999] : memref<8x80xi32, #tpu.memory_space<vmem>> -> memref<1x80xi32, #tpu.memory_space<vmem>>
        %dma_wait3A_1001 = tpu.memref_squeeze %dma_wait3A_1000 : memref<1x80xi32, #tpu.memory_space<vmem>> -> memref<80xi32, #tpu.memory_space<vmem>>
        %dma_wait3A_1002 = arith.constant 0 : i32
        %dma_wait3A_1003 = tpu.memref_slice %arg3[%dma_wait3A_1002] : memref<640000xi32, #tpu.memory_space<hbm>> -> memref<80xi32, #tpu.memory_space<hbm>>
        tpu.wait_dma2 semaphore(%dma_wait3A_998 : memref<!tpu.dma_semaphore, #tpu.memory_space<semaphore_mem>>) src(%dma_wait3A_1003 : memref<80xi32, #tpu.memory_space<hbm>>) dst(%dma_wait3A_1001 : memref<80xi32, #tpu.memory_space<vmem>>)
        %dma_wait3A_1004 = arith.constant 0 : i32
        %dma_wait3A_1005 = tpu.memref_slice %arg8[%rem3A_979, %dma_wait3A_1004] : memref<8x80xf32, #tpu.memory_space<vmem>> -> memref<1x80xf32, #tpu.memory_space<vmem>>
        %dma_wait3A_1006 = tpu.memref_squeeze %dma_wait3A_1005 : memref<1x80xf32, #tpu.memory_space<vmem>> -> memref<80xf32, #tpu.memory_space<vmem>>
        %dma_wait3A_1007 = arith.constant 0 : i32
        %dma_wait3A_1008 = tpu.memref_slice %arg4[%dma_wait3A_1007] : memref<320000xf32, #tpu.memory_space<hbm>> -> memref<80xf32, #tpu.memory_space<hbm>>
        %dma_wait3A_1009 = tpu.memref_slice %arg11[%rem3A_979] : memref<8x!tpu.dma_semaphore, #tpu.memory_space<semaphore_mem>> -> memref<1x!tpu.dma_semaphore, #tpu.memory_space<semaphore_mem>>
        %dma_wait3A_1010 = tpu.memref_squeeze %dma_wait3A_1009 : memref<1x!tpu.dma_semaphore, #tpu.memory_space<semaphore_mem>> -> memref<!tpu.dma_semaphore, #tpu.memory_space<semaphore_mem>>
        %dma_wait3A_1011 = arith.constant 0 : i32
        %dma_wait3A_1012 = tpu.memref_slice %arg8[%rem3A_979, %dma_wait3A_1011] : memref<8x80xf32, #tpu.memory_space<vmem>> -> memref<1x80xf32, #tpu.memory_space<vmem>>
        %dma_wait3A_1013 = tpu.memref_squeeze %dma_wait3A_1012 : memref<1x80xf32, #tpu.memory_space<vmem>> -> memref<80xf32, #tpu.memory_space<vmem>>
        %dma_wait3A_1014 = arith.constant 0 : i32
        %dma_wait3A_1015 = tpu.memref_slice %arg4[%dma_wait3A_1014] : memref<320000xf32, #tpu.memory_space<hbm>> -> memref<80xf32, #tpu.memory_space<hbm>>
        tpu.wait_dma2 semaphore(%dma_wait3A_1010 : memref<!tpu.dma_semaphore, #tpu.memory_space<semaphore_mem>>) src(%dma_wait3A_1015 : memref<80xf32, #tpu.memory_space<hbm>>) dst(%dma_wait3A_1013 : memref<80xf32, #tpu.memory_space<vmem>>)
        %add3A_1016 = arith.constant 2 : i32
        %add3A_1017 = arith.addi %scan3A_924, %add3A_1016 : i32
        %rem3A_1018 = arith.constant 4 : i32
        %rem3A_1019 = arith.remsi %add3A_1017, %rem3A_1018 : i32
        %add3A_1020 = arith.constant 2 : i32
        %add3A_1021 = arith.addi %scan3A_924, %add3A_1020 : i32
        %rem3A_1022 = arith.constant 8 : i32
        %rem3A_1023 = arith.remsi %add3A_1021, %rem3A_1022 : i32
        %dma_start3A_1024 = arith.constant 0 : i32
        %dma_start3A_1025 = arith.constant 0 : i32
        %dma_start3A_1026 = tpu.memref_slice %arg9[%rem3A_1019, %dma_start3A_1024, %dma_start3A_1025] : memref<4x80x128xf32, #tpu.memory_space<vmem>> -> memref<1x80x128xf32, #tpu.memory_space<vmem>>
        %dma_start3A_1027 = tpu.memref_squeeze %dma_start3A_1026 : memref<1x80x128xf32, #tpu.memory_space<vmem>> -> memref<80x128xf32, #tpu.memory_space<vmem>>
        %dma_start3A_1028 = arith.constant 0 : i32
        %dma_start3A_1029 = tpu.memref_slice %arg6[%rem3A_1023, %dma_start3A_1028] : memref<8x80xi32, #tpu.memory_space<vmem>> -> memref<1x80xi32, #tpu.memory_space<vmem>>
        %dma_start3A_1030 = tpu.memref_squeeze %dma_start3A_1029 : memref<1x80xi32, #tpu.memory_space<vmem>> -> memref<80xi32, #tpu.memory_space<vmem>>
        %dma_start3A_1031 = arith.constant 0 : i32
        %dma_start3A_1032 = arith.constant 0 : i32
        %dma_start3A_1033 = tpu.memref_slice %arg2[%dma_start3A_1031, %dma_start3A_1032] : memref<10000x128xf32, #tpu.memory_space<hbm>> -> memref<10000x128xf32, #tpu.memory_space<hbm>>
        %dma_start3A_1034 = tpu.memref_slice %arg12[%rem3A_1019] : memref<4x!tpu.dma_semaphore, #tpu.memory_space<semaphore_mem>> -> memref<1x!tpu.dma_semaphore, #tpu.memory_space<semaphore_mem>>
        %dma_start3A_1035 = tpu.memref_squeeze %dma_start3A_1034 : memref<1x!tpu.dma_semaphore, #tpu.memory_space<semaphore_mem>> -> memref<!tpu.dma_semaphore, #tpu.memory_space<semaphore_mem>>
        tpu.enqueue_indirect_dma source(%dma_start3A_1033 : memref<10000x128xf32, #tpu.memory_space<hbm>>) target(%dma_start3A_1027 : memref<80x128xf32, #tpu.memory_space<vmem>>) offsets(%dma_start3A_1030 : memref<80xi32, #tpu.memory_space<vmem>>) semaphore(%dma_start3A_1035 : memref<!tpu.dma_semaphore, #tpu.memory_space<semaphore_mem>>)
      } else {
      }
    }
    %scan3A_851 = arith.constant 125 : i32
    %dma_wait3A_852 = arith.constant 3 : i32
    %dma_wait3A_853 = arith.constant 3 : i32
    %dma_wait3A_854 = arith.constant 0 : i32
    %dma_wait3A_855 = arith.constant 0 : i32
    %dma_wait3A_856 = tpu.memref_slice %arg9[%dma_wait3A_852, %dma_wait3A_854, %dma_wait3A_855] : memref<4x80x128xf32, #tpu.memory_space<vmem>> -> memref<1x80x128xf32, #tpu.memory_space<vmem>>
    %dma_wait3A_857 = tpu.memref_squeeze %dma_wait3A_856 : memref<1x80x128xf32, #tpu.memory_space<vmem>> -> memref<80x128xf32, #tpu.memory_space<vmem>>
    %dma_wait3A_858 = arith.constant 0 : i32
    %dma_wait3A_859 = arith.constant 0 : i32
    %dma_wait3A_860 = tpu.memref_slice %arg10[%dma_wait3A_858, %dma_wait3A_859] : memref<10000x128xf32, #tpu.memory_space<vmem_shared>> -> memref<80x128xf32, #tpu.memory_space<vmem_shared>>
    %dma_wait3A_861 = tpu.memref_slice %arg13[%dma_wait3A_853] : memref<4x!tpu.dma_semaphore, #tpu.memory_space<semaphore_mem>> -> memref<1x!tpu.dma_semaphore, #tpu.memory_space<semaphore_mem>>
    %dma_wait3A_862 = tpu.memref_squeeze %dma_wait3A_861 : memref<1x!tpu.dma_semaphore, #tpu.memory_space<semaphore_mem>> -> memref<!tpu.dma_semaphore, #tpu.memory_space<semaphore_mem>>
    %dma_wait3A_863 = arith.constant 0 : i32
    %dma_wait3A_864 = arith.constant 0 : i32
    %dma_wait3A_865 = tpu.memref_slice %arg10[%dma_wait3A_863, %dma_wait3A_864] : memref<10000x128xf32, #tpu.memory_space<vmem_shared>> -> memref<80x128xf32, #tpu.memory_space<vmem_shared>>
    %dma_wait3A_866 = arith.constant 0 : i32
    %dma_wait3A_867 = arith.constant 0 : i32
    %dma_wait3A_868 = tpu.memref_slice %arg9[%dma_wait3A_852, %dma_wait3A_866, %dma_wait3A_867] : memref<4x80x128xf32, #tpu.memory_space<vmem>> -> memref<1x80x128xf32, #tpu.memory_space<vmem>>
    %dma_wait3A_869 = tpu.memref_squeeze %dma_wait3A_868 : memref<1x80x128xf32, #tpu.memory_space<vmem>> -> memref<80x128xf32, #tpu.memory_space<vmem>>
    tpu.wait_dma2 semaphore(%dma_wait3A_862 : memref<!tpu.dma_semaphore, #tpu.memory_space<semaphore_mem>>) src(%dma_wait3A_869 : memref<80x128xf32, #tpu.memory_space<vmem>>) dst(%dma_wait3A_865 : memref<80x128xf32, #tpu.memory_space<vmem_shared>>)
    %dma_wait3A_870 = arith.constant 0 : i32
    %dma_wait3A_871 = arith.constant 0 : i32
    %dma_wait3A_872 = arith.constant 0 : i32
    %dma_wait3A_873 = arith.constant 0 : i32
    %dma_wait3A_874 = tpu.memref_slice %arg9[%dma_wait3A_870, %dma_wait3A_872, %dma_wait3A_873] : memref<4x80x128xf32, #tpu.memory_space<vmem>> -> memref<1x80x128xf32, #tpu.memory_space<vmem>>
    %dma_wait3A_875 = tpu.memref_squeeze %dma_wait3A_874 : memref<1x80x128xf32, #tpu.memory_space<vmem>> -> memref<80x128xf32, #tpu.memory_space<vmem>>
    %dma_wait3A_876 = arith.constant 0 : i32
    %dma_wait3A_877 = arith.constant 0 : i32
    %dma_wait3A_878 = tpu.memref_slice %arg10[%dma_wait3A_876, %dma_wait3A_877] : memref<10000x128xf32, #tpu.memory_space<vmem_shared>> -> memref<80x128xf32, #tpu.memory_space<vmem_shared>>
    %dma_wait3A_879 = tpu.memref_slice %arg13[%dma_wait3A_871] : memref<4x!tpu.dma_semaphore, #tpu.memory_space<semaphore_mem>> -> memref<1x!tpu.dma_semaphore, #tpu.memory_space<semaphore_mem>>
    %dma_wait3A_880 = tpu.memref_squeeze %dma_wait3A_879 : memref<1x!tpu.dma_semaphore, #tpu.memory_space<semaphore_mem>> -> memref<!tpu.dma_semaphore, #tpu.memory_space<semaphore_mem>>
    %dma_wait3A_881 = arith.constant 0 : i32
    %dma_wait3A_882 = arith.constant 0 : i32
    %dma_wait3A_883 = tpu.memref_slice %arg10[%dma_wait3A_881, %dma_wait3A_882] : memref<10000x128xf32, #tpu.memory_space<vmem_shared>> -> memref<80x128xf32, #tpu.memory_space<vmem_shared>>
    %dma_wait3A_884 = arith.constant 0 : i32
    %dma_wait3A_885 = arith.constant 0 : i32
    %dma_wait3A_886 = tpu.memref_slice %arg9[%dma_wait3A_870, %dma_wait3A_884, %dma_wait3A_885] : memref<4x80x128xf32, #tpu.memory_space<vmem>> -> memref<1x80x128xf32, #tpu.memory_space<vmem>>
    %dma_wait3A_887 = tpu.memref_squeeze %dma_wait3A_886 : memref<1x80x128xf32, #tpu.memory_space<vmem>> -> memref<80x128xf32, #tpu.memory_space<vmem>>
    tpu.wait_dma2 semaphore(%dma_wait3A_880 : memref<!tpu.dma_semaphore, #tpu.memory_space<semaphore_mem>>) src(%dma_wait3A_887 : memref<80x128xf32, #tpu.memory_space<vmem>>) dst(%dma_wait3A_883 : memref<80x128xf32, #tpu.memory_space<vmem_shared>>)
    %barrier3A_888 = arith.constant 0 : index
    tpu.barrier barrier_id(%barrier3A_888)
    "tpu.trace_stop"() : () -> ()
    "tpu.trace_start"() <{level = 10 : i32, message = "sc_writeback"}> : () -> ()
    %add3A_889 = arith.constant 0 : i32
    %add3A_890 = arith.addi %add3A_889, %arg1 : i32
    %mul3A_891 = arith.constant 80 : i32
    %mul3A_892 = arith.muli %add3A_890, %mul3A_891 : i32
    "tpu.region"() ({
      %run_scoped3A = tpu.sem_alloc : memref<!tpu.dma_semaphore, #tpu.memory_space<semaphore_mem>>
      %dma_start3A_924 = arith.constant 0 : i32
      %dma_start3A_925 = tpu.memref_slice %arg5[%arg0, %mul3A_892, %dma_start3A_924] : memref<2x10000x128xf32, #tpu.memory_space<hbm>> -> memref<1x80x128xf32, #tpu.memory_space<hbm>>
      %dma_start3A_926 = tpu.memref_squeeze %dma_start3A_925 : memref<1x80x128xf32, #tpu.memory_space<hbm>> -> memref<80x128xf32, #tpu.memory_space<hbm>>
      %dma_start3A_927 = arith.constant 0 : i32
      %dma_start3A_928 = tpu.memref_slice %arg10[%mul3A_892, %dma_start3A_927] : memref<10000x128xf32, #tpu.memory_space<vmem_shared>> -> memref<80x128xf32, #tpu.memory_space<vmem_shared>>
      tpu.enqueue_dma source(%dma_start3A_928 : memref<80x128xf32, #tpu.memory_space<vmem_shared>>) target(%dma_start3A_926 : memref<80x128xf32, #tpu.memory_space<hbm>>) target_semaphore(%run_scoped3A : memref<!tpu.dma_semaphore, #tpu.memory_space<semaphore_mem>>)
      %dma_wait3A_929 = arith.constant 0 : i32
      %dma_wait3A_930 = tpu.memref_slice %arg5[%arg0, %mul3A_892, %dma_wait3A_929] : memref<2x10000x128xf32, #tpu.memory_space<hbm>> -> memref<1x80x128xf32, #tpu.memory_space<hbm>>
      %dma_wait3A_931 = tpu.memref_squeeze %dma_wait3A_930 : memref<1x80x128xf32, #tpu.memory_space<hbm>> -> memref<80x128xf32, #tpu.memory_space<hbm>>
      %dma_wait3A_932 = arith.constant 0 : i32
      %dma_wait3A_933 = tpu.memref_slice %arg10[%mul3A_892, %dma_wait3A_932] : memref<10000x128xf32, #tpu.memory_space<vmem_shared>> -> memref<80x128xf32, #tpu.memory_space<vmem_shared>>
      tpu.wait_dma2 semaphore(%run_scoped3A : memref<!tpu.dma_semaphore, #tpu.memory_space<semaphore_mem>>) src(%dma_wait3A_933 : memref<80x128xf32, #tpu.memory_space<vmem_shared>>) dst(%dma_wait3A_931 : memref<80x128xf32, #tpu.memory_space<hbm>>)
      tpu.yield
    }) : () -> ()
    %add3A_893 = arith.constant 16 : i32
    %add3A_894 = arith.addi %add3A_893, %arg1 : i32
    %mul3A_895 = arith.constant 80 : i32
    %mul3A_896 = arith.muli %add3A_894, %mul3A_895 : i32
    "tpu.region"() ({
      %run_scoped3A = tpu.sem_alloc : memref<!tpu.dma_semaphore, #tpu.memory_space<semaphore_mem>>
      %dma_start3A_924 = arith.constant 0 : i32
      %dma_start3A_925 = tpu.memref_slice %arg5[%arg0, %mul3A_896, %dma_start3A_924] : memref<2x10000x128xf32, #tpu.memory_space<hbm>> -> memref<1x80x128xf32, #tpu.memory_space<hbm>>
      %dma_start3A_926 = tpu.memref_squeeze %dma_start3A_925 : memref<1x80x128xf32, #tpu.memory_space<hbm>> -> memref<80x128xf32, #tpu.memory_space<hbm>>
      %dma_start3A_927 = arith.constant 0 : i32
      %dma_start3A_928 = tpu.memref_slice %arg10[%mul3A_896, %dma_start3A_927] : memref<10000x128xf32, #tpu.memory_space<vmem_shared>> -> memref<80x128xf32, #tpu.memory_space<vmem_shared>>
      tpu.enqueue_dma source(%dma_start3A_928 : memref<80x128xf32, #tpu.memory_space<vmem_shared>>) target(%dma_start3A_926 : memref<80x128xf32, #tpu.memory_space<hbm>>) target_semaphore(%run_scoped3A : memref<!tpu.dma_semaphore, #tpu.memory_space<semaphore_mem>>)
      %dma_wait3A_929 = arith.constant 0 : i32
      %dma_wait3A_930 = tpu.memref_slice %arg5[%arg0, %mul3A_896, %dma_wait3A_929] : memref<2x10000x128xf32, #tpu.memory_space<hbm>> -> memref<1x80x128xf32, #tpu.memory_space<hbm>>
      %dma_wait3A_931 = tpu.memref_squeeze %dma_wait3A_930 : memref<1x80x128xf32, #tpu.memory_space<hbm>> -> memref<80x128xf32, #tpu.memory_space<hbm>>
      %dma_wait3A_932 = arith.constant 0 : i32
      %dma_wait3A_933 = tpu.memref_slice %arg10[%mul3A_896, %dma_wait3A_932] : memref<10000x128xf32, #tpu.memory_space<vmem_shared>> -> memref<80x128xf32, #tpu.memory_space<vmem_shared>>
      tpu.wait_dma2 semaphore(%run_scoped3A : memref<!tpu.dma_semaphore, #tpu.memory_space<semaphore_mem>>) src(%dma_wait3A_933 : memref<80x128xf32, #tpu.memory_space<vmem_shared>>) dst(%dma_wait3A_931 : memref<80x128xf32, #tpu.memory_space<hbm>>)
      tpu.yield
    }) : () -> ()
    %add3A_897 = arith.constant 32 : i32
    %add3A_898 = arith.addi %add3A_897, %arg1 : i32
    %mul3A_899 = arith.constant 80 : i32
    %mul3A_900 = arith.muli %add3A_898, %mul3A_899 : i32
    "tpu.region"() ({
      %run_scoped3A = tpu.sem_alloc : memref<!tpu.dma_semaphore, #tpu.memory_space<semaphore_mem>>
      %dma_start3A_924 = arith.constant 0 : i32
      %dma_start3A_925 = tpu.memref_slice %arg5[%arg0, %mul3A_900, %dma_start3A_924] : memref<2x10000x128xf32, #tpu.memory_space<hbm>> -> memref<1x80x128xf32, #tpu.memory_space<hbm>>
      %dma_start3A_926 = tpu.memref_squeeze %dma_start3A_925 : memref<1x80x128xf32, #tpu.memory_space<hbm>> -> memref<80x128xf32, #tpu.memory_space<hbm>>
      %dma_start3A_927 = arith.constant 0 : i32
      %dma_start3A_928 = tpu.memref_slice %arg10[%mul3A_900, %dma_start3A_927] : memref<10000x128xf32, #tpu.memory_space<vmem_shared>> -> memref<80x128xf32, #tpu.memory_space<vmem_shared>>
      tpu.enqueue_dma source(%dma_start3A_928 : memref<80x128xf32, #tpu.memory_space<vmem_shared>>) target(%dma_start3A_926 : memref<80x128xf32, #tpu.memory_space<hbm>>) target_semaphore(%run_scoped3A : memref<!tpu.dma_semaphore, #tpu.memory_space<semaphore_mem>>)
      %dma_wait3A_929 = arith.constant 0 : i32
      %dma_wait3A_930 = tpu.memref_slice %arg5[%arg0, %mul3A_900, %dma_wait3A_929] : memref<2x10000x128xf32, #tpu.memory_space<hbm>> -> memref<1x80x128xf32, #tpu.memory_space<hbm>>
      %dma_wait3A_931 = tpu.memref_squeeze %dma_wait3A_930 : memref<1x80x128xf32, #tpu.memory_space<hbm>> -> memref<80x128xf32, #tpu.memory_space<hbm>>
      %dma_wait3A_932 = arith.constant 0 : i32
      %dma_wait3A_933 = tpu.memref_slice %arg10[%mul3A_900, %dma_wait3A_932] : memref<10000x128xf32, #tpu.memory_space<vmem_shared>> -> memref<80x128xf32, #tpu.memory_space<vmem_shared>>
      tpu.wait_dma2 semaphore(%run_scoped3A : memref<!tpu.dma_semaphore, #tpu.memory_space<semaphore_mem>>) src(%dma_wait3A_933 : memref<80x128xf32, #tpu.memory_space<vmem_shared>>) dst(%dma_wait3A_931 : memref<80x128xf32, #tpu.memory_space<hbm>>)
      tpu.yield
    }) : () -> ()
    %add3A_901 = arith.constant 48 : i32
    %add3A_902 = arith.addi %add3A_901, %arg1 : i32
    %mul3A_903 = arith.constant 80 : i32
    %mul3A_904 = arith.muli %add3A_902, %mul3A_903 : i32
    "tpu.region"() ({
      %run_scoped3A = tpu.sem_alloc : memref<!tpu.dma_semaphore, #tpu.memory_space<semaphore_mem>>
      %dma_start3A_924 = arith.constant 0 : i32
      %dma_start3A_925 = tpu.memref_slice %arg5[%arg0, %mul3A_904, %dma_start3A_924] : memref<2x10000x128xf32, #tpu.memory_space<hbm>> -> memref<1x80x128xf32, #tpu.memory_space<hbm>>
      %dma_start3A_926 = tpu.memref_squeeze %dma_start3A_925 : memref<1x80x128xf32, #tpu.memory_space<hbm>> -> memref<80x128xf32, #tpu.memory_space<hbm>>
      %dma_start3A_927 = arith.constant 0 : i32
      %dma_start3A_928 = tpu.memref_slice %arg10[%mul3A_904, %dma_start3A_927] : memref<10000x128xf32, #tpu.memory_space<vmem_shared>> -> memref<80x128xf32, #tpu.memory_space<vmem_shared>>
      tpu.enqueue_dma source(%dma_start3A_928 : memref<80x128xf32, #tpu.memory_space<vmem_shared>>) target(%dma_start3A_926 : memref<80x128xf32, #tpu.memory_space<hbm>>) target_semaphore(%run_scoped3A : memref<!tpu.dma_semaphore, #tpu.memory_space<semaphore_mem>>)
      %dma_wait3A_929 = arith.constant 0 : i32
      %dma_wait3A_930 = tpu.memref_slice %arg5[%arg0, %mul3A_904, %dma_wait3A_929] : memref<2x10000x128xf32, #tpu.memory_space<hbm>> -> memref<1x80x128xf32, #tpu.memory_space<hbm>>
      %dma_wait3A_931 = tpu.memref_squeeze %dma_wait3A_930 : memref<1x80x128xf32, #tpu.memory_space<hbm>> -> memref<80x128xf32, #tpu.memory_space<hbm>>
      %dma_wait3A_932 = arith.constant 0 : i32
      %dma_wait3A_933 = tpu.memref_slice %arg10[%mul3A_904, %dma_wait3A_932] : memref<10000x128xf32, #tpu.memory_space<vmem_shared>> -> memref<80x128xf32, #tpu.memory_space<vmem_shared>>
      tpu.wait_dma2 semaphore(%run_scoped3A : memref<!tpu.dma_semaphore, #tpu.memory_space<semaphore_mem>>) src(%dma_wait3A_933 : memref<80x128xf32, #tpu.memory_space<vmem_shared>>) dst(%dma_wait3A_931 : memref<80x128xf32, #tpu.memory_space<hbm>>)
      tpu.yield
    }) : () -> ()
    %add3A_905 = arith.constant 64 : i32
    %add3A_906 = arith.addi %add3A_905, %arg1 : i32
    %mul3A_907 = arith.constant 80 : i32
    %mul3A_908 = arith.muli %add3A_906, %mul3A_907 : i32
    "tpu.region"() ({
      %run_scoped3A = tpu.sem_alloc : memref<!tpu.dma_semaphore, #tpu.memory_space<semaphore_mem>>
      %dma_start3A_924 = arith.constant 0 : i32
      %dma_start3A_925 = tpu.memref_slice %arg5[%arg0, %mul3A_908, %dma_start3A_924] : memref<2x10000x128xf32, #tpu.memory_space<hbm>> -> memref<1x80x128xf32, #tpu.memory_space<hbm>>
      %dma_start3A_926 = tpu.memref_squeeze %dma_start3A_925 : memref<1x80x128xf32, #tpu.memory_space<hbm>> -> memref<80x128xf32, #tpu.memory_space<hbm>>
      %dma_start3A_927 = arith.constant 0 : i32
      %dma_start3A_928 = tpu.memref_slice %arg10[%mul3A_908, %dma_start3A_927] : memref<10000x128xf32, #tpu.memory_space<vmem_shared>> -> memref<80x128xf32, #tpu.memory_space<vmem_shared>>
      tpu.enqueue_dma source(%dma_start3A_928 : memref<80x128xf32, #tpu.memory_space<vmem_shared>>) target(%dma_start3A_926 : memref<80x128xf32, #tpu.memory_space<hbm>>) target_semaphore(%run_scoped3A : memref<!tpu.dma_semaphore, #tpu.memory_space<semaphore_mem>>)
      %dma_wait3A_929 = arith.constant 0 : i32
      %dma_wait3A_930 = tpu.memref_slice %arg5[%arg0, %mul3A_908, %dma_wait3A_929] : memref<2x10000x128xf32, #tpu.memory_space<hbm>> -> memref<1x80x128xf32, #tpu.memory_space<hbm>>
      %dma_wait3A_931 = tpu.memref_squeeze %dma_wait3A_930 : memref<1x80x128xf32, #tpu.memory_space<hbm>> -> memref<80x128xf32, #tpu.memory_space<hbm>>
      %dma_wait3A_932 = arith.constant 0 : i32
      %dma_wait3A_933 = tpu.memref_slice %arg10[%mul3A_908, %dma_wait3A_932] : memref<10000x128xf32, #tpu.memory_space<vmem_shared>> -> memref<80x128xf32, #tpu.memory_space<vmem_shared>>
      tpu.wait_dma2 semaphore(%run_scoped3A : memref<!tpu.dma_semaphore, #tpu.memory_space<semaphore_mem>>) src(%dma_wait3A_933 : memref<80x128xf32, #tpu.memory_space<vmem_shared>>) dst(%dma_wait3A_931 : memref<80x128xf32, #tpu.memory_space<hbm>>)
      tpu.yield
    }) : () -> ()
    %add3A_909 = arith.constant 80 : i32
    %add3A_910 = arith.addi %add3A_909, %arg1 : i32
    %mul3A_911 = arith.constant 80 : i32
    %mul3A_912 = arith.muli %add3A_910, %mul3A_911 : i32
    "tpu.region"() ({
      %run_scoped3A = tpu.sem_alloc : memref<!tpu.dma_semaphore, #tpu.memory_space<semaphore_mem>>
      %dma_start3A_924 = arith.constant 0 : i32
      %dma_start3A_925 = tpu.memref_slice %arg5[%arg0, %mul3A_912, %dma_start3A_924] : memref<2x10000x128xf32, #tpu.memory_space<hbm>> -> memref<1x80x128xf32, #tpu.memory_space<hbm>>
      %dma_start3A_926 = tpu.memref_squeeze %dma_start3A_925 : memref<1x80x128xf32, #tpu.memory_space<hbm>> -> memref<80x128xf32, #tpu.memory_space<hbm>>
      %dma_start3A_927 = arith.constant 0 : i32
      %dma_start3A_928 = tpu.memref_slice %arg10[%mul3A_912, %dma_start3A_927] : memref<10000x128xf32, #tpu.memory_space<vmem_shared>> -> memref<80x128xf32, #tpu.memory_space<vmem_shared>>
      tpu.enqueue_dma source(%dma_start3A_928 : memref<80x128xf32, #tpu.memory_space<vmem_shared>>) target(%dma_start3A_926 : memref<80x128xf32, #tpu.memory_space<hbm>>) target_semaphore(%run_scoped3A : memref<!tpu.dma_semaphore, #tpu.memory_space<semaphore_mem>>)
      %dma_wait3A_929 = arith.constant 0 : i32
      %dma_wait3A_930 = tpu.memref_slice %arg5[%arg0, %mul3A_912, %dma_wait3A_929] : memref<2x10000x128xf32, #tpu.memory_space<hbm>> -> memref<1x80x128xf32, #tpu.memory_space<hbm>>
      %dma_wait3A_931 = tpu.memref_squeeze %dma_wait3A_930 : memref<1x80x128xf32, #tpu.memory_space<hbm>> -> memref<80x128xf32, #tpu.memory_space<hbm>>
      %dma_wait3A_932 = arith.constant 0 : i32
      %dma_wait3A_933 = tpu.memref_slice %arg10[%mul3A_912, %dma_wait3A_932] : memref<10000x128xf32, #tpu.memory_space<vmem_shared>> -> memref<80x128xf32, #tpu.memory_space<vmem_shared>>
      tpu.wait_dma2 semaphore(%run_scoped3A : memref<!tpu.dma_semaphore, #tpu.memory_space<semaphore_mem>>) src(%dma_wait3A_933 : memref<80x128xf32, #tpu.memory_space<vmem_shared>>) dst(%dma_wait3A_931 : memref<80x128xf32, #tpu.memory_space<hbm>>)
      tpu.yield
    }) : () -> ()
    %add3A_913 = arith.constant 96 : i32
    %add3A_914 = arith.addi %add3A_913, %arg1 : i32
    %mul3A_915 = arith.constant 80 : i32
    %mul3A_916 = arith.muli %add3A_914, %mul3A_915 : i32
    "tpu.region"() ({
      %run_scoped3A = tpu.sem_alloc : memref<!tpu.dma_semaphore, #tpu.memory_space<semaphore_mem>>
      %dma_start3A_924 = arith.constant 0 : i32
      %dma_start3A_925 = tpu.memref_slice %arg5[%arg0, %mul3A_916, %dma_start3A_924] : memref<2x10000x128xf32, #tpu.memory_space<hbm>> -> memref<1x80x128xf32, #tpu.memory_space<hbm>>
      %dma_start3A_926 = tpu.memref_squeeze %dma_start3A_925 : memref<1x80x128xf32, #tpu.memory_space<hbm>> -> memref<80x128xf32, #tpu.memory_space<hbm>>
      %dma_start3A_927 = arith.constant 0 : i32
      %dma_start3A_928 = tpu.memref_slice %arg10[%mul3A_916, %dma_start3A_927] : memref<10000x128xf32, #tpu.memory_space<vmem_shared>> -> memref<80x128xf32, #tpu.memory_space<vmem_shared>>
      tpu.enqueue_dma source(%dma_start3A_928 : memref<80x128xf32, #tpu.memory_space<vmem_shared>>) target(%dma_start3A_926 : memref<80x128xf32, #tpu.memory_space<hbm>>) target_semaphore(%run_scoped3A : memref<!tpu.dma_semaphore, #tpu.memory_space<semaphore_mem>>)
      %dma_wait3A_929 = arith.constant 0 : i32
      %dma_wait3A_930 = tpu.memref_slice %arg5[%arg0, %mul3A_916, %dma_wait3A_929] : memref<2x10000x128xf32, #tpu.memory_space<hbm>> -> memref<1x80x128xf32, #tpu.memory_space<hbm>>
      %dma_wait3A_931 = tpu.memref_squeeze %dma_wait3A_930 : memref<1x80x128xf32, #tpu.memory_space<hbm>> -> memref<80x128xf32, #tpu.memory_space<hbm>>
      %dma_wait3A_932 = arith.constant 0 : i32
      %dma_wait3A_933 = tpu.memref_slice %arg10[%mul3A_916, %dma_wait3A_932] : memref<10000x128xf32, #tpu.memory_space<vmem_shared>> -> memref<80x128xf32, #tpu.memory_space<vmem_shared>>
      tpu.wait_dma2 semaphore(%run_scoped3A : memref<!tpu.dma_semaphore, #tpu.memory_space<semaphore_mem>>) src(%dma_wait3A_933 : memref<80x128xf32, #tpu.memory_space<vmem_shared>>) dst(%dma_wait3A_931 : memref<80x128xf32, #tpu.memory_space<hbm>>)
      tpu.yield
    }) : () -> ()
    %add3A_917 = arith.constant 112 : i32
    %add3A_918 = arith.addi %add3A_917, %arg1 : i32
    %lt3A_919 = arith.constant 125 : i32
    %lt3A_920 = arith.cmpi slt, %add3A_918, %lt3A_919 : i32
    %convert_element_type3A_921 = arith.extui %lt3A_920 : i1 to i32
    %cond3A_922 = arith.constant 0 : i32
    %cond3A_923 = arith.cmpi ne, %convert_element_type3A_921, %cond3A_922 : i32
    scf.if %cond3A_923 {
      %add3A_924 = arith.constant 112 : i32
      %add3A_925 = arith.addi %add3A_924, %arg1 : i32
      %mul3A_926 = arith.constant 80 : i32
      %mul3A_927 = arith.muli %add3A_925, %mul3A_926 : i32
      "tpu.region"() ({
        %run_scoped3A = tpu.sem_alloc : memref<!tpu.dma_semaphore, #tpu.memory_space<semaphore_mem>>
        %dma_start3A_928 = arith.constant 0 : i32
        %dma_start3A_929 = tpu.memref_slice %arg5[%arg0, %mul3A_927, %dma_start3A_928] : memref<2x10000x128xf32, #tpu.memory_space<hbm>> -> memref<1x80x128xf32, #tpu.memory_space<hbm>>
        %dma_start3A_930 = tpu.memref_squeeze %dma_start3A_929 : memref<1x80x128xf32, #tpu.memory_space<hbm>> -> memref<80x128xf32, #tpu.memory_space<hbm>>
        %dma_start3A_931 = arith.constant 0 : i32
        %dma_start3A_932 = tpu.memref_slice %arg10[%mul3A_927, %dma_start3A_931] : memref<10000x128xf32, #tpu.memory_space<vmem_shared>> -> memref<80x128xf32, #tpu.memory_space<vmem_shared>>
        tpu.enqueue_dma source(%dma_start3A_932 : memref<80x128xf32, #tpu.memory_space<vmem_shared>>) target(%dma_start3A_930 : memref<80x128xf32, #tpu.memory_space<hbm>>) target_semaphore(%run_scoped3A : memref<!tpu.dma_semaphore, #tpu.memory_space<semaphore_mem>>)
        %dma_wait3A_933 = arith.constant 0 : i32
        %dma_wait3A_934 = tpu.memref_slice %arg5[%arg0, %mul3A_927, %dma_wait3A_933] : memref<2x10000x128xf32, #tpu.memory_space<hbm>> -> memref<1x80x128xf32, #tpu.memory_space<hbm>>
        %dma_wait3A_935 = tpu.memref_squeeze %dma_wait3A_934 : memref<1x80x128xf32, #tpu.memory_space<hbm>> -> memref<80x128xf32, #tpu.memory_space<hbm>>
        %dma_wait3A_936 = arith.constant 0 : i32
        %dma_wait3A_937 = tpu.memref_slice %arg10[%mul3A_927, %dma_wait3A_936] : memref<10000x128xf32, #tpu.memory_space<vmem_shared>> -> memref<80x128xf32, #tpu.memory_space<vmem_shared>>
        tpu.wait_dma2 semaphore(%run_scoped3A : memref<!tpu.dma_semaphore, #tpu.memory_space<semaphore_mem>>) src(%dma_wait3A_937 : memref<80x128xf32, #tpu.memory_space<vmem_shared>>) dst(%dma_wait3A_935 : memref<80x128xf32, #tpu.memory_space<hbm>>)
        tpu.yield
      }) : () -> ()
    } else {
    }
    "tpu.trace_stop"() : () -> ()
    return
  }
}

module attributes {stable_mosaic.version = 14 : i64} {
  func.func @_tc_body(%arg0: i32, %arg1: memref<1x2000x128xf32, #tpu.memory_space<vmem>>, %arg2: memref<1x2000x128xf32, #tpu.memory_space<vmem>>, %arg3: memref<128x128xf32, #tpu.memory_space<vmem>>, %arg4: memref<2000x128xf32, #tpu.memory_space<vmem>>) attributes {dimension_semantics = [#tpu.dimension_semantics<arbitrary>], iteration_bounds = array<i64: 5>, scalar_prefetch = 0 : i64, scratch_operands = 0 : i64, tpu.core_type = #tpu.core_type<tc>, window_params = [{transform_indices = @transform_0, window_bounds = array<i64: 1, 2000, 128>}, {transform_indices = @transform_1, window_bounds = array<i64: 1, 2000, 128>}, {pipeline_mode = #tpu.pipeline_mode<synchronous>, transform_indices = @transform_2, window_bounds = array<i64: 128, 128>}, {transform_indices = @transform_3, window_bounds = array<i64: 2000, 128>}]} {
    %get3A = arith.constant 0 : index
    %get3A_0 = arith.constant 0 : index
    %get3A_1 = arith.constant 0 : index
    %get3A_2 = vector.load %arg1[%get3A, %get3A_0, %get3A_1] : memref<1x2000x128xf32, #tpu.memory_space<vmem>>, vector<1x2000x128xf32>
    %get3A_3 = vector.shape_cast %get3A_2 : vector<1x2000x128xf32> to vector<2000x128xf32>
    %get3A_4 = arith.constant 0 : index
    %get3A_5 = arith.constant 0 : index
    %get3A_6 = arith.constant 0 : index
    %get3A_7 = vector.load %arg2[%get3A_4, %get3A_5, %get3A_6] : memref<1x2000x128xf32, #tpu.memory_space<vmem>>, vector<1x2000x128xf32>
    %get3A_8 = vector.shape_cast %get3A_7 : vector<1x2000x128xf32> to vector<2000x128xf32>
    %add3A = arith.addf %get3A_3, %get3A_8 : vector<2000x128xf32>
    %get3A_9 = arith.constant 0 : index
    %get3A_10 = arith.constant 0 : index
    %get3A_11 = vector.load %arg3[%get3A_9, %get3A_10] : memref<128x128xf32, #tpu.memory_space<vmem>>, vector<128x128xf32>
    %dot_general3A = arith.constant dense<0.000000e+00> : vector<2000x128xf32>
    %dot_general3A_12 = tpu.matmul %add3A, %get3A_11, %dot_general3A {dimension_numbers = #tpu.dot_dimension_numbers<[1], [0], [0], [1], [0, 0, 1, 1], [], []>, transpose_lhs_hint = false} : vector<2000x128xf32>, vector<128x128xf32>, vector<2000x128xf32> -> vector<2000x128xf32>
    %gt3A = arith.constant 0.000000e+00 : f32
    %gt3A_13 = vector.broadcast %gt3A : f32 to vector<2000x128xf32>
    %gt3A_14 = arith.cmpf ogt, %dot_general3A_12, %gt3A_13 : vector<2000x128xf32>
    %exp3A = math.exp %dot_general3A_12 : vector<2000x128xf32>
    %sub3A = arith.constant 1.000000e+00 : f32
    %sub3A_15 = vector.broadcast %sub3A : f32 to vector<2000x128xf32>
    %sub3A_16 = arith.subf %exp3A, %sub3A_15 : vector<2000x128xf32>
    %select_n3A = arith.select %gt3A_14, %dot_general3A_12, %sub3A_16 : vector<2000x128xi1>, vector<2000x128xf32>
    %swap3A = arith.constant 0 : index
    %swap3A_17 = arith.constant 0 : index
    %swap3A_18 = vector.load %arg4[%swap3A, %swap3A_17] : memref<2000x128xf32, #tpu.memory_space<vmem>>, vector<2000x128xf32>
    tpu.vector_store %arg4[%swap3A, %swap3A_17], %select_n3A {strides = array<i32>} : memref<2000x128xf32, #tpu.memory_space<vmem>>, vector<2000x128xf32>,
    return
  }
  func.func @transform_0(%arg0: i32) -> (i32, i32, i32) {
    %c0_i32 = arith.constant 0 : i32
    %c0_i32_0 = arith.constant 0 : i32
    %c0_i32_1 = arith.constant 0 : i32
    return %c0_i32, %arg0, %c0_i32_0 : i32, i32, i32
  }
  func.func @transform_1(%arg0: i32) -> (i32, i32, i32) {
    %c1_i32 = arith.constant 1 : i32
    %c0_i32 = arith.constant 0 : i32
    %c0_i32_0 = arith.constant 0 : i32
    return %c1_i32, %arg0, %c0_i32 : i32, i32, i32
  }
  func.func @transform_2(%arg0: i32) -> (i32, i32) {
    %c0_i32 = arith.constant 0 : i32
    %c0_i32_0 = arith.constant 0 : i32
    %c0_i32_1 = arith.constant 0 : i32
    return %c0_i32, %c0_i32_0 : i32, i32
  }
  func.func @transform_3(%arg0: i32) -> (i32, i32) {
    %c0_i32 = arith.constant 0 : i32
    %c0_i32_0 = arith.constant 0 : i32
    return %arg0, %c0_i32 : i32, i32
  }
}

</mosaic_0001>

<sc_bundles>
// kernel: kernel.4.cloned.1.call-start
scs
__scs_entry_jumppad:
0x0: {  	(pc) =	sbr.rel $0x88, $3  }
0x1: {  	(tag) =	ssettag $0x0;
	lr =	simm.s32 $0x1  }
0x2: {  	[smem:$0x3F9D] =	sst lr;
	_ =	strace $0xD0000000  }
0x3: {  	_ = 	snop  }
0x4: {  	_ = 	snop  }
0x5: {  	_ = 	snop  }
0x6: {  	_ = 	snop  }
0x7: {  	_ = 	snop  }
__scs_overlays_trampoline_lowered:
0x8: {  	[smem:$0x3FAC] =	sst s0  }
0x9: {  	[smem:$0x3FAD] =	sst s1  }
0xa: {  	[smem:$0x3FAE] =	sst s2  }
0xb: {  	[smem:$0x3FAF] =	sst s3  }
0xc: {  	[smem:$0x3FB0] =	sst s4  }
0xd: {  	[smem:$0x3FB1] =	sst s5  }
0xe: {  	[smem:$0x3FB2] =	sst s6  }
0xf: {  	[smem:$0x3FB3] =	sst s7  }
0x10: {  	[smem:$0x3FB4] =	sst s8  }
0x11: {  	[smem:$0x3FB5] =	sst s9;
	s0 =	simm.s32 @!p0 $0x0  }
0x12: {  	s1 =	sld [smem:$0x3F9B];
	s0 =	simm.s32 @p0 $0x1  }
0x13: {  	[smem:$0x3FB6] =	sst s0;
	s0 =	simm.s32 @!p1 $0x0  }
0x14: {  	s2 =	sld [smem:$0x3F9A];
	s0 =	simm.s32 @p1 $0x1  }
0x15: {  	[smem:$0x3FB7] =	sst s0;
	s0 =	simm.s32 @!p2 $0x0  }
0x16: {  	s3 =	sld [smem:$0x3FDB];
	s0 =	simm.s32 @p2 $0x1  }
0x17: {  	s4 =	simm.s32 $0x1BF5;
	[smem:$0x3FB9] =	sst s0  }
0x18: {  	s0 =	sld [smem:$0x3F9C];
	_ =	swait.ge [sflag:s4], $0x0  }
0x19: {  	s7 =	sld [smem:$0x3F9D]  }
0x1a: {  	s8 =	sadd.s32 $0xFFFFE003, lr  }
0x1b: {  	s9 =	sadd.s32 $0xFFFFFEF7, lr;
	s5 =	simm.s32 $0xFFFFFFFF;
	p2 =	slt.u32 s8, $0xFFFFF086  }
0x1c: {  	p1 =	slt.u32 s9, $0xF7A;
	s5 =	simm.s32 @!p2 $0x0  }
0x1d: {  	s5 =	simm.s32 @p1 $0x1;
	p0 =	seq.s32 s7, s2  }
0x1e: {  	s7 =	smul.u32 @!p0 $0xF7A, s2;
	p2 =	seq.s32 @!p0 s5, $0x0  }
0x1f: {  	s9 =	smul.u32 $0xF7A, s1;
	s8 =	simm.s32 @!p0 $0x1BF5;
	p2 =	por !p2, p0  }
0x20: {  	[sflag:s8] =	ssyncset.s32 @!p0 $0xFFFFF086;
	s6 =	sadd.s32 @!p0 s3, s7;
	s7 =	simm.s32 @!p0 $0x108  }
0x21: {  	s3 =	sadd.s32 s3, s9;
	s6 =	sadd.s32 @!p0 $0x88, s6;
	s7 =	simm.s32 @p2 $0x1082  }
0x22: {  	[simem:s7], [sflag:s8] =	dma.local @!p0 [hbm:s6], $0xF7A  }
0x23: {  	s9 =	sor.u32 $0xD0000000, s2;
	s6 =	simm.s32 $0x108;
	_ =	swait.ge @!p0 [sflag:s8], $0x0  }
0x24: {  	s3 =	sadd.s32 $0x88, s3;
	s6 =	simm.s32 @!p1 $0x1082;
	[sflag:s4] =	ssyncset.s32 $0xFFFFF086  }
0x25: {  	[simem:s6], [sflag:s4] =	dma.local [hbm:s3], $0xF7A  }
0x26: {  	[smem:$0x3F9D] =	sst s1;
	(tag) =	ssettag s2;
	_ =	strace s9  }
0x27: {  	s1 =	sld [smem:$0x3FAD]  }
0x28: {  	s2 =	sld [smem:$0x3FAE]  }
0x29: {  	s4 =	sld [smem:$0x3FB0]  }
0x2a: {  	p0 =	seq.s32 s5, $0x0;
	s5 =	sld [smem:$0x3FB1]  }
0x2b: {  	s6 =	sld [smem:$0x3FB2]  }
0x2c: {  	s7 =	sld [smem:$0x3FB3]  }
0x2d: {  	s3 =	simm.s32 $0x108;
	s8 =	sld [smem:$0x3FB4]  }
0x2e: {  	s3 =	simm.s32 @!p0 $0x1082;
	s9 =	sld [smem:$0x3FB5]  }
0x2f: {  	lr =	sadd.s32 s0, s3;
	s0 =	sld [smem:$0x3FAC]  }
0x30: {  	s3 =	sld [smem:$0x3FAF]  }
0x31: {  	[smem:$0x3FB8] =	sst s10  }
0x32: {  	s10 =	sld [smem:$0x3FB6];
	_ =	sdelay $0x3  }
0x33: {  	p0 =	seq.s32 s10, $0x1;
	s10 =	sld [smem:$0x3FB8];
	_ =	sdelay $0x3  }
0x34: {  	[smem:$0x3FB8] =	sst s10  }
0x35: {  	s10 =	sld [smem:$0x3FB7];
	_ =	sdelay $0x3  }
0x36: {  	p1 =	seq.s32 s10, $0x1;
	s10 =	sld [smem:$0x3FB8];
	_ =	sdelay $0x3  }
0x37: {  	[smem:$0x3FB8] =	sst s10  }
0x38: {  	s10 =	sld [smem:$0x3FB9]  }
0x39: {  	_ = 	snop;
	(pc) =	sbr.ind lr, $3  }
0x3a: {  	_ = 	snop  }
0x3b: {  	_ = 	snop  }
0x3c: {  	p2 =	seq.s32 s10, $0x1;
	s10 =	sld [smem:$0x3FB8]  }
0x3d: {  	_ =	shalt  }
0x3e: {  	_ =	shalt  }
0x3f: {  	_ =	shalt  }
0x40: {  	_ =	shalt  }
0x41: {  	_ =	shalt  }
0x42: {  	_ =	shalt  }
0x43: {  	_ =	shalt  }
0x44: {  	_ =	shalt  }
0x45: {  	_ =	shalt  }
0x46: {  	_ =	shalt  }
0x47: {  	_ =	shalt  }
0x48: {  	_ =	shalt  }
0x49: {  	_ =	shalt  }
0x4a: {  	_ =	shalt  }
0x4b: {  	_ =	shalt  }
0x4c: {  	_ =	shalt  }
0x4d: {  	_ =	shalt  }
0x4e: {  	_ =	shalt  }
0x4f: {  	_ =	shalt  }
0x50: {  	_ =	shalt  }
0x51: {  	_ =	shalt  }
0x52: {  	_ =	shalt  }
0x53: {  	_ =	shalt  }
0x54: {  	_ =	shalt  }
0x55: {  	_ =	shalt  }
0x56: {  	_ =	shalt  }
0x57: {  	_ =	shalt  }
0x58: {  	_ =	shalt  }
0x59: {  	_ =	shalt  }
0x5a: {  	_ =	shalt  }
0x5b: {  	_ =	shalt  }
0x5c: {  	_ =	shalt  }
0x5d: {  	_ =	shalt  }
0x5e: {  	_ =	shalt  }
0x5f: {  	_ =	shalt  }
0x60: {  	_ =	shalt  }
0x61: {  	_ =	shalt  }
0x62: {  	_ =	shalt  }
0x63: {  	_ =	shalt  }
0x64: {  	_ =	shalt  }
0x65: {  	_ =	shalt  }
0x66: {  	_ =	shalt  }
0x67: {  	_ =	shalt  }
0x68: {  	_ =	shalt  }
0x69: {  	_ =	shalt  }
0x6a: {  	_ =	shalt  }
0x6b: {  	_ =	shalt  }
0x6c: {  	_ =	shalt  }
0x6d: {  	_ =	shalt  }
0x6e: {  	_ =	shalt  }
0x6f: {  	_ =	shalt  }
0x70: {  	_ =	shalt  }
0x71: {  	_ =	shalt  }
0x72: {  	_ =	shalt  }
0x73: {  	_ =	shalt  }
0x74: {  	_ =	shalt  }
0x75: {  	_ =	shalt  }
0x76: {  	_ =	shalt  }
0x77: {  	_ =	shalt  }
0x78: {  	_ =	shalt  }
0x79: {  	_ =	shalt  }
0x7a: {  	_ =	shalt  }
0x7b: {  	_ =	shalt  }
0x7c: {  	_ =	shalt  }
0x7d: {  	_ =	shalt  }
0x7e: {  	_ =	shalt  }
0x7f: {  	_ =	shalt  }
0x80: {  	_ =	shalt  }
0x81: {  	_ =	shalt  }
0x82: {  	_ =	shalt  }
0x83: {  	_ =	shalt  }
0x84: {  	_ =	shalt  }
0x85: {  	_ =	shalt  }
0x86: {  	_ =	shalt  }
0x87: {  	_ =	shalt  }
.Lfunc_end0:
.L_simem_size_0:
called_computation_lowered:
.L_overlay_start_0:
0x88: {  	s2 =	sld [smem:$0x3FD9]  }
0x89: {  	s3 =	sld [smem:$0x3FFE];
	_ =	sdelay $0x1  }
0x8a: {  	s1 =	srdreg.scid  }
0x8b: {  	s0 =	sand.u32 $0x1, s1  }
0x8c: {  	s17 =	sshll.u32 s0, $0xA;
	s2 =	sadd.s32 s3, s2  }
0x8d: {  	s2 =	sadd.s32 s2, s17  }
0x8e: {  	[smem:$0x3FC4] =	sst s2  }
0x8f: {  	_ = 	snop  }
0x90: {  	s2 =	sld [smem:$0x3FC9]  }
0x91: {  	s18 =	sld [smem:$0x3FC7]  }
0x92: {  	s4 =	sld [smem:$0x3FD0];
	(tm) =	ssettm $0x1  }
0x93: {  	s5 =	sld [smem:$0x3FFB];
	_ =	sdelay $0x3  }
0x94: {  	_ =	strace s5  }
0x95: {  	s5 =	sld [smem:$0x3FFC];
	_ =	sdelay $0x3  }
0x96: {  	_ =	strace s5  }
0x97: {  	s5 =	sld [smem:$0x3FFD];
	_ =	sdelay $0x3  }
0x98: {  	_ =	strace s5  }
0x99: {  	_ =	strace $0x8FFFFFFF  }
0x9a: {  	s19 =	sld [smem:$0x3FDB];
	_ =	sdelay $0x1  }
0x9b: {  	s6 =	simm.s32 $_scs_section_size  }
0x9c: {  	s7 =	simm.s32 $_size__tile_overlayer_lowered;
	s8 =	simm.s32 $_tile_overlayer_lowered  }
0x9d: {  	s22 =	simm.s32 $0x1BFF;
	s21 =	sshll.u32 s8, $0x1;
	s5 =	sadd.s32 s6, s19  }
0x9e: {  	s9 =	simm.s32 $0x0;
	s20 =	sshll.u32 s7, $0x1;
	s7 =	sadd.s32 s21, s5  }
0x9f: {  	[timem:s9], [sflag:s22] =	dma.local [hbm:s7], s20  }
0xa0: {  	_ =	swait.ge [sflag:s22], s20  }
0xa1: {  	s6 =	ssub.s32 $0x0, s20;
	[sflag:s22] =	ssyncset.done $0x0  }
0xa2: {  	[sflag:s22] =	ssyncadd.s32 s6;
	_ =	sdelay $0x1  }
0xa3: {  	s23 =	simm.s32 $0x1B8B  }
0xa4: {  	_ =	swait.ge [sflag:s23], $0x1  }
0xa5: {  	[sflag:s23] =	ssyncset.done $0x0  }
0xa6: {  	s25 =	simm.s32 $0x1B8E;
	s24 =	sld [smem:$0x3FFE];
	[sflag:s23] =	ssyncadd.s32 $0xFFFFFFFF  }
0xa7: {  	s26 =	simm.s32 $execute0_lowered;
	[smem:$0x3FD2] =	sst s25  }
0xa8: {  	s7 =	sshll.u32 s26, $0x1;
	_ =	strace $0x80000046;
	[dreg:$0x1] =	wrdreg $0xFFFFFFFF  }
0xa9: {  	s28 =	simm.s32 $_size_execute0_lowered;
	s5 =	sadd.s32 s5, s7;
	[dreg:$0x0] =	wrdreg $0x0  }
0xaa: {  	s7 =	sshll.u32 s28, $0x1;
	[dreg:$0x2] =	wrdreg s5  }
0xab: {  	[dreg:$0x3] =	wrdreg s7  }
0xac: {  	[dreg:$0x4] =	wrdreg $0xC0  }
0xad: {  	_ =	task [dreg:s9], $0x5FFFF  }
0xae: {  	[dreg:$0x1] =	wrdreg $0xFFFFFFFF  }
0xaf: {  	[dreg:$0x0] =	wrdreg $0x60  }
0xb0: {  	[dreg:$0x2] =	wrdreg s2  }
0xb1: {  	[dreg:$0x3] =	wrdreg s4  }
0xb2: {  	[dreg:$0x4] =	wrdreg s18  }
0xb3: {  	[dreg:$0x5] =	wrdreg s24  }
0xb4: {  	[dreg:$0x6] =	wrdreg $0xAC000  }
0xb5: {  	[dreg:$0x7] =	wrdreg $0x9  }
0xb6: {  	_ =	task.clear_ibuf [dreg:s9], $0x8FFFF;
	_ =	strace $0x90000046  }
0xb7: {  	s29 =	simm.s32 $0x9;
	_ =	strace $0x8000004B  }
0xb8: {  	_ =	swait.ge [sflag:s29], $0x1  }
0xb9: {  	[sflag:s29] =	ssyncadd.s32 $0xFFFFFFFF  }
0xba: {  	_ =	strace $0x9000004B  }
0xbb: {  	_ =	sfence  }
0xbc: {  	s30 =	sld [smem:$0x0];
	_ =	sdelay $0x2  }
0xbd: {  	s31 =	sshll.u32 s1, $0xD;
	s1 =	sshrl.u32 s1, $0x2  }
0xbe: {  	s3 =	sand.u32 $0x4000, s31;
	s1 =	sadd.s32 s1, s30  }
0xbf: {  	s0 =	sor.u32 s3, s0;
	s1 =	sshll.u32 s1, $0x11  }
0xc0: {  	s0 =	sor.u32 s1, s0  }
0xc1: {  	s0 =	sadd.s32 $0x8F2B, s0  }
0xc2: {  	[sflag:s0] =	ssyncadd.remote.s32 $0x1  }
0xc3: {  	_ =	sfence.sel $0xFFFF  }
0xc4: {  	[dreg:$0x0] =	wrdreg $0xFFFFFFFF;
	(pc) =	sbr.abs _section_cstart, $3  }
0xc5: {  	[dreg:$0x1] =	wrdreg $0xFFFFFFFF  }
0xc6: {  	_ =	task.clear_ibuf [dreg:s9], $0x2FFFF;
	_ =	strace $0x9FFFFFFF  }
0xc7: {  	(tm) =	ssettm $0x7FFFFFFF  }
tec
execute0_lowered:
.L_overlay_start_1:
0x0: {  	(tag) =	ssettag $0x1  }
0x1: {  	s1 =	rddreg [dreg:$0x0]  }
0x2: {  	s24 =	rddreg [dreg:$0x1]  }
0x3: {  	s25 =	rddreg [dreg:$0x2]  }
0x4: {  	s0 =	srdreg.scid;
	s8 =	rddreg [dreg:$0x3]  }
0x5: {  	s2 =	stileid.u32;
	s6 =	rddreg [dreg:$0x4]  }
0x6: {  	s7 =	simm.s32 $0x0;
	s0 =	sand.u32 $0x1, s0;
	s15 =	smul.u32 $0x2800, s2  }
0x7: {  	s3 =	sshll.u32 s2, $0x1;
	s13 =	sor.u32 $0x10, s2;
	s14 =	smul.u32 $0x138800, s0  }
0x8: {  	[smem:$0x7FF] =	sst s7;
	s12 =	sor.u32 $0x30, s2;
	s16 =	smul.u32 $0x2800, s13  }
0x9: {  	s18 =	sadd.s32 $0x800, s8;
	s8 =	sor.u32 $0x40, s2;
	s19 =	smul.u32 $0x2800, s12  }
0xa: {  	s9 =	sor.u32 $0x50, s2;
	s10 =	sor.u32 $0x60, s2;
	s20 =	smul.u32 $0x2800, s8  }
0xb: {  	p0 =	sgt.u32 s2, $0x9;
	p1 =	sgt.u32 s2, $0xC;
	s21 =	smul.u32 $0x2800, s9  }
0xc: {  	s3 =	sor.u32 s0, s3;
	s0 =	ssub.s32 $0x2, s0;
	s22 =	smul.u32 $0x2800, s10  }
0xd: {  	s5 =	smul.u32 $0x2710, s3;
	s3 =	sor.u32 $0x20, s2;
	s11 =	sshrl.u32 s0, $0x1  }
0xe: {  	s17 =	smul.u32 $0x2800, s3;
	s0 =	ssub.s32 s0, s11;
	s11 =	sor.u32 $0x70, s2  }
0xf: {  	s15 =	sadd.s32 s15, s14;
	s16 =	sadd.s32 s14, s16;
	s19 =	sadd.s32 s14, s19  }
0x10: {  	s20 =	sadd.s32 s14, s20;
	s21 =	sadd.s32 s14, s21;
	s22 =	sadd.s32 s14, s22  }
0x11: {  	s23 =	smul.u32 $0x2800, s11;
	s15 =	sshrl.u32 s15, $0x3;
	s16 =	sshrl.u32 s16, $0x3  }
0x12: {  	s30 =	sshrl.u32 s19, $0x3;
	s31 =	sshrl.u32 s20, $0x3;
	s19 =	sshrl.u32 s21, $0x3  }
0x13: {  	s4 =	sadd.s32 s18, s15;
	s15 =	sadd.s32 s18, s30;
	s30 =	smul.u32 $0x5000, s3  }
0x14: {  	s21 =	sshrl.u32 s22, $0x3;
	s20 =	sadd.s32 s18, s19;
	s19 =	smul.u32 $0x5000, s8  }
0x15: {  	s17 =	sadd.s32 s14, s17;
	s26 =	sadd.s32 s18, s16;
	s3 =	smul.u32 $0xA000, s3  }
0x16: {  	s22 =	sadd.s32 s18, s21;
	s8 =	smul.u32 $0xA000, s8;
	[dreg:$0x6] =	wrdreg s4  }
0x17: {  	s14 =	sadd.s32 s14, s23;
	s23 =	smul.u32 $0x5000, s2;
	[dreg:$0x7] =	wrdreg s26  }
0x18: {  	s28 =	sshrl.u32 s17, $0x3;
	s17 =	sadd.s32 s18, s31;
	s31 =	smul.u32 $0x5000, s12  }
0x19: {  	s0 =	smax.u32 s0, $0x1;
	[dreg:$0xc] =	wrdreg s22;
	s22 =	smul.u32 $0x5000, s9  }
0x1a: {  	s16 =	sshrl.u32 s5, $0x3;
	[dreg:$0x9] =	wrdreg s15;
	s12 =	smul.u32 $0xA000, s12  }
0x1b: {  	[dreg:$0xb] =	wrdreg s20;
	s9 =	smul.u32 $0xA000, s9;
	s29 =	sadd.s32 s18, s28  }
0x1c: {  	[dreg:$0xa] =	wrdreg s17;
	s14 =	sshrl.u32 s14, $0x3;
	s28 =	smul.u32 $0x5000, s13  }
0x1d: {  	s13 =	smul.u32 $0xA000, s13;
	s3 =	sshrl.u32 s3, $0x2;
	s8 =	sshrl.u32 s8, $0x2  }
0x1e: {  	[dreg:$0x8] =	wrdreg s29;
	s26 =	sadd.s32 s18, s14;
	s29 =	sshrl.u32 s23, $0x2  }
0x1f: {  	s18 =	sshrl.u32 s30, $0x2;
	s21 =	sshrl.u32 s31, $0x2;
	s30 =	sshrl.u32 s22, $0x2  }
0x20: {  	s31 =	smul.u32 $0x5000, s11;
	s22 =	sadd.s32 $0xA, s16;
	s3 =	sadd.s32 s3, s6  }
0x21: {  	s12 =	sshrl.u32 s12, $0x2;
	[dreg:$0xd] =	wrdreg s26;
	s20 =	sadd.s32 s18, s6  }
0x22: {  	s23 =	sadd.s32 s21, s6;
	_ =	strace $0x80000047;
	[dreg:$0x10] =	wrdreg s20  }
0x23: {  	s11 =	smul.u32 $0xA000, s11;
	s18 =	sadd.s32 s30, s6;
	[dreg:$0x11] =	wrdreg s23  }
0x24: {  	s8 =	sadd.s32 s8, s6;
	s9 =	sshrl.u32 s9, $0x2;
	[dreg:$0x13] =	wrdreg s18  }
0x25: {  	s17 =	sadd.s32 s29, s6;
	s8 =	sshrl.u32 s8, $0x3;
	[smem:$0x7E7] =	sst s0  }
0x26: {  	s14 =	sshrl.u32 s28, $0x2;
	s26 =	sshrl.u32 s19, $0x2;
	[smem:$0x7EC] =	sst s8  }
0x27: {  	s28 =	smul.u32 $0x5000, s10;
	s14 =	sadd.s32 s14, s6;
	[dreg:$0xe] =	wrdreg s17  }
0x28: {  	s13 =	sshrl.u32 s13, $0x2;
	s29 =	sadd.s32 s26, s6;
	[dreg:$0xf] =	wrdreg s14  }
0x29: {  	s21 =	sshrl.u32 s31, $0x2;
	s26 =	sadd.s32 s24, s22;
	[dreg:$0x12] =	wrdreg s29  }
0x2a: {  	s10 =	smul.u32 $0xA000, s10;
	s23 =	sadd.s32 s21, s6;
	[dreg:$0x16] =	wrdreg s26  }
0x2b: {  	s31 =	sadd.s32 $0x1E, s16;
	s29 =	sadd.s32 s25, s22;
	[dreg:$0x15] =	wrdreg s23  }
0x2c: {  	s12 =	sadd.s32 s12, s6;
	s21 =	sadd.s32 s25, s31;
	[dreg:$0x17] =	wrdreg s29  }
0x2d: {  	s26 =	smul.u32 $0xA000, s2;
	s2 =	sshrl.u32 s3, $0x3;
	[dreg:$0x1b] =	wrdreg s21  }
0x2e: {  	s9 =	sadd.s32 s9, s6;
	s3 =	sshrl.u32 s12, $0x3;
	[smem:$0x7EA] =	sst s2  }
0x2f: {  	s19 =	sshrl.u32 s28, $0x2;
	s12 =	sshrl.u32 s9, $0x3;
	[smem:$0x7EB] =	sst s3  }
0x30: {  	s28 =	sadd.s32 $0x14, s16;
	s20 =	sadd.s32 s19, s6;
	[smem:$0x7ED] =	sst s12  }
0x31: {  	s13 =	sadd.s32 s13, s6;
	s30 =	sadd.s32 s24, s28;
	[dreg:$0x14] =	wrdreg s20  }
0x32: {  	s11 =	sshrl.u32 s11, $0x2;
	s18 =	sadd.s32 s25, s28;
	[dreg:$0x18] =	wrdreg s30  }
0x33: {  	s10 =	sshrl.u32 s10, $0x2;
	s19 =	sadd.s32 s24, s31;
	[dreg:$0x19] =	wrdreg s18  }
0x34: {  	s11 =	sadd.s32 s11, s6;
	s28 =	sadd.s32 s25, s16;
	[dreg:$0x1a] =	wrdreg s19  }
0x35: {  	s29 =	sadd.s32 $0x32, s16;
	s31 =	sshrl.u32 s13, $0x3;
	[dreg:$0x1f] =	wrdreg s28  }
0x36: {  	s0 =	sshrl.u32 @!p1 s11, $0x3;
	s20 =	sadd.s32 $0x28, s16;
	[smem:$0x7E9] =	sst s31  }
0x37: {  	s18 =	sadd.s32 s24, s16;
	s16 =	sadd.s32 s24, s29;
	[smem:$0x7EF] =	sst s0  }
0x38: {  	s10 =	sadd.s32 s10, s6;
	s15 =	sadd.s32 s25, s29;
	[smem:$0x7E5] =	sst s16  }
0x39: {  	s13 =	sshrl.u32 s10, $0x3;
	[smem:$0x7E6] =	sst s15  }
0x3a: {  	s19 =	sadd.s32 $0xDC000, s17;
	[smem:$0x7EE] =	sst s13  }
0x3b: {  	[smem:$0x7F3] =	sst s19  }
0x3c: {  	s22 =	sadd.s32 s24, s20;
	[dreg:$0x1e] =	wrdreg s18  }
0x3d: {  	s23 =	sadd.s32 s25, s20;
	[dreg:$0x1c] =	wrdreg s22  }
0x3e: {  	s15 =	sadd.s32 $0xB4000, s17;
	[dreg:$0x1d] =	wrdreg s23  }
0x3f: {  	s16 =	sadd.s32 $0xC8000, s17;
	[smem:$0x7F1] =	sst s15  }
0x40: {  	s20 =	sadd.s32 $0xF0000, s17;
	[smem:$0x7F2] =	sst s16  }
0x41: {  	s4 =	smov.u32 s24;
	s24 =	sadd.s32 $0x12C000, s17;
	[smem:$0x7F4] =	sst s20  }
0x42: {  	s21 =	smov.u32 s25;
	s25 =	sadd.s32 $0x9C40, s18;
	[smem:$0x7F7] =	sst s24  }
0x43: {  	s14 =	sshrl.u32 s26, $0x2;
	s26 =	sadd.s32 $0x9C4A, s18;
	[smem:$0x7F8] =	sst s25  }
0x44: {  	s28 =	sadd.s32 $0x9C54, s18;
	[smem:$0x7F9] =	sst s26  }
0x45: {  	s29 =	sadd.s32 $0x9C5E, s18;
	[smem:$0x7FA] =	sst s28  }
0x46: {  	s14 =	sadd.s32 s14, s6;
	s31 =	sadd.s32 $0x9C72, s18;
	[smem:$0x7FB] =	sst s29  }
0x47: {  	s30 =	sshrl.u32 s14, $0x3;
	[smem:$0x7FD] =	sst s31  }
.Ltmp0:
0x48: {  	s14 =	sadd.s32 $0xA0000, s17;
	[smem:$0x7E8] =	sst s30;
	(pc) =	sbr.rel .LBB2_1-.Ltmp0, $4  }
0x49: {  	s11 =	simm.s32 $0xC00;
	s22 =	sadd.s32 $0x104000, s17;
	[smem:$0x7F0] =	sst s14  }
0x4a: {  	s12 =	simm.s32 $0x11;
	s23 =	sadd.s32 $0x118000, s17;
	[smem:$0x7F5] =	sst s22  }
0x4b: {  	s2 =	simm.s32 $0x0;
	[smem:$0x7F6] =	sst s23;
	s30 =	sadd.s32 $0x9C68, s18  }
0x4c: {  	v0 =	vimm.f32 $0.0e+00;
	s15 =	simm.s32 $0x50;
	s20 =	simm.s32 $0x12;
	[smem:$0x7FC] =	sst s30  }
.LBB2_11:
0x4d: {  	s0 =	simm.s32 $0x10  }
0x4e: {  	_ =	swait.ge [sflag:s0], $0x2800  }
0x4f: {  	[sflag:s0] =	ssyncset.done $0x0  }
0x50: {  	s10 =	simm.s32 $0xD;
	[sflag:s0] =	ssyncadd.s32 $0xFFFFD800  }
0x51: {  	_ =	swait.ge [sflag:s10], $0x2800  }
0x52: {  	[sflag:s10] =	ssyncset.done $0x0  }
0x53: {  	[sflag:s10] =	ssyncadd.s32 $0xFFFFD800  }
0x54: {  	[bflag:$0x0] =	sbarrier.arrive $0xFFFF  }
0x55: {  	_ =	strace $0x90000049  }
0x56: {  	_ =	strace $0x8000004A  }
0x57: {  	s13 =	stileid.u32;
	s3 =	sld [smem:$0x7E8]  }
0x58: {  	s0 =	sshll.u32 s13, $0x6  }
0x59: {  	s0 =	sor.u32 $0x1C12, s0;
	s2 =	rddreg [dreg:$0x6]  }
0x5a: {  	[hbm:s2], [sflag:s0] =	dma.local [spmem:s3], $0x500  }
0x5b: {  	_ =	swait.ge [sflag:s20], $0x500  }
0x5c: {  	s16 =	sld [smem:$0x7E9]  }
0x5d: {  	[sflag:s20] =	ssyncset.done $0x0  }
0x5e: {  	s14 =	rddreg [dreg:$0x7];
	[sflag:s20] =	ssyncadd.s32 $0xFFFFFB00  }
0x5f: {  	[hbm:s14], [sflag:s0] =	dma.local [spmem:s16], $0x500  }
0x60: {  	_ =	swait.ge [sflag:s20], $0x500  }
0x61: {  	s18 =	sld [smem:$0x7EA]  }
0x62: {  	[sflag:s20] =	ssyncset.done $0x0  }
0x63: {  	s17 =	rddreg [dreg:$0x8];
	[sflag:s20] =	ssyncadd.s32 $0xFFFFFB00  }
0x64: {  	[hbm:s17], [sflag:s0] =	dma.local [spmem:s18], $0x500  }
0x65: {  	_ =	swait.ge [sflag:s20], $0x500  }
0x66: {  	s22 =	sld [smem:$0x7EB]  }
0x67: {  	[sflag:s20] =	ssyncset.done $0x0  }
0x68: {  	s19 =	rddreg [dreg:$0x9];
	[sflag:s20] =	ssyncadd.s32 $0xFFFFFB00  }
0x69: {  	[hbm:s19], [sflag:s0] =	dma.local [spmem:s22], $0x500  }
0x6a: {  	_ =	swait.ge [sflag:s20], $0x500  }
0x6b: {  	s24 =	sld [smem:$0x7EC]  }
0x6c: {  	[sflag:s20] =	ssyncset.done $0x0  }
0x6d: {  	s23 =	rddreg [dreg:$0xa];
	[sflag:s20] =	ssyncadd.s32 $0xFFFFFB00  }
0x6e: {  	[hbm:s23], [sflag:s0] =	dma.local [spmem:s24], $0x500  }
0x6f: {  	_ =	swait.ge [sflag:s20], $0x500  }
0x70: {  	s26 =	sld [smem:$0x7ED]  }
0x71: {  	[sflag:s20] =	ssyncset.done $0x0  }
0x72: {  	s25 =	rddreg [dreg:$0xb];
	[sflag:s20] =	ssyncadd.s32 $0xFFFFFB00  }
0x73: {  	[hbm:s25], [sflag:s0] =	dma.local [spmem:s26], $0x500  }
0x74: {  	_ =	swait.ge [sflag:s20], $0x500  }
0x75: {  	s29 =	sld [smem:$0x7EE]  }
0x76: {  	[sflag:s20] =	ssyncset.done $0x0  }
0x77: {  	s28 =	rddreg [dreg:$0xc];
	[sflag:s20] =	ssyncadd.s32 $0xFFFFFB00  }
0x78: {  	[hbm:s28], [sflag:s0] =	dma.local [spmem:s29], $0x500  }
0x79: {  	_ =	swait.ge [sflag:s20], $0x500  }
0x7a: {  	s3 =	sld [smem:$0x7EF]  }
0x7b: {  	[sflag:s20] =	ssyncset.done $0x0  }
0x7c: {  	s2 =	rddreg [dreg:$0xd];
	[sflag:s20] =	ssyncadd.s32 $0xFFFFFB00  }
0x7d: {  	[hbm:s2], [sflag:s0] =	dma.local @!p1 [spmem:s3], $0x500  }
0x7e: {  	s0 =	simm.s32 @!p1 $0x12  }
0x7f: {  	_ =	swait.ge @!p1 [sflag:s0], $0x500  }
0x80: {  	s30 =	sld [smem:$0x7E4]  }
0x81: {  	s31 =	sld [smem:$0x7E7];
	_ =	sdelay $0x1  }
0x82: {  	s2 =	sadd.s32 $0x1, s30  }
0x83: {  	p2 =	sne.s32 s2, s31  }
.Ltmp1:
0x84: {  	_ = 	snop;
	(pc) =	sbr.rel @!p2 .LBB2_12-.Ltmp1, $4  }
0x85: {  	_ = 	snop  }
0x86: {  	[sflag:s0] =	ssyncset.done @!p1 $0x0  }
0x87: {  	[sflag:s0] =	ssyncadd.s32 @!p1 $0xFFFFFB00  }
0x88: {  	_ =	strace $0x9000004A  }
.LBB2_1:
0x89: {  	[smem:$0x7E4] =	sst s2  }
0x8a: {  	s0 =	simm.s32 $0x0;
	s3 =	simm.s32 $0x200;
	_ =	strace $0x80000048  }
.LBB2_2:
0x8b: {  	p2 =	sne.s32 s3, $0x4E00;
	[tilespmem:s0+$0xC70] =	vst v0  }
0x8c: {  	[tilespmem:s0+$0xC00] =	vst v0  }
0x8d: {  	[tilespmem:s0+$0xC10] =	vst v0  }
.Ltmp2:
0x8e: {  	[tilespmem:s0+$0xC20] =	vst v0;
	(pc) =	sbr.rel @p2 .LBB2_2-.Ltmp2, $4  }
0x8f: {  	[tilespmem:s0+$0xC30] =	vst v0  }
0x90: {  	[tilespmem:s0+$0xC40] =	vst v0  }
0x91: {  	[tilespmem:s0+$0xC50] =	vst v0  }
0x92: {  	[tilespmem:s0+$0xC60] =	vst v0;
	s0 =	sshra.s32 s3, $0x2;
	s3 =	sadd.s32 $0x200, s3  }
0x93: {  	[tilespmem:s0+$0xC70] =	vst v0  }
0x94: {  	[tilespmem:s0+$0xC00] =	vst v0  }
0x95: {  	[tilespmem:s0+$0xC10] =	vst v0  }
0x96: {  	[tilespmem:s0+$0xC20] =	vst v0  }
0x97: {  	[tilespmem:s0+$0xC30] =	vst v0  }
0x98: {  	[tilespmem:s0+$0xC40] =	vst v0  }
0x99: {  	[tilespmem:s0+$0xC50] =	vst v0;
	s13 =	rddreg [dreg:$0xe]  }
0x9a: {  	[tilespmem:s0+$0xC60] =	vst v0;
	s14 =	rddreg [dreg:$0xf]  }
0x9b: {  	[spmem:s13] =	stream.linear.scatter [tilespmem:s11], [sflag:$0x11], $0x1400, $0x200038;
	[tilespmem:$0x1E480] =	vst v63  }
0x9c: {  	s16 =	rddreg [dreg:$0x10]  }
0x9d: {  	[spmem:s14] =	stream.linear.scatter [tilespmem:s11], [sflag:$0x11], $0x1400, $0x200038;
	[tilespmem:$0x1E480] =	vst v63  }
0x9e: {  	s17 =	rddreg [dreg:$0x11]  }
0x9f: {  	[spmem:s16] =	stream.linear.scatter [tilespmem:s11], [sflag:$0x11], $0x1400, $0x200038;
	[tilespmem:$0x1E480] =	vst v63  }
0xa0: {  	s18 =	rddreg [dreg:$0x12]  }
0xa1: {  	[spmem:s17] =	stream.linear.scatter [tilespmem:s11], [sflag:$0x11], $0x1400, $0x200038;
	[tilespmem:$0x1E480] =	vst v63  }
0xa2: {  	s19 =	rddreg [dreg:$0x13]  }
0xa3: {  	[spmem:s18] =	stream.linear.scatter [tilespmem:s11], [sflag:$0x11], $0x1400, $0x200038;
	[tilespmem:$0x1E480] =	vst v63  }
0xa4: {  	s22 =	rddreg [dreg:$0x14]  }
0xa5: {  	[spmem:s19] =	stream.linear.scatter [tilespmem:s11], [sflag:$0x11], $0x1400, $0x200038;
	[tilespmem:$0x1E480] =	vst v63  }
0xa6: {  	s23 =	rddreg [dreg:$0x15]  }
0xa7: {  	[spmem:s22] =	stream.linear.scatter [tilespmem:s11], [sflag:$0x11], $0x1400, $0x200038;
	[tilespmem:$0x1E480] =	vst v63  }
0xa8: {  	s24 =	sld [smem:$0x7F0]  }
0xa9: {  	[spmem:s23] =	stream.linear.scatter [tilespmem:s11], [sflag:$0x11], $0x1400, $0x200038;
	[tilespmem:$0x1E480] =	vst v63  }
0xaa: {  	s25 =	sld [smem:$0x7F1]  }
0xab: {  	[spmem:s24] =	stream.linear.scatter [tilespmem:s11], [sflag:$0x11], $0x1400, $0x200038;
	[tilespmem:$0x1E480] =	vst v63  }
0xac: {  	s26 =	sld [smem:$0x7F2]  }
0xad: {  	[spmem:s25] =	stream.linear.scatter [tilespmem:s11], [sflag:$0x11], $0x1400, $0x200038;
	[tilespmem:$0x1E480] =	vst v63  }
0xae: {  	s28 =	sld [smem:$0x7F3]  }
0xaf: {  	[spmem:s26] =	stream.linear.scatter [tilespmem:s11], [sflag:$0x11], $0x1400, $0x200038;
	[tilespmem:$0x1E480] =	vst v63  }
0xb0: {  	s29 =	sld [smem:$0x7F4]  }
0xb1: {  	[spmem:s28] =	stream.linear.scatter [tilespmem:s11], [sflag:$0x11], $0x1400, $0x200038;
	[tilespmem:$0x1E480] =	vst v63  }
0xb2: {  	s30 =	sld [smem:$0x7F5]  }
0xb3: {  	[spmem:s29] =	stream.linear.scatter [tilespmem:s11], [sflag:$0x11], $0x1400, $0x200038;
	[tilespmem:$0x1E480] =	vst v63  }
0xb4: {  	s31 =	sld [smem:$0x7F6]  }
0xb5: {  	[spmem:s30] =	stream.linear.scatter [tilespmem:s11], [sflag:$0x11], $0x1400, $0x200038;
	[tilespmem:$0x1E480] =	vst v63  }
0xb6: {  	s2 =	sld [smem:$0x7F7]  }
0xb7: {  	[spmem:s31] =	stream.linear.scatter [tilespmem:s11], [sflag:$0x11], $0x1400, $0x200038;
	[tilespmem:$0x1E480] =	vst v63  }
0xb8: {  	s0 =	simm.s32 @!p0 $0xC00  }
0xb9: {  	[spmem:s2] =	stream.linear.scatter @!p0 [tilespmem:s0], [sflag:$0x12], $0x1400, $0x200038;
	[tilespmem:$0x1E480] =	vst v63  }
0xba: {  	s0 =	simm.s32 @!p0 $0x12  }
0xbb: {  	_ =	swait.ge @!p0 [sflag:s0], $0x1400  }
0xbc: {  	[sflag:s0] =	ssyncset.done @!p0 $0x0  }
0xbd: {  	[sflag:s0] =	ssyncadd.s32 @!p0 $0xFFFFEC00  }
0xbe: {  	_ =	swait.ge [sflag:s12], $0x1400  }
0xbf: {  	[sflag:s12] =	ssyncset.done $0x0  }
0xc0: {  	[sflag:s12] =	ssyncadd.s32 $0xFFFFEC00  }
0xc1: {  	_ =	swait.ge [sflag:s12], $0x1400  }
0xc2: {  	[sflag:s12] =	ssyncset.done $0x0  }
0xc3: {  	[sflag:s12] =	ssyncadd.s32 $0xFFFFEC00  }
0xc4: {  	_ =	swait.ge [sflag:s12], $0x1400  }
0xc5: {  	[sflag:s12] =	ssyncset.done $0x0  }
0xc6: {  	[sflag:s12] =	ssyncadd.s32 $0xFFFFEC00  }
0xc7: {  	_ =	swait.ge [sflag:s12], $0x1400  }
0xc8: {  	[sflag:s12] =	ssyncset.done $0x0  }
0xc9: {  	[sflag:s12] =	ssyncadd.s32 $0xFFFFEC00  }
0xca: {  	_ =	swait.ge [sflag:s12], $0x1400  }
0xcb: {  	[sflag:s12] =	ssyncset.done $0x0  }
0xcc: {  	[sflag:s12] =	ssyncadd.s32 $0xFFFFEC00  }
0xcd: {  	_ =	swait.ge [sflag:s12], $0x1400  }
0xce: {  	[sflag:s12] =	ssyncset.done $0x0  }
0xcf: {  	[sflag:s12] =	ssyncadd.s32 $0xFFFFEC00  }
0xd0: {  	_ =	swait.ge [sflag:s12], $0x1400  }
0xd1: {  	[sflag:s12] =	ssyncset.done $0x0  }
0xd2: {  	[sflag:s12] =	ssyncadd.s32 $0xFFFFEC00  }
0xd3: {  	_ =	swait.ge [sflag:s12], $0x1400  }
0xd4: {  	[sflag:s12] =	ssyncset.done $0x0  }
0xd5: {  	[sflag:s12] =	ssyncadd.s32 $0xFFFFEC00  }
0xd6: {  	_ =	swait.ge [sflag:s12], $0x1400  }
0xd7: {  	[sflag:s12] =	ssyncset.done $0x0  }
0xd8: {  	[sflag:s12] =	ssyncadd.s32 $0xFFFFEC00  }
0xd9: {  	_ =	swait.ge [sflag:s12], $0x1400  }
0xda: {  	[sflag:s12] =	ssyncset.done $0x0  }
0xdb: {  	[sflag:s12] =	ssyncadd.s32 $0xFFFFEC00  }
0xdc: {  	_ =	swait.ge [sflag:s12], $0x1400  }
0xdd: {  	[sflag:s12] =	ssyncset.done $0x0  }
0xde: {  	[sflag:s12] =	ssyncadd.s32 $0xFFFFEC00  }
0xdf: {  	_ =	swait.ge [sflag:s12], $0x1400  }
0xe0: {  	[sflag:s12] =	ssyncset.done $0x0  }
0xe1: {  	[sflag:s12] =	ssyncadd.s32 $0xFFFFEC00  }
0xe2: {  	_ =	swait.ge [sflag:s12], $0x1400  }
0xe3: {  	[sflag:s12] =	ssyncset.done $0x0  }
0xe4: {  	[sflag:s12] =	ssyncadd.s32 $0xFFFFEC00  }
0xe5: {  	_ =	swait.ge [sflag:s12], $0x1400  }
0xe6: {  	[sflag:s12] =	ssyncset.done $0x0  }
0xe7: {  	[sflag:s12] =	ssyncadd.s32 $0xFFFFEC00  }
0xe8: {  	_ =	swait.ge [sflag:s12], $0x1400  }
0xe9: {  	[sflag:s12] =	ssyncset.done $0x0  }
0xea: {  	[sflag:s12] =	ssyncadd.s32 $0xFFFFEC00  }
0xeb: {  	[bflag:$0x0] =	sbarrier.arrive $0xFFFF  }
0xec: {  	_ =	strace $0x90000048  }
0xed: {  	_ =	strace $0x80000049  }
0xee: {  	s2 =	sld [smem:$0x7F8];
	_ =	sdelay $0x1  }
0xef: {  	s22 =	simm.s32 $0x0;
	s3 =	rddreg [dreg:$0x1e]  }
0xf0: {  	[tilespmem:s22], [sflag:$0x1] =	stream.linear.gather [hbm4b:s2+s22], $0x50, $0x200038;
	[tilespmem:$0x1E480] =	vst v63  }
0xf1: {  	s8 =	simm.s32 $0x400;
	s9 =	rddreg [dreg:$0x1f]  }
0xf2: {  	[tilespmem:s8], [sflag:$0x1] =	stream.linear.gather [hbm4b:s3+s22], $0x50, $0x200038;
	[tilespmem:$0x1E480] =	vst v63  }
0xf3: {  	s10 =	simm.s32 $0x800;
	s13 =	sld [smem:$0x7F9]  }
0xf4: {  	[tilespmem:s10], [sflag:$0x1] =	stream.linear.gather [hbm4b:s9+s22], $0x50, $0x200038;
	[tilespmem:$0x1E480] =	vst v63  }
0xf5: {  	s14 =	rddreg [dreg:$0x16];
	s2 =	simm.s32 $0x80  }
0xf6: {  	[tilespmem:s2], [sflag:$0x2] =	stream.linear.gather [hbm4b:s13+s22], $0x50, $0x200038;
	[tilespmem:$0x1E480] =	vst v63  }
0xf7: {  	s16 =	rddreg [dreg:$0x17];
	s3 =	simm.s32 $0x480  }
0xf8: {  	[tilespmem:s3], [sflag:$0x2] =	stream.linear.gather [hbm4b:s14+s22], $0x50, $0x200038;
	[tilespmem:$0x1E480] =	vst v63  }
0xf9: {  	s17 =	simm.s32 $0x880;
	s18 =	sld [smem:$0x7FA]  }
0xfa: {  	[tilespmem:s17], [sflag:$0x2] =	stream.linear.gather [hbm4b:s16+s22], $0x50, $0x200038;
	[tilespmem:$0x1E480] =	vst v63  }
0xfb: {  	s19 =	simm.s32 $0x100;
	s23 =	rddreg [dreg:$0x18]  }
0xfc: {  	[tilespmem:s19], [sflag:$0x3] =	stream.linear.gather [hbm4b:s18+s22], $0x50, $0x200038;
	[tilespmem:$0x1E480] =	vst v63  }
0xfd: {  	s24 =	simm.s32 $0x500;
	s25 =	rddreg [dreg:$0x19]  }
0xfe: {  	[tilespmem:s24], [sflag:$0x3] =	stream.linear.gather [hbm4b:s23+s22], $0x50, $0x200038;
	[tilespmem:$0x1E480] =	vst v63  }
0xff: {  	s26 =	simm.s32 $0x900;
	s28 =	sld [smem:$0x7FB]  }
0x100: {  	[tilespmem:s26], [sflag:$0x3] =	stream.linear.gather [hbm4b:s25+s22], $0x50, $0x200038;
	[tilespmem:$0x1E480] =	vst v63  }
0x101: {  	s29 =	simm.s32 $0x180;
	s30 =	rddreg [dreg:$0x1a]  }
0x102: {  	[tilespmem:s29], [sflag:$0x4] =	stream.linear.gather [hbm4b:s28+s22], $0x50, $0x200038;
	[tilespmem:$0x1E480] =	vst v63  }
0x103: {  	s31 =	simm.s32 $0x580;
	s8 =	rddreg [dreg:$0x1b]  }
0x104: {  	[tilespmem:s31], [sflag:$0x4] =	stream.linear.gather [hbm4b:s30+s22], $0x50, $0x200038;
	[tilespmem:$0x1E480] =	vst v63  }
0x105: {  	s9 =	simm.s32 $0x980;
	s10 =	sld [smem:$0x7FC]  }
0x106: {  	[tilespmem:s9], [sflag:$0x4] =	stream.linear.gather [hbm4b:s8+s22], $0x50, $0x200038;
	[tilespmem:$0x1E480] =	vst v63  }
0x107: {  	s13 =	simm.s32 $0x200;
	s14 =	rddreg [dreg:$0x1c]  }
0x108: {  	[tilespmem:s13], [sflag:$0x5] =	stream.linear.gather [hbm4b:s10+s22], $0x50, $0x200038;
	[tilespmem:$0x1E480] =	vst v63  }
0x109: {  	s16 =	simm.s32 $0x600;
	s17 =	rddreg [dreg:$0x1d]  }
0x10a: {  	[tilespmem:s16], [sflag:$0x5] =	stream.linear.gather [hbm4b:s14+s22], $0x50, $0x200038;
	[tilespmem:$0x1E480] =	vst v63  }
0x10b: {  	s18 =	simm.s32 $0xA00;
	s19 =	sld [smem:$0x7FD]  }
0x10c: {  	[tilespmem:s18], [sflag:$0x5] =	stream.linear.gather [hbm4b:s17+s22], $0x50, $0x200038;
	[tilespmem:$0x1E480] =	vst v63  }
0x10d: {  	s23 =	simm.s32 $0x280;
	s24 =	sld [smem:$0x7E5]  }
0x10e: {  	[tilespmem:s23], [sflag:$0x6] =	stream.linear.gather [hbm4b:s19+s22], $0x50, $0x200038;
	[tilespmem:$0x1E480] =	vst v63  }
0x10f: {  	s25 =	simm.s32 $0x680;
	s26 =	sld [smem:$0x7E6]  }
0x110: {  	[tilespmem:s25], [sflag:$0x6] =	stream.linear.gather [hbm4b:s24+s22], $0x50, $0x200038;
	[tilespmem:$0x1E480] =	vst v63  }
0x111: {  	s28 =	simm.s32 $0xA80;
	s29 =	simm.s32 $0x1  }
0x112: {  	[tilespmem:s28], [sflag:$0x6] =	stream.linear.gather [hbm4b:s26+s22], $0x50, $0x200038;
	[tilespmem:$0x1E480] =	vst v63  }
0x113: {  	_ =	swait.ge [sflag:s29], $0x50  }
0x114: {  	[sflag:s29] =	ssyncset.done $0x0  }
0x115: {  	[sflag:s29] =	ssyncadd.s32 $0xFFFFFFB0  }
0x116: {  	_ =	swait.ge [sflag:s29], $0x50  }
0x117: {  	[sflag:s29] =	ssyncset.done $0x0  }
0x118: {  	[sflag:s29] =	ssyncadd.s32 $0xFFFFFFB0  }
0x119: {  	_ =	swait.ge [sflag:s29], $0x50  }
0x11a: {  	[sflag:s29] =	ssyncset.done $0x0  }
0x11b: {  	s30 =	simm.s32 $0x2;
	[sflag:s29] =	ssyncadd.s32 $0xFFFFFFB0  }
0x11c: {  	[tilespmem:s11], [sflag:$0x9] =	stream.indirect.gather [hbm4b:s1+s15], $0x80, s22, s15, $0x2000b8;
	[tilespmem:$0x1E480] =	vst v63  }
0x11d: {  	_ =	swait.ge [sflag:s30], $0x50  }
0x11e: {  	[sflag:s30] =	ssyncset.done $0x0  }
0x11f: {  	[sflag:s30] =	ssyncadd.s32 $0xFFFFFFB0  }
0x120: {  	_ =	swait.ge [sflag:s30], $0x50  }
0x121: {  	[sflag:s30] =	ssyncset.done $0x0  }
.Ltmp3:
0x122: {  	[sflag:s30] =	ssyncadd.s32 $0xFFFFFFB0;
	(pc) =	sbr.rel .LBB2_4-.Ltmp3, $4  }
0x123: {  	_ =	swait.ge [sflag:s30], $0x50  }
0x124: {  	[sflag:s30] =	ssyncset.done $0x0  }
0x125: {  	s31 =	simm.s32 $0x3400;
	[sflag:s30] =	ssyncadd.s32 $0xFFFFFFB0  }
0x126: {  	[tilespmem:s31], [sflag:$0xA] =	stream.indirect.gather [hbm4b:s1+s15], $0x80, s2, s15, $0x2000b8;
	[tilespmem:$0x1E480] =	vst v63  }
.LBB2_7:
0x127: {  	s0 =	sadd.s32 $0x6, s22  }
0x128: {  	s2 =	smul.u32 $0x50, s0;
	_ =	sdelay $0x1  }
0x129: {  	s2 =	sadd.s32 s5, s2  }
0x12a: {  	s2 =	sshrl.u32 s2, $0x3  }
0x12b: {  	s0 =	sand.u32 $0x7, s0;
	s3 =	sadd.s32 s4, s2  }
0x12c: {  	s8 =	sadd.s32 $0x1, s0;
	s0 =	sshll.u32 s0, $0x7;
	s9 =	sadd.s32 $0x9C40, s3  }
0x12d: {  	[tilespmem:s0], [sflag:s8] =	stream.linear.gather [hbm4b:s9+s7], $0x50, $0x200038;
	[tilespmem:$0x1E480] =	vst v63  }
0x12e: {  	s31 =	sor.u32 $0x400, s0  }
0x12f: {  	[tilespmem:s31], [sflag:s8] =	stream.linear.gather [hbm4b:s3+s7], $0x50, $0x200038;
	[tilespmem:$0x1E480] =	vst v63  }
0x130: {  	s2 =	sadd.s32 s21, s2;
	s0 =	sor.u32 $0x800, s0  }
0x131: {  	[tilespmem:s0], [sflag:s8] =	stream.linear.gather [hbm4b:s2+s7], $0x50, $0x200038;
	[tilespmem:$0x1E480] =	vst v63  }
.LBB2_9:
0x132: {  	s0 =	sadd.s32 $0x2, s22  }
0x133: {  	s2 =	sand.u32 $0x7, s0  }
0x134: {  	s3 =	sadd.s32 $0x1, s2  }
0x135: {  	_ =	swait.ge [sflag:s3], $0x50  }
0x136: {  	[sflag:s3] =	ssyncset.done $0x0  }
0x137: {  	[sflag:s3] =	ssyncadd.s32 $0xFFFFFFB0  }
0x138: {  	_ =	swait.ge [sflag:s3], $0x50  }
0x139: {  	s0 =	sand.u32 $0x3, s0;
	[sflag:s3] =	ssyncset.done $0x0  }
0x13a: {  	s8 =	smul.u32 $0xA000, s0;
	[sflag:s3] =	ssyncadd.s32 $0xFFFFFFB0  }
0x13b: {  	_ =	swait.ge [sflag:s3], $0x50  }
0x13c: {  	s2 =	sshll.u32 s2, $0x7;
	s31 =	sshrl.u32 s8, $0x2;
	[sflag:s3] =	ssyncset.done $0x0  }
0x13d: {  	s0 =	sadd.s32 $0x9, s0;
	[sflag:s3] =	ssyncadd.s32 $0xFFFFFFB0;
	s3 =	sadd.s32 $0xC00, s31  }
0x13e: {  	[tilespmem:s3], [sflag:s0] =	stream.indirect.gather [hbm4b:s1+s15], $0x80, s2, s15, $0x2000b8;
	[tilespmem:$0x1E480] =	vst v63  }
.LBB2_10:
0x13f: {  	s22 =	sadd.s32 $0x1, s22  }
0x140: {  	p2 =	sne.s32 s22, $0x7D  }
.Ltmp4:
0x141: {  	_ = 	snop;
	(pc) =	sbr.rel @!p2 .LBB2_11-.Ltmp4, $1  }
0x142: {  	_ =	sdelay $0x3  }
.LBB2_4:
0x143: {  	s23 =	sand.u32 $0x3, s22  }
0x144: {  	s0 =	smul.u32 $0xA000, s23;
	_ =	sdelay $0x1  }
0x145: {  	s0 =	sshrl.u32 s0, $0x2  }
0x146: {  	s8 =	sshll.u32 s22, $0x9;
	s3 =	sadd.s32 $0x9, s23;
	s24 =	sadd.s32 $0xC00, s0  }
0x147: {  	s8 =	sand.u32 $0xE00, s8;
	_ =	swait.ge [sflag:s3], $0x2800;
	v1 =	vmov s24  }
0x148: {  	s25 =	sshrl.u32 s8, $0x2;
	[sflag:s3] =	ssyncset.done $0x0  }
0x149: {  	s13 =	simm.s32 $0x0;
	s26 =	sor.u32 $0x800, s25;
	[sflag:s3] =	ssyncadd.s32 $0xFFFFD800  }
.LBB2_5:
0x14a: {  	s0 =	sor.u32 $0x1, s13;
	s9 =	sshll.u32 s13, $0x7  }
0x14b: {  	s3 =	sor.u32 $0x2, s13;
	v3 =	vmov s0;
	s28 =	sand.u32 $0x3FFFFF80, s9;
	s0 =	sshll.u32 s0, $0x7  }
0x14c: {  	v2 =	vmov s13;
	s8 =	sor.u32 $0x3, s13;
	s2 =	sshll.u32 s3, $0x7;
	v9 =	vld.idx.msk [tilespmem:v1+s28+$0x0 ss:$0x1], $0xffff;
	s29 =	sand.u32 $0x3FFFFF80, s0  }
0x14d: {  	s10 =	sor.u32 $0x4, s13;
	v2 =	vand.u32 $0xFFFFFFF0, v2;
	v4 =	vmov s3;
	v5 =	vmov s8;
	s3 =	sshll.u32 s8, $0x7;
	s30 =	sand.u32 $0x3FFFFF80, s2;
	v10 =	vld.idx.msk [tilespmem:v1+s29+$0x0 ss:$0x1], $0xffff  }
0x14e: {  	s19 =	sor.u32 $0x5, s13;
	v6 =	vmov s10;
	s8 =	sshll.u32 s10, $0x7;
	v2 =	vbroadcast v2, $0x0;
	v3 =	vand.u32 $0xFFFFFFF1, v3;
	s31 =	sand.u32 $0x3FFFFF80, s3;
	v11 =	vld.idx.msk [tilespmem:v1+s30+$0x0 ss:$0x1], $0xffff  }
0x14f: {  	s16 =	sor.u32 $0x6, s13;
	v7 =	vmov s19;
	s10 =	sshll.u32 s19, $0x7;
	v4 =	vand.u32 $0xFFFFFFF2, v4;
	s3 =	sand.u32 $0x3FFFFF80, s8;
	v3 =	vbroadcast v3, $0x0;
	v13 =	vld.idx.msk [tilespmem:v1+s31+$0x0 ss:$0x1], $0xffff  }
0x150: {  	s18 =	sor.u32 $0x7, s13;
	s14 =	sshll.u32 s16, $0x7;
	v7 =	vand.u32 $0xFFFFFFF5, v7;
	s8 =	sand.u32 $0x3FFFFF80, s10;
	v4 =	vbroadcast v4, $0x0;
	v14 =	vld.idx.msk [tilespmem:v1+s3+$0x0 ss:$0x1], $0xffff  }
0x151: {  	v8 =	vmov s16;
	s16 =	sshll.u32 s18, $0x7;
	v5 =	vand.u32 $0xFFFFFFF3, v5;
	s9 =	sand.u32 $0x3FFFFF80, s14;
	v7 =	vbroadcast v7, $0x0;
	v15 =	vld.idx.msk [tilespmem:v1+s8+$0x0 ss:$0x1], $0xffff  }
0x152: {  	v6 =	vand.u32 $0xFFFFFFF4, v6;
	s10 =	sand.u32 $0x3FFFFF80, s16;
	v5 =	vbroadcast v5, $0x0;
	v17 =	vld.idx.msk [tilespmem:v1+s9+$0x0 ss:$0x1], $0xffff  }
0x153: {  	v12 =	vmov s18;
	v8 =	vand.u32 $0xFFFFFFF6, v8;
	v6 =	vbroadcast v6, $0x0;
	v39 =	vld.idx.msk [tilespmem:v1+s10+$0x0 ss:$0x1], $0xffff  }
0x154: {  	v12 =	vand.u32 $0xFFFFFFF7, v12;
	v8 =	vbroadcast v8, $0x0;
	v2 =	vld.idx.msk [tilespmem:v2+s26+$0x0], $0xffff  }
0x155: {  	v12 =	vbroadcast v12, $0x0;
	v3 =	vld.idx.msk [tilespmem:v3+s26+$0x0], $0xffff  }
0x156: {  	v4 =	vld.idx.msk [tilespmem:v4+s26+$0x0], $0xffff  }
0x157: {  	v7 =	vld.idx.msk [tilespmem:v7+s26+$0x0], $0xffff  }
0x158: {  	v5 =	vld.idx.msk [tilespmem:v5+s26+$0x0], $0xffff  }
0x159: {  	v6 =	vld.idx.msk [tilespmem:v6+s26+$0x0], $0xffff;
	v16 =	vmul.f32 v9, v2  }
0x15a: {  	v8 =	vld.idx.msk [tilespmem:v8+s26+$0x0], $0xffff;
	v10 =	vmul.f32 v10, v3  }
0x15b: {  	v9 =	vld.idx.msk [tilespmem:v12+s26+$0x0], $0xffff;
	v11 =	vmul.f32 v11, v4;
	[tilespmem:v1+s28+$0x0 ss:$0x1] =	vst.idx.msk $0xffff, v16  }
0x15c: {  	v44 =	vmul.f32 v15, v7;
	v16 =	vld.idx.msk [tilespmem:v1+s28+$0x10 ss:$0x1], $0xffff;
	[tilespmem:v1+s29+$0x0 ss:$0x1] =	vst.idx.msk $0xffff, v10  }
0x15d: {  	v40 =	vmul.f32 v13, v5;
	[tilespmem:v1+s30+$0x0 ss:$0x1] =	vst.idx.msk $0xffff, v11;
	v41 =	vld.idx.msk [tilespmem:v1+s29+$0x10 ss:$0x1], $0xffff  }
0x15e: {  	v42 =	vmul.f32 v14, v6;
	[tilespmem:v1+s8+$0x0 ss:$0x1] =	vst.idx.msk $0xffff, v44;
	v43 =	vld.idx.msk [tilespmem:v1+s30+$0x10 ss:$0x1], $0xffff  }
0x15f: {  	v46 =	vmul.f32 v17, v8;
	[tilespmem:v1+s31+$0x0 ss:$0x1] =	vst.idx.msk $0xffff, v40;
	v50 =	vld.idx.msk [tilespmem:v1+s8+$0x10 ss:$0x1], $0xffff  }
0x160: {  	[tilespmem:v1+s3+$0x0 ss:$0x1] =	vst.idx.msk $0xffff, v42;
	v45 =	vld.idx.msk [tilespmem:v1+s31+$0x10 ss:$0x1], $0xffff;
	v48 =	vmul.f32 v39, v9  }
0x161: {  	[tilespmem:v1+s9+$0x0 ss:$0x1] =	vst.idx.msk $0xffff, v46;
	v47 =	vld.idx.msk [tilespmem:v1+s3+$0x10 ss:$0x1], $0xffff;
	v49 =	vmul.f32 v16, v2  }
0x162: {  	v52 =	vld.idx.msk [tilespmem:v1+s9+$0x10 ss:$0x1], $0xffff;
	[tilespmem:v1+s10+$0x0 ss:$0x1] =	vst.idx.msk $0xffff, v48;
	v51 =	vmul.f32 v41, v3  }
0x163: {  	v54 =	vld.idx.msk [tilespmem:v1+s10+$0x10 ss:$0x1], $0xffff;
	v53 =	vmul.f32 v43, v4;
	[tilespmem:v1+s28+$0x10 ss:$0x1] =	vst.idx.msk $0xffff, v49  }
0x164: {  	v60 =	vmul.f32 v50, v7;
	v55 =	vld.idx.msk [tilespmem:v1+s28+$0x20 ss:$0x1], $0xffff;
	[tilespmem:v1+s29+$0x10 ss:$0x1] =	vst.idx.msk $0xffff, v51  }
0x165: {  	v56 =	vmul.f32 v45, v5;
	[tilespmem:v1+s30+$0x10 ss:$0x1] =	vst.idx.msk $0xffff, v53;
	v57 =	vld.idx.msk [tilespmem:v1+s29+$0x20 ss:$0x1], $0xffff  }
0x166: {  	v58 =	vmul.f32 v47, v6;
	[tilespmem:v1+s8+$0x10 ss:$0x1] =	vst.idx.msk $0xffff, v60;
	v59 =	vld.idx.msk [tilespmem:v1+s30+$0x20 ss:$0x1], $0xffff  }
0x167: {  	v62 =	vmul.f32 v52, v8;
	[tilespmem:v1+s31+$0x10 ss:$0x1] =	vst.idx.msk $0xffff, v56;
	v22 =	vld.idx.msk [tilespmem:v1+s8+$0x20 ss:$0x1], $0xffff  }
0x168: {  	[tilespmem:v1+s3+$0x10 ss:$0x1] =	vst.idx.msk $0xffff, v58;
	v61 =	vld.idx.msk [tilespmem:v1+s31+$0x20 ss:$0x1], $0xffff;
	v20 =	vmul.f32 v54, v9  }
0x169: {  	[tilespmem:v1+s9+$0x10 ss:$0x1] =	vst.idx.msk $0xffff, v62;
	v63 =	vld.idx.msk [tilespmem:v1+s3+$0x20 ss:$0x1], $0xffff;
	v21 =	vmul.f32 v55, v2  }
0x16a: {  	v24 =	vld.idx.msk [tilespmem:v1+s9+$0x20 ss:$0x1], $0xffff;
	[tilespmem:v1+s10+$0x10 ss:$0x1] =	vst.idx.msk $0xffff, v20;
	v23 =	vmul.f32 v57, v3  }
0x16b: {  	v26 =	vld.idx.msk [tilespmem:v1+s10+$0x20 ss:$0x1], $0xffff;
	v25 =	vmul.f32 v59, v4;
	[tilespmem:v1+s28+$0x20 ss:$0x1] =	vst.idx.msk $0xffff, v21  }
0x16c: {  	v32 =	vmul.f32 v22, v7;
	v27 =	vld.idx.msk [tilespmem:v1+s28+$0x30 ss:$0x1], $0xffff;
	[tilespmem:v1+s29+$0x20 ss:$0x1] =	vst.idx.msk $0xffff, v23  }
0x16d: {  	v28 =	vmul.f32 v61, v5;
	[tilespmem:v1+s30+$0x20 ss:$0x1] =	vst.idx.msk $0xffff, v25;
	v29 =	vld.idx.msk [tilespmem:v1+s29+$0x30 ss:$0x1], $0xffff  }
0x16e: {  	v30 =	vmul.f32 v63, v6;
	[tilespmem:v1+s8+$0x20 ss:$0x1] =	vst.idx.msk $0xffff, v32;
	v31 =	vld.idx.msk [tilespmem:v1+s30+$0x30 ss:$0x1], $0xffff  }
0x16f: {  	v34 =	vmul.f32 v24, v8;
	[tilespmem:v1+s31+$0x20 ss:$0x1] =	vst.idx.msk $0xffff, v28;
	v38 =	vld.idx.msk [tilespmem:v1+s8+$0x30 ss:$0x1], $0xffff  }
0x170: {  	[tilespmem:v1+s3+$0x20 ss:$0x1] =	vst.idx.msk $0xffff, v30;
	v33 =	vld.idx.msk [tilespmem:v1+s31+$0x30 ss:$0x1], $0xffff;
	v36 =	vmul.f32 v26, v9  }
0x171: {  	[tilespmem:v1+s9+$0x20 ss:$0x1] =	vst.idx.msk $0xffff, v34;
	v35 =	vld.idx.msk [tilespmem:v1+s3+$0x30 ss:$0x1], $0xffff;
	v37 =	vmul.f32 v27, v2  }
0x172: {  	[tilespmem:v1+s10+$0x20 ss:$0x1] =	vst.idx.msk $0xffff, v36;
	v39 =	vmul.f32 v29, v3  }
0x173: {  	v40 =	vld.idx.msk [tilespmem:v1+s9+$0x30 ss:$0x1], $0xffff;
	v41 =	vmul.f32 v31, v4;
	[tilespmem:v1+s28+$0x30 ss:$0x1] =	vst.idx.msk $0xffff, v37  }
0x174: {  	v42 =	vld.idx.msk [tilespmem:v1+s10+$0x30 ss:$0x1], $0xffff;
	v48 =	vmul.f32 v38, v7;
	[tilespmem:v1+s29+$0x30 ss:$0x1] =	vst.idx.msk $0xffff, v39  }
0x175: {  	s17 =	sor.u32 $0x8, s13;
	v44 =	vmul.f32 v33, v5;
	v43 =	vld.idx.msk [tilespmem:v1+s28+$0x40 ss:$0x1], $0xffff;
	[tilespmem:v1+s30+$0x30 ss:$0x1] =	vst.idx.msk $0xffff, v41  }
0x176: {  	v46 =	vmul.f32 v35, v6;
	[tilespmem:v1+s8+$0x30 ss:$0x1] =	vst.idx.msk $0xffff, v48;
	v48 =	vmov s17;
	v45 =	vld.idx.msk [tilespmem:v1+s29+$0x40 ss:$0x1], $0xffff  }
0x177: {  	[tilespmem:v1+s31+$0x30 ss:$0x1] =	vst.idx.msk $0xffff, v44;
	v47 =	vld.idx.msk [tilespmem:v1+s30+$0x40 ss:$0x1], $0xffff;
	v15 =	vand.u32 $0xFFFFFFF8, v48  }
0x178: {  	v50 =	vmul.f32 v40, v8;
	[tilespmem:v1+s3+$0x30 ss:$0x1] =	vst.idx.msk $0xffff, v46;
	v49 =	vld.idx.msk [tilespmem:v1+s31+$0x40 ss:$0x1], $0xffff;
	v15 =	vbroadcast v15, $0x0  }
0x179: {  	v51 =	vld.idx.msk [tilespmem:v1+s3+$0x40 ss:$0x1], $0xffff;
	v52 =	vmul.f32 v42, v9  }
0x17a: {  	[tilespmem:v1+s9+$0x30 ss:$0x1] =	vst.idx.msk $0xffff, v50;
	v54 =	vld.idx.msk [tilespmem:v1+s8+$0x40 ss:$0x1], $0xffff;
	v53 =	vmul.f32 v43, v2  }
0x17b: {  	v56 =	vld.idx.msk [tilespmem:v1+s9+$0x40 ss:$0x1], $0xffff;
	[tilespmem:v1+s10+$0x30 ss:$0x1] =	vst.idx.msk $0xffff, v52  }
0x17c: {  	v58 =	vld.idx.msk [tilespmem:v1+s10+$0x40 ss:$0x1], $0xffff;
	v55 =	vmul.f32 v45, v3;
	[tilespmem:v1+s28+$0x40 ss:$0x1] =	vst.idx.msk $0xffff, v53  }
0x17d: {  	v57 =	vmul.f32 v47, v4;
	v59 =	vld.idx.msk [tilespmem:v1+s28+$0x50 ss:$0x1], $0xffff  }
0x17e: {  	s18 =	sor.u32 $0x9, s13;
	v60 =	vmul.f32 v49, v5;
	[tilespmem:v1+s29+$0x40 ss:$0x1] =	vst.idx.msk $0xffff, v55;
	v10 =	vld.idx.msk [tilespmem:v15+s26+$0x0], $0xffff  }
0x17f: {  	v52 =	vmov s18;
	v62 =	vmul.f32 v51, v6;
	[tilespmem:v1+s30+$0x40 ss:$0x1] =	vst.idx.msk $0xffff, v57;
	v61 =	vld.idx.msk [tilespmem:v1+s29+$0x50 ss:$0x1], $0xffff  }
0x180: {  	v19 =	vmul.f32 v54, v7;
	v54 =	vand.u32 $0xFFFFFFF9, v52;
	[tilespmem:v1+s31+$0x40 ss:$0x1] =	vst.idx.msk $0xffff, v60;
	v63 =	vld.idx.msk [tilespmem:v1+s30+$0x50 ss:$0x1], $0xffff  }
0x181: {  	v21 =	vmul.f32 v56, v8;
	[tilespmem:v1+s3+$0x40 ss:$0x1] =	vst.idx.msk $0xffff, v62;
	v57 =	vbroadcast v54, $0x0;
	v20 =	vld.idx.msk [tilespmem:v1+s31+$0x50 ss:$0x1], $0xffff  }
0x182: {  	[tilespmem:v1+s8+$0x40 ss:$0x1] =	vst.idx.msk $0xffff, v19;
	v22 =	vld.idx.msk [tilespmem:v1+s3+$0x50 ss:$0x1], $0xffff  }
0x183: {  	s0 =	sshll.u32 s17, $0x7;
	[tilespmem:v1+s9+$0x40 ss:$0x1] =	vst.idx.msk $0xffff, v21;
	v25 =	vld.idx.msk [tilespmem:v1+s8+$0x50 ss:$0x1], $0xffff;
	v23 =	vmul.f32 v58, v9  }
0x184: {  	s0 =	sand.u32 $0x3FFFFF80, s0;
	v27 =	vld.idx.msk [tilespmem:v1+s9+$0x50 ss:$0x1], $0xffff  }
0x185: {  	[tilespmem:v1+s10+$0x40 ss:$0x1] =	vst.idx.msk $0xffff, v23;
	v23 =	vld.idx.msk [tilespmem:v1+s0+$0x0 ss:$0x1], $0xffff  }
0x186: {  	s2 =	sor.u32 $0xA, s13;
	s16 =	sshll.u32 s18, $0x7;
	v29 =	vld.idx.msk [tilespmem:v1+s10+$0x50 ss:$0x1], $0xffff  }
0x187: {  	s16 =	sand.u32 $0x3FFFFF80, s16;
	s18 =	sshll.u32 s2, $0x7;
	v24 =	vmul.f32 v59, v2;
	v11 =	vld.idx.msk [tilespmem:v57+s26+$0x0], $0xffff  }
0x188: {  	s18 =	sand.u32 $0x3FFFFF80, s18;
	v26 =	vmul.f32 v61, v3;
	v35 =	vmul.f32 v25, v7;
	v25 =	vld.idx.msk [tilespmem:v1+s16+$0x0 ss:$0x1], $0xffff  }
0x189: {  	v58 =	vmov s2;
	v28 =	vmul.f32 v63, v4;
	v37 =	vmul.f32 v27, v8;
	v27 =	vld.idx.msk [tilespmem:v1+s18+$0x0 ss:$0x1], $0xffff;
	[tilespmem:v1+s28+$0x50 ss:$0x1] =	vst.idx.msk $0xffff, v24  }
0x18a: {  	v59 =	vand.u32 $0xFFFFFFFA, v58;
	v31 =	vmul.f32 v20, v5;
	v30 =	vld.idx.msk [tilespmem:v1+s28+$0x60 ss:$0x1], $0xffff;
	[tilespmem:v1+s29+$0x50 ss:$0x1] =	vst.idx.msk $0xffff, v26  }
0x18b: {  	v33 =	vmul.f32 v22, v6;
	v21 =	vbroadcast v59, $0x0;
	[tilespmem:v1+s30+$0x50 ss:$0x1] =	vst.idx.msk $0xffff, v28;
	v32 =	vld.idx.msk [tilespmem:v1+s29+$0x60 ss:$0x1], $0xffff  }
0x18c: {  	[tilespmem:v1+s31+$0x50 ss:$0x1] =	vst.idx.msk $0xffff, v31;
	v34 =	vld.idx.msk [tilespmem:v1+s30+$0x60 ss:$0x1], $0xffff  }
0x18d: {  	[tilespmem:v1+s3+$0x50 ss:$0x1] =	vst.idx.msk $0xffff, v33;
	v36 =	vld.idx.msk [tilespmem:v1+s31+$0x60 ss:$0x1], $0xffff  }
0x18e: {  	[tilespmem:v1+s8+$0x50 ss:$0x1] =	vst.idx.msk $0xffff, v35;
	v38 =	vld.idx.msk [tilespmem:v1+s3+$0x60 ss:$0x1], $0xffff  }
0x18f: {  	[tilespmem:v1+s9+$0x50 ss:$0x1] =	vst.idx.msk $0xffff, v37;
	v41 =	vld.idx.msk [tilespmem:v1+s8+$0x60 ss:$0x1], $0xffff;
	v39 =	vmul.f32 v29, v9  }
0x190: {  	s19 =	sor.u32 $0xB, s13;
	v43 =	vld.idx.msk [tilespmem:v1+s9+$0x60 ss:$0x1], $0xffff  }
0x191: {  	v61 =	vmov s19;
	s19 =	sshll.u32 s19, $0x7;
	[tilespmem:v1+s10+$0x50 ss:$0x1] =	vst.idx.msk $0xffff, v39;
	v12 =	vld.idx.msk [tilespmem:v21+s26+$0x0], $0xffff;
	v40 =	vmul.f32 v30, v2  }
0x192: {  	s19 =	sand.u32 $0x3FFFFF80, s19;
	v45 =	vld.idx.msk [tilespmem:v1+s10+$0x60 ss:$0x1], $0xffff;
	v42 =	vmul.f32 v32, v3  }
0x193: {  	v44 =	vmul.f32 v34, v4;
	v34 =	vld.idx.msk [tilespmem:v1+s19+$0x0 ss:$0x1], $0xffff;
	[tilespmem:v1+s28+$0x60 ss:$0x1] =	vst.idx.msk $0xffff, v40  }
0x194: {  	v47 =	vmul.f32 v36, v5;
	v46 =	vld.idx.msk [tilespmem:v1+s28+$0x70 ss:$0x1], $0xffff;
	[tilespmem:v1+s29+$0x60 ss:$0x1] =	vst.idx.msk $0xffff, v42  }
0x195: {  	s14 =	sor.u32 $0xC, s13;
	v49 =	vmul.f32 v38, v6;
	[tilespmem:v1+s30+$0x60 ss:$0x1] =	vst.idx.msk $0xffff, v44;
	v18 =	vld.idx.msk [tilespmem:v1+s29+$0x70 ss:$0x1], $0xffff  }
0x196: {  	v62 =	vand.u32 $0xFFFFFFFB, v61;
	v29 =	vmov s14;
	v51 =	vmul.f32 v41, v7;
	[tilespmem:v1+s31+$0x60 ss:$0x1] =	vst.idx.msk $0xffff, v47;
	v50 =	vld.idx.msk [tilespmem:v1+s30+$0x70 ss:$0x1], $0xffff  }
0x197: {  	s17 =	sor.u32 $0xD, s13;
	v63 =	vbroadcast v62, $0x0;
	v24 =	vand.u32 $0xFFFFFFFC, v29;
	v53 =	vmul.f32 v43, v8;
	[tilespmem:v1+s3+$0x60 ss:$0x1] =	vst.idx.msk $0xffff, v49;
	v19 =	vld.idx.msk [tilespmem:v1+s31+$0x70 ss:$0x1], $0xffff  }
0x198: {  	s2 =	sor.u32 $0xE, s13;
	v24 =	vbroadcast v24, $0x0;
	v30 =	vmov s17;
	v43 =	vmul.f32 v25, v11;
	[tilespmem:v1+s8+$0x60 ss:$0x1] =	vst.idx.msk $0xffff, v51;
	v55 =	vld.idx.msk [tilespmem:v1+s3+$0x70 ss:$0x1], $0xffff  }
0x199: {  	v26 =	vand.u32 $0xFFFFFFFD, v30;
	v32 =	vmov s2;
	[tilespmem:v1+s9+$0x60 ss:$0x1] =	vst.idx.msk $0xffff, v53;
	v20 =	vld.idx.msk [tilespmem:v1+s8+$0x70 ss:$0x1], $0xffff;
	v44 =	vmul.f32 v27, v12  }
0x19a: {  	v31 =	vbroadcast v26, $0x0;
	v26 =	vand.u32 $0xFFFFFFFE, v32;
	[tilespmem:v1+s16+$0x0 ss:$0x1] =	vst.idx.msk $0xffff, v43;
	v60 =	vld.idx.msk [tilespmem:v1+s9+$0x70 ss:$0x1], $0xffff  }
0x19b: {  	v33 =	vbroadcast v26, $0x0;
	v47 =	vld.idx.msk [tilespmem:v1+s16+$0x10 ss:$0x1], $0xffff;
	[tilespmem:v1+s18+$0x0 ss:$0x1] =	vst.idx.msk $0xffff, v44;
	v14 =	vmul.f32 v46, v2  }
0x19c: {  	v48 =	vld.idx.msk [tilespmem:v1+s18+$0x10 ss:$0x1], $0xffff;
	v3 =	vmul.f32 v18, v3  }
0x19d: {  	s14 =	sshll.u32 s14, $0x7;
	v2 =	vld.idx.msk [tilespmem:v63+s26+$0x0], $0xffff;
	[tilespmem:v1+s28+$0x70 ss:$0x1] =	vst.idx.msk $0xffff, v14  }
0x19e: {  	v4 =	vmul.f32 v50, v4;
	s28 =	sand.u32 $0x3FFFFF80, s14;
	[tilespmem:v1+s29+$0x70 ss:$0x1] =	vst.idx.msk $0xffff, v3;
	v3 =	vld.idx.msk [tilespmem:v24+s26+$0x0], $0xffff  }
0x19f: {  	v5 =	vmul.f32 v19, v5;
	s14 =	sor.u32 $0xF, s13;
	v35 =	vld.idx.msk [tilespmem:v1+s28+$0x0 ss:$0x1], $0xffff  }
0x1a0: {  	s17 =	sshll.u32 s17, $0x7;
	v41 =	vmul.f32 v23, v10;
	[tilespmem:v1+s30+$0x70 ss:$0x1] =	vst.idx.msk $0xffff, v4;
	v36 =	vmov s14;
	v4 =	vld.idx.msk [tilespmem:v31+s26+$0x0], $0xffff  }
0x1a1: {  	s2 =	sshll.u32 s2, $0x7;
	v56 =	vmul.f32 v45, v9;
	[tilespmem:v1+s31+$0x70 ss:$0x1] =	vst.idx.msk $0xffff, v5;
	s29 =	sand.u32 $0x3FFFFF80, s17;
	v5 =	vld.idx.msk [tilespmem:v33+s26+$0x0], $0xffff  }
0x1a2: {  	[tilespmem:v1+s0+$0x0 ss:$0x1] =	vst.idx.msk $0xffff, v41;
	v6 =	vmul.f32 v55, v6;
	s17 =	sand.u32 $0x3FFFFF80, s2;
	s30 =	sshll.u32 s14, $0x7;
	v39 =	vld.idx.msk [tilespmem:v1+s29+$0x0 ss:$0x1], $0xffff  }
0x1a3: {  	[tilespmem:v1+s10+$0x60 ss:$0x1] =	vst.idx.msk $0xffff, v56;
	v37 =	vmul.f32 v20, v7;
	v42 =	vld.idx.msk [tilespmem:v1+s17+$0x0 ss:$0x1], $0xffff;
	s31 =	sand.u32 $0x3FFFFF80, s30  }
0x1a4: {  	v38 =	vmul.f32 v60, v8;
	[tilespmem:v1+s3+$0x70 ss:$0x1] =	vst.idx.msk $0xffff, v6;
	v45 =	vld.idx.msk [tilespmem:v1+s31+$0x0 ss:$0x1], $0xffff  }
0x1a5: {  	[tilespmem:v1+s8+$0x70 ss:$0x1] =	vst.idx.msk $0xffff, v37;
	v53 =	vmul.f32 v48, v12;
	v6 =	vld.idx.msk [tilespmem:v36+s26+$0x0], $0xffff  }
0x1a6: {  	v46 =	vld.idx.msk [tilespmem:v1+s0+$0x10 ss:$0x1], $0xffff;
	[tilespmem:v1+s9+$0x70 ss:$0x1] =	vst.idx.msk $0xffff, v38;
	v14 =	vmul.f32 v34, v2  }
0x1a7: {  	v22 =	vld.idx.msk [tilespmem:v1+s10+$0x70 ss:$0x1], $0xffff;
	[tilespmem:v1+s18+$0x10 ss:$0x1] =	vst.idx.msk $0xffff, v53;
	v16 =	vmul.f32 v35, v3  }
0x1a8: {  	[tilespmem:v1+s19+$0x0 ss:$0x1] =	vst.idx.msk $0xffff, v14;
	v7 =	vmul.f32 v39, v4  }
0x1a9: {  	v49 =	vld.idx.msk [tilespmem:v1+s19+$0x10 ss:$0x1], $0xffff;
	v13 =	vmul.f32 v42, v5;
	[tilespmem:v1+s28+$0x0 ss:$0x1] =	vst.idx.msk $0xffff, v16  }
0x1aa: {  	[tilespmem:v1+s29+$0x0 ss:$0x1] =	vst.idx.msk $0xffff, v7;
	v50 =	vld.idx.msk [tilespmem:v1+s28+$0x10 ss:$0x1], $0xffff;
	v15 =	vmul.f32 v45, v6  }
0x1ab: {  	v8 =	vmul.f32 v46, v10;
	[tilespmem:v1+s17+$0x0 ss:$0x1] =	vst.idx.msk $0xffff, v13;
	v51 =	vld.idx.msk [tilespmem:v1+s29+$0x10 ss:$0x1], $0xffff  }
0x1ac: {  	v40 =	vmul.f32 v22, v9;
	v9 =	vmul.f32 v47, v11;
	v52 =	vld.idx.msk [tilespmem:v1+s17+$0x10 ss:$0x1], $0xffff;
	[tilespmem:v1+s31+$0x0 ss:$0x1] =	vst.idx.msk $0xffff, v15  }
0x1ad: {  	[tilespmem:v1+s0+$0x10 ss:$0x1] =	vst.idx.msk $0xffff, v8;
	v54 =	vld.idx.msk [tilespmem:v1+s31+$0x10 ss:$0x1], $0xffff  }
0x1ae: {  	[tilespmem:v1+s16+$0x10 ss:$0x1] =	vst.idx.msk $0xffff, v9;
	v55 =	vld.idx.msk [tilespmem:v1+s0+$0x20 ss:$0x1], $0xffff;
	v16 =	vmul.f32 v49, v2  }
0x1af: {  	[tilespmem:v1+s10+$0x70 ss:$0x1] =	vst.idx.msk $0xffff, v40;
	v56 =	vld.idx.msk [tilespmem:v1+s16+$0x20 ss:$0x1], $0xffff;
	v7 =	vmul.f32 v50, v3  }
0x1b0: {  	v57 =	vld.idx.msk [tilespmem:v1+s18+$0x20 ss:$0x1], $0xffff;
	[tilespmem:v1+s19+$0x10 ss:$0x1] =	vst.idx.msk $0xffff, v16;
	v13 =	vmul.f32 v51, v4  }
0x1b1: {  	v58 =	vld.idx.msk [tilespmem:v1+s19+$0x20 ss:$0x1], $0xffff;
	v15 =	vmul.f32 v52, v5;
	[tilespmem:v1+s28+$0x10 ss:$0x1] =	vst.idx.msk $0xffff, v7  }
0x1b2: {  	[tilespmem:v1+s29+$0x10 ss:$0x1] =	vst.idx.msk $0xffff, v13;
	v59 =	vld.idx.msk [tilespmem:v1+s28+$0x20 ss:$0x1], $0xffff;
	v14 =	vmul.f32 v54, v6  }
0x1b3: {  	v9 =	vmul.f32 v55, v10;
	[tilespmem:v1+s17+$0x10 ss:$0x1] =	vst.idx.msk $0xffff, v15;
	v60 =	vld.idx.msk [tilespmem:v1+s29+$0x20 ss:$0x1], $0xffff  }
0x1b4: {  	v8 =	vmul.f32 v56, v11;
	v61 =	vld.idx.msk [tilespmem:v1+s17+$0x20 ss:$0x1], $0xffff;
	[tilespmem:v1+s31+$0x10 ss:$0x1] =	vst.idx.msk $0xffff, v14  }
0x1b5: {  	v62 =	vmul.f32 v57, v12;
	[tilespmem:v1+s0+$0x20 ss:$0x1] =	vst.idx.msk $0xffff, v9;
	v63 =	vld.idx.msk [tilespmem:v1+s31+$0x20 ss:$0x1], $0xffff  }
0x1b6: {  	[tilespmem:v1+s16+$0x20 ss:$0x1] =	vst.idx.msk $0xffff, v8;
	v20 =	vld.idx.msk [tilespmem:v1+s0+$0x30 ss:$0x1], $0xffff;
	v7 =	vmul.f32 v58, v2  }
0x1b7: {  	[tilespmem:v1+s18+$0x20 ss:$0x1] =	vst.idx.msk $0xffff, v62;
	v21 =	vld.idx.msk [tilespmem:v1+s16+$0x30 ss:$0x1], $0xffff;
	v13 =	vmul.f32 v59, v3  }
0x1b8: {  	v22 =	vld.idx.msk [tilespmem:v1+s18+$0x30 ss:$0x1], $0xffff;
	[tilespmem:v1+s19+$0x20 ss:$0x1] =	vst.idx.msk $0xffff, v7;
	v15 =	vmul.f32 v60, v4  }
0x1b9: {  	v23 =	vld.idx.msk [tilespmem:v1+s19+$0x30 ss:$0x1], $0xffff;
	v14 =	vmul.f32 v61, v5;
	[tilespmem:v1+s28+$0x20 ss:$0x1] =	vst.idx.msk $0xffff, v13  }
0x1ba: {  	[tilespmem:v1+s29+$0x20 ss:$0x1] =	vst.idx.msk $0xffff, v15;
	v24 =	vld.idx.msk [tilespmem:v1+s28+$0x30 ss:$0x1], $0xffff;
	v16 =	vmul.f32 v63, v6  }
0x1bb: {  	v8 =	vmul.f32 v20, v10;
	[tilespmem:v1+s17+$0x20 ss:$0x1] =	vst.idx.msk $0xffff, v14;
	v25 =	vld.idx.msk [tilespmem:v1+s29+$0x30 ss:$0x1], $0xffff  }
0x1bc: {  	v9 =	vmul.f32 v21, v11;
	v26 =	vld.idx.msk [tilespmem:v1+s17+$0x30 ss:$0x1], $0xffff;
	[tilespmem:v1+s31+$0x20 ss:$0x1] =	vst.idx.msk $0xffff, v16  }
0x1bd: {  	[tilespmem:v1+s0+$0x30 ss:$0x1] =	vst.idx.msk $0xffff, v8;
	v7 =	vmul.f32 v22, v12;
	v27 =	vld.idx.msk [tilespmem:v1+s31+$0x30 ss:$0x1], $0xffff  }
0x1be: {  	[tilespmem:v1+s16+$0x30 ss:$0x1] =	vst.idx.msk $0xffff, v9;
	v28 =	vld.idx.msk [tilespmem:v1+s0+$0x40 ss:$0x1], $0xffff;
	v13 =	vmul.f32 v23, v2  }
0x1bf: {  	v29 =	vld.idx.msk [tilespmem:v1+s16+$0x40 ss:$0x1], $0xffff;
	[tilespmem:v1+s18+$0x30 ss:$0x1] =	vst.idx.msk $0xffff, v7;
	v15 =	vmul.f32 v24, v3  }
0x1c0: {  	v30 =	vld.idx.msk [tilespmem:v1+s18+$0x40 ss:$0x1], $0xffff;
	[tilespmem:v1+s19+$0x30 ss:$0x1] =	vst.idx.msk $0xffff, v13;
	v14 =	vmul.f32 v25, v4  }
0x1c1: {  	v31 =	vld.idx.msk [tilespmem:v1+s19+$0x40 ss:$0x1], $0xffff;
	v16 =	vmul.f32 v26, v5;
	[tilespmem:v1+s28+$0x30 ss:$0x1] =	vst.idx.msk $0xffff, v15  }
0x1c2: {  	[tilespmem:v1+s29+$0x30 ss:$0x1] =	vst.idx.msk $0xffff, v14;
	v32 =	vld.idx.msk [tilespmem:v1+s28+$0x40 ss:$0x1], $0xffff;
	v8 =	vmul.f32 v27, v6  }
0x1c3: {  	v9 =	vmul.f32 v28, v10;
	[tilespmem:v1+s17+$0x30 ss:$0x1] =	vst.idx.msk $0xffff, v16;
	v33 =	vld.idx.msk [tilespmem:v1+s29+$0x40 ss:$0x1], $0xffff  }
0x1c4: {  	v7 =	vmul.f32 v29, v11;
	v34 =	vld.idx.msk [tilespmem:v1+s17+$0x40 ss:$0x1], $0xffff;
	[tilespmem:v1+s31+$0x30 ss:$0x1] =	vst.idx.msk $0xffff, v8  }
0x1c5: {  	[tilespmem:v1+s0+$0x40 ss:$0x1] =	vst.idx.msk $0xffff, v9;
	v35 =	vmul.f32 v30, v12;
	v36 =	vld.idx.msk [tilespmem:v1+s31+$0x40 ss:$0x1], $0xffff  }
0x1c6: {  	[tilespmem:v1+s16+$0x40 ss:$0x1] =	vst.idx.msk $0xffff, v7;
	v37 =	vld.idx.msk [tilespmem:v1+s0+$0x50 ss:$0x1], $0xffff;
	v15 =	vmul.f32 v31, v2  }
0x1c7: {  	v38 =	vld.idx.msk [tilespmem:v1+s16+$0x50 ss:$0x1], $0xffff;
	[tilespmem:v1+s18+$0x40 ss:$0x1] =	vst.idx.msk $0xffff, v35;
	v14 =	vmul.f32 v32, v3  }
0x1c8: {  	v39 =	vld.idx.msk [tilespmem:v1+s18+$0x50 ss:$0x1], $0xffff;
	[tilespmem:v1+s19+$0x40 ss:$0x1] =	vst.idx.msk $0xffff, v15;
	v16 =	vmul.f32 v33, v4  }
0x1c9: {  	v40 =	vld.idx.msk [tilespmem:v1+s19+$0x50 ss:$0x1], $0xffff;
	v8 =	vmul.f32 v34, v5;
	[tilespmem:v1+s28+$0x40 ss:$0x1] =	vst.idx.msk $0xffff, v14  }
0x1ca: {  	[tilespmem:v1+s29+$0x40 ss:$0x1] =	vst.idx.msk $0xffff, v16;
	v41 =	vld.idx.msk [tilespmem:v1+s28+$0x50 ss:$0x1], $0xffff;
	v13 =	vmul.f32 v36, v6  }
0x1cb: {  	v7 =	vmul.f32 v37, v10;
	[tilespmem:v1+s17+$0x40 ss:$0x1] =	vst.idx.msk $0xffff, v8;
	v42 =	vld.idx.msk [tilespmem:v1+s29+$0x50 ss:$0x1], $0xffff  }
0x1cc: {  	v9 =	vmul.f32 v38, v11;
	v43 =	vld.idx.msk [tilespmem:v1+s17+$0x50 ss:$0x1], $0xffff;
	[tilespmem:v1+s31+$0x40 ss:$0x1] =	vst.idx.msk $0xffff, v13  }
0x1cd: {  	[tilespmem:v1+s0+$0x50 ss:$0x1] =	vst.idx.msk $0xffff, v7;
	v44 =	vmul.f32 v39, v12;
	v45 =	vld.idx.msk [tilespmem:v1+s31+$0x50 ss:$0x1], $0xffff  }
0x1ce: {  	[tilespmem:v1+s16+$0x50 ss:$0x1] =	vst.idx.msk $0xffff, v9;
	v46 =	vld.idx.msk [tilespmem:v1+s0+$0x60 ss:$0x1], $0xffff;
	v14 =	vmul.f32 v40, v2  }
0x1cf: {  	v47 =	vld.idx.msk [tilespmem:v1+s16+$0x60 ss:$0x1], $0xffff;
	[tilespmem:v1+s18+$0x50 ss:$0x1] =	vst.idx.msk $0xffff, v44;
	v16 =	vmul.f32 v41, v3  }
0x1d0: {  	v48 =	vld.idx.msk [tilespmem:v1+s18+$0x60 ss:$0x1], $0xffff;
	[tilespmem:v1+s19+$0x50 ss:$0x1] =	vst.idx.msk $0xffff, v14;
	v8 =	vmul.f32 v42, v4  }
0x1d1: {  	v49 =	vld.idx.msk [tilespmem:v1+s19+$0x60 ss:$0x1], $0xffff;
	v13 =	vmul.f32 v43, v5;
	[tilespmem:v1+s28+$0x50 ss:$0x1] =	vst.idx.msk $0xffff, v16  }
0x1d2: {  	[tilespmem:v1+s29+$0x50 ss:$0x1] =	vst.idx.msk $0xffff, v8;
	v50 =	vld.idx.msk [tilespmem:v1+s28+$0x60 ss:$0x1], $0xffff;
	v15 =	vmul.f32 v45, v6  }
0x1d3: {  	v9 =	vmul.f32 v46, v10;
	[tilespmem:v1+s17+$0x50 ss:$0x1] =	vst.idx.msk $0xffff, v13;
	v51 =	vld.idx.msk [tilespmem:v1+s29+$0x60 ss:$0x1], $0xffff  }
0x1d4: {  	v7 =	vmul.f32 v47, v11;
	v52 =	vld.idx.msk [tilespmem:v1+s17+$0x60 ss:$0x1], $0xffff;
	[tilespmem:v1+s31+$0x50 ss:$0x1] =	vst.idx.msk $0xffff, v15  }
0x1d5: {  	[tilespmem:v1+s0+$0x60 ss:$0x1] =	vst.idx.msk $0xffff, v9;
	v53 =	vmul.f32 v48, v12;
	v54 =	vld.idx.msk [tilespmem:v1+s31+$0x60 ss:$0x1], $0xffff  }
0x1d6: {  	[tilespmem:v1+s16+$0x60 ss:$0x1] =	vst.idx.msk $0xffff, v7;
	v55 =	vld.idx.msk [tilespmem:v1+s0+$0x70 ss:$0x1], $0xffff;
	v16 =	vmul.f32 v49, v2  }
0x1d7: {  	v56 =	vld.idx.msk [tilespmem:v1+s16+$0x70 ss:$0x1], $0xffff;
	[tilespmem:v1+s18+$0x60 ss:$0x1] =	vst.idx.msk $0xffff, v53;
	v8 =	vmul.f32 v50, v3  }
0x1d8: {  	v57 =	vld.idx.msk [tilespmem:v1+s18+$0x70 ss:$0x1], $0xffff;
	[tilespmem:v1+s19+$0x60 ss:$0x1] =	vst.idx.msk $0xffff, v16;
	v13 =	vmul.f32 v51, v4  }
0x1d9: {  	v58 =	vld.idx.msk [tilespmem:v1+s19+$0x70 ss:$0x1], $0xffff;
	v15 =	vmul.f32 v52, v5;
	[tilespmem:v1+s28+$0x60 ss:$0x1] =	vst.idx.msk $0xffff, v8  }
0x1da: {  	[tilespmem:v1+s29+$0x60 ss:$0x1] =	vst.idx.msk $0xffff, v13;
	v59 =	vld.idx.msk [tilespmem:v1+s28+$0x70 ss:$0x1], $0xffff;
	v14 =	vmul.f32 v54, v6  }
0x1db: {  	v7 =	vmul.f32 v55, v10;
	[tilespmem:v1+s17+$0x60 ss:$0x1] =	vst.idx.msk $0xffff, v15;
	v60 =	vld.idx.msk [tilespmem:v1+s29+$0x70 ss:$0x1], $0xffff  }
0x1dc: {  	v9 =	vmul.f32 v56, v11;
	v61 =	vld.idx.msk [tilespmem:v1+s17+$0x70 ss:$0x1], $0xffff;
	[tilespmem:v1+s31+$0x60 ss:$0x1] =	vst.idx.msk $0xffff, v14  }
0x1dd: {  	[tilespmem:v1+s0+$0x70 ss:$0x1] =	vst.idx.msk $0xffff, v7;
	v62 =	vmul.f32 v57, v12;
	v63 =	vld.idx.msk [tilespmem:v1+s31+$0x70 ss:$0x1], $0xffff  }
0x1de: {  	[tilespmem:v1+s16+$0x70 ss:$0x1] =	vst.idx.msk $0xffff, v9;
	v2 =	vmul.f32 v58, v2  }
0x1df: {  	p2 =	slt.u32 s13, $0x40;
	[tilespmem:v1+s18+$0x70 ss:$0x1] =	vst.idx.msk $0xffff, v62;
	v3 =	vmul.f32 v59, v3  }
.Ltmp5:
0x1e0: {  	[tilespmem:v1+s19+$0x70 ss:$0x1] =	vst.idx.msk $0xffff, v2;
	v2 =	vmul.f32 v60, v4;
	(pc) =	sbr.rel @p2 .LBB2_5-.Ltmp5, $4  }
0x1e1: {  	[tilespmem:v1+s28+$0x70 ss:$0x1] =	vst.idx.msk $0xffff, v3;
	v3 =	vmul.f32 v61, v5  }
0x1e2: {  	[tilespmem:v1+s29+$0x70 ss:$0x1] =	vst.idx.msk $0xffff, v2;
	v2 =	vmul.f32 v63, v6  }
0x1e3: {  	[tilespmem:v1+s17+$0x70 ss:$0x1] =	vst.idx.msk $0xffff, v3  }
0x1e4: {  	s13 =	sadd.s32 $0x10, s13;
	[tilespmem:v1+s31+$0x70 ss:$0x1] =	vst.idx.msk $0xffff, v2  }
0x1e5: {  	s0 =	sor.u32 $0x400, s25;
	s2 =	sadd.s32 $0xD, s23;
	p2 =	slt.u32 s22, $0x2  }
0x1e6: {  	[spmem:s6] =	stream.indirect.scatter.add.f32 [tilespmem:s24], [sflag:s2], $0x80, s0, s15, $0x2000b8;
	[tilespmem:$0x1E480] =	vst v63  }
0x1e7: {  	p3 =	sgt.u32 @!p2 s22, $0x76  }
0x1e8: {  	p3 =	por p2, !p3  }
.Ltmp6:
0x1e9: {  	s0 =	sxor.u32 @!p2 $0x2, s23;
	(pc) =	sbr.rel @p3 .LBB2_7-.Ltmp6, $4  }
0x1ea: {  	s0 =	sadd.s32 @!p2 $0xD, s0  }
0x1eb: {  	_ =	swait.ge @!p2 [sflag:s0], $0x2800  }
0x1ec: {  	[sflag:s0] =	ssyncset.done @!p2 $0x0  }
0x1ed: {  	[sflag:s0] =	ssyncadd.s32 @!p2 $0xFFFFD800  }
0x1ee: {  	p2 =	sgt.u32 s22, $0x7A  }
.Ltmp7:
0x1ef: {  	_ = 	snop;
	(pc) =	sbr.rel @p2 .LBB2_10-.Ltmp7, $4  }
.Ltmp8:
0x1f0: {  	_ = 	snop;
	(pc) =	sbr.rel @!p2 .LBB2_9-.Ltmp8, $4  }
0x1f1: {  	_ = 	snop  }
0x1f2: {  	_ = 	snop  }
0x1f3: {  	_ = 	snop  }
0x1f4: {  	_ = 	snop  }
.LBB2_12:
0x1f5: {  	_ =	sfence.sel $0x180000  }
0x1f6: {  	[bflag:$0x0] =	sbarrier.arrive $0xFFFF  }
0x1f7: {  	_ =	strace $0x90000047  }
0x1f8: {  	s0 =	stileid.u32;
	[bflag:$0x2] =	sbarrier.arrive $0xFFFF  }
0x1f9: {  	p0 =	sne.s32 s0, $0x0;
	s0 =	rddreg [dreg:$0x5]  }
0x1fa: {  	s0 =	sadd.s32 @!p0 $0x100000, s0  }
0x1fb: {  	[sflag:s0] =	ssyncadd.tile.s32 @!p0 $0x1;
	_ =	shalt  }
.Lfunc_end2:
_tile_overlayer_lowered:
.L_overlay_start_2:
0x1fc: {  	(tag) =	ssettag $0x2  }
0x1fd: {  	s0 =	rddreg [dreg:$0x0];
	s2 =	stileid.u32  }
0x1fe: {  	s1 =	rddreg [dreg:$0x1];
	p0 =	sne.s32 s2, $0x0  }
0x1ff: {  	s3 =	rddreg [dreg:$0x2];
	[bflag:$0x3] =	sbarrier.arrive $0xFFFF;
	s2 =	simm.s32 @!p0 $0x1C12  }
0x200: {  	[timem:s3], [sflag:s2] =	dma.local @!p0 [hbm:s0], s1  }
0x201: {  	s0 =	simm.s32 @!p0 $0x12  }
0x202: {  	_ =	swait.ge @!p0 [sflag:s0], s1  }
0x203: {  	s1 =	ssub.s32 @!p0 $0x0, s1;
	[sflag:s0] =	ssyncset.done @!p0 $0x0  }
0x204: {  	[sflag:s0] =	ssyncadd.s32 @!p0 s1  }
0x205: {  	[bflag:$0x3] =	sbarrier.arrive $0xFFFF  }
0x206: {  	_ =	shalt  }

</sc_bundles>
